<compile_context>
chip_gen: v7x
topology: tpu7x:2x2x1
jax: 0.10.2.dev20260603
libtpu: 0.0.44.dev20260713+nightly
codegen_flags: <defaults>
</compile_context>

<pallas_src>
import jax
import jax.numpy as jnp
from jax import lax
from jax.experimental import pallas as pl
from jax.experimental.pallas import tpu as pltpu
from jax.experimental.pallas import tpu_sc as plsc

N = 10000
E = 320000
IN = 128
HID = 16
HEADS = 8
OUT = 16

NC = 2
NS = 16
NW = NC * NS
EPT = E // NW

CH1 = 80
NCH1 = EPT // CH1
CH2 = 400
NCH2 = EPT // CH2

_BLK = 400
_NB = N // _BLK


def _prep1_body(x_ref, w_ref, as_ref, ad_ref, h_ref, d_ref):
    h = jnp.dot(x_ref[...], w_ref[...], preferred_element_type=jnp.float32)
    s = jnp.dot(h, as_ref[...], preferred_element_type=jnp.float32)
    h_ref[...] = jnp.concatenate([h, s], axis=1)
    d_ref[...] = jnp.dot(h, ad_ref[...], preferred_element_type=jnp.float32)


def _prep1(x, W1, As, Ad):
    return pl.pallas_call(
        _prep1_body,
        grid=(_NB,),
        in_specs=[
            pl.BlockSpec((_BLK, IN), lambda i: (i, 0)),
            pl.BlockSpec((IN, IN), lambda i: (0, 0)),
            pl.BlockSpec((IN, 16), lambda i: (0, 0)),
            pl.BlockSpec((IN, 16), lambda i: (0, 0)),
        ],
        out_specs=[
            pl.BlockSpec((_BLK, IN + 16), lambda i: (i, 0)),
            pl.BlockSpec((_BLK, 16), lambda i: (i, 0)),
        ],
        out_shape=[
            jax.ShapeDtypeStruct((N, IN + 16), jnp.float32),
            jax.ShapeDtypeStruct((N, 16), jnp.float32),
        ],
    )(x, W1, As, Ad)


def _edge1_body(h_hbm, d_hbm, ei_hbm,
                acc0_hbm, acc1_hbm,
                idxE, idxO, D_E, D_O, H_E, H_O,
                acc_sh, semE, semO):
    c = lax.axis_index("c")
    s = lax.axis_index("s")
    gwid = c * NS + s
    ebase = gwid * EPT

    zero16 = jnp.zeros((16,), jnp.float32)

    def _zrow(r, carry):
        for j in range((IN + 16) // 16):
            H_E[r, pl.ds(j * 16, 16)] = zero16
        return carry

    lax.fori_loop(0, CH1, _zrow, 0)

    nchunks = N // CH1
    for k in range((nchunks + NS - 1) // NS):
        ck = k * NS + s

        @pl.when(ck < nchunks)
        def _():
            r0 = pl.multiple_of(ck * CH1, 8)
            pltpu.sync_copy(H_E, acc_sh.at[pl.ds(r0, CH1)])

    pltpu.sync_copy(ei_hbm.at[:, pl.ds(pl.multiple_of(ebase, 8), CH1)], idxE)
    pltpu.async_copy(h_hbm.at[idxE.at[0]], H_E, semE)
    pltpu.async_copy(d_hbm.at[idxE.at[1]], D_E, semE)
    pltpu.sync_copy(ei_hbm.at[:, pl.ds(pl.multiple_of(ebase + CH1, 8), CH1)], idxO)

    plsc.subcore_barrier()

    def _do(k, idxP, D_P, H_P, semP, idxQ, D_Q, H_Q, semQ):
        @pl.when(k + 1 < NCH1)
        def _():
            pltpu.async_copy(h_hbm.at[idxQ.at[0]], H_Q, semQ)
            pltpu.async_copy(d_hbm.at[idxQ.at[1]], D_Q, semQ)

        pltpu.make_async_copy(h_hbm.at[idxP.at[0]], H_P, semP).wait()
        pltpu.make_async_copy(d_hbm.at[idxP.at[1]], D_P, semP).wait()

        @plsc.parallel_loop(0, CH1, unroll=2)
        def _edge(e):
            a = H_P[e, pl.ds(IN, 16)] + D_P[e, :]
            a = jnp.where(a >= 0.0, a, 0.2 * a)
            w = jnp.exp(a)
            H_P[e, pl.ds(IN, 16)] = w
            for hh in range(HEADS):
                H_P[e, pl.ds(hh * HID, HID)] = H_P[e, pl.ds(hh * HID, HID)] * w[hh]

        pltpu.sync_copy(H_P, acc_sh.at[idxP.at[1]], add=True)

        @pl.when(k + 2 < NCH1)
        def _():
            off = pl.multiple_of(ebase + (k + 2) * CH1, 8)
            pltpu.sync_copy(ei_hbm.at[:, pl.ds(off, CH1)], idxP)

    def _chunk(k, carry):
        @pl.when(lax.rem(k, 2) == 0)
        def _():
            _do(k, idxE, D_E, H_E, semE, idxO, D_O, H_O, semO)

        @pl.when(lax.rem(k, 2) == 1)
        def _():
            _do(k, idxO, D_O, H_O, semO, idxE, D_E, H_E, semE)

        return carry

    lax.fori_loop(0, NCH1, _chunk, 0)

    plsc.subcore_barrier()

    for k in range((nchunks + NS - 1) // NS):
        ck = k * NS + s

        @pl.when(ck < nchunks)
        def _():
            r0 = pl.multiple_of(ck * CH1, 8)

            @pl.when(c == 0)
            def _():
                pltpu.sync_copy(acc_sh.at[pl.ds(r0, CH1)], acc0_hbm.at[pl.ds(r0, CH1)])

            @pl.when(c == 1)
            def _():
                pltpu.sync_copy(acc_sh.at[pl.ds(r0, CH1)], acc1_hbm.at[pl.ds(r0, CH1)])


def _edge1(htab, tabD, ei):
    f = pl.kernel(
        _edge1_body,
        out_type=(
            jax.ShapeDtypeStruct((N, IN + 16), jnp.float32),
            jax.ShapeDtypeStruct((N, IN + 16), jnp.float32),
        ),
        mesh=plsc.VectorSubcoreMesh(
            core_axis_name="c", subcore_axis_name="s",
            num_cores=NC, num_subcores=NS),
        scratch_types=[
            pltpu.VMEM((2, CH1), jnp.int32),
            pltpu.VMEM((2, CH1), jnp.int32),
            pltpu.VMEM((CH1, 16), jnp.float32),
            pltpu.VMEM((CH1, 16), jnp.float32),
            pltpu.VMEM((CH1, IN + 16), jnp.float32),
            pltpu.VMEM((CH1, IN + 16), jnp.float32),
            pltpu.VMEM_SHARED((N, IN + 16), jnp.float32),
            pltpu.SemaphoreType.DMA,
            pltpu.SemaphoreType.DMA,
        ],
        compiler_params=pltpu.CompilerParams(use_tc_tiling_on_sc=False),
    )
    return f(htab, tabD, ei)


def _node2_body(a0, a1, B, b1r, W2r, M2s, M2d, emb_ref, t2s_ref, t2d_ref):
    acc = a0[...] + a1[...]
    num = acc[:, :IN]
    den = acc[:, IN:]
    den128 = jnp.dot(den, B[...], preferred_element_type=jnp.float32)
    o1 = num / (den128 + 1e-16) + b1r[...]
    emb = jnp.where(o1 > 0.0, o1, jnp.exp(o1) - 1.0)
    emb_ref[...] = emb
    h2 = jnp.dot(emb, W2r[...], preferred_element_type=jnp.float32)
    t2s_ref[...] = jnp.dot(h2, M2s[...], preferred_element_type=jnp.float32)
    t2d_ref[...] = jnp.dot(h2, M2d[...], preferred_element_type=jnp.float32)


def _node2(acc0, acc1, B, b1r, W2, M2s, M2d):
    return pl.pallas_call(
        _node2_body,
        grid=(_NB,),
        in_specs=[
            pl.BlockSpec((_BLK, IN + 16), lambda i: (i, 0)),
            pl.BlockSpec((_BLK, IN + 16), lambda i: (i, 0)),
            pl.BlockSpec((16, IN), lambda i: (0, 0)),
            pl.BlockSpec((1, IN), lambda i: (0, 0)),
            pl.BlockSpec((IN, 16), lambda i: (0, 0)),
            pl.BlockSpec((16, 32), lambda i: (0, 0)),
            pl.BlockSpec((16, 16), lambda i: (0, 0)),
        ],
        out_specs=[
            pl.BlockSpec((_BLK, IN), lambda i: (i, 0)),
            pl.BlockSpec((_BLK, 32), lambda i: (i, 0)),
            pl.BlockSpec((_BLK, 16), lambda i: (i, 0)),
        ],
        out_shape=[
            jax.ShapeDtypeStruct((N, IN), jnp.float32),
            jax.ShapeDtypeStruct((N, 32), jnp.float32),
            jax.ShapeDtypeStruct((N, 16), jnp.float32),
        ],
    )(acc0, acc1, B, b1r, W2, M2s, M2d)


def _edge2_body(s_hbm, d_hbm, ei_hbm,
                acc0_hbm, acc1_hbm,
                idxE, idxO, S_E, S_O, D_E, D_O, M_E, M_O,
                acc_sh, semE, semO):
    c = lax.axis_index("c")
    s = lax.axis_index("s")
    gwid = c * NS + s
    ebase = gwid * EPT

    zero16 = jnp.zeros((16,), jnp.float32)

    def _zrow(r, carry):
        M_E[r, pl.ds(0, 16)] = zero16
        M_E[r, pl.ds(16, 16)] = zero16
        return carry

    lax.fori_loop(0, CH2, _zrow, 0)

    nchunks = N // CH2
    for k in range((nchunks + NS - 1) // NS):
        ck = k * NS + s

        @pl.when(ck < nchunks)
        def _():
            r0 = pl.multiple_of(ck * CH2, 8)
            pltpu.sync_copy(M_E, acc_sh.at[pl.ds(r0, CH2)])

    pltpu.sync_copy(ei_hbm.at[:, pl.ds(pl.multiple_of(ebase, 8), CH2)], idxE)
    pltpu.async_copy(s_hbm.at[idxE.at[0]], S_E, semE)
    pltpu.async_copy(d_hbm.at[idxE.at[1]], D_E, semE)
    pltpu.sync_copy(ei_hbm.at[:, pl.ds(pl.multiple_of(ebase + CH2, 8), CH2)], idxO)

    plsc.subcore_barrier()

    def _do(k, idxP, S_P, D_P, M_P, semP, idxQ, S_Q, D_Q, semQ):
        @pl.when(k + 1 < NCH2)
        def _():
            pltpu.async_copy(s_hbm.at[idxQ.at[0]], S_Q, semQ)
            pltpu.async_copy(d_hbm.at[idxQ.at[1]], D_Q, semQ)

        pltpu.make_async_copy(s_hbm.at[idxP.at[0]], S_P, semP).wait()
        pltpu.make_async_copy(d_hbm.at[idxP.at[1]], D_P, semP).wait()

        @plsc.parallel_loop(0, CH2, unroll=4)
        def _edge(e):
            a = S_P[e, pl.ds(16, 16)] + D_P[e, :]
            a = jnp.where(a >= 0.0, a, 0.2 * a)
            w = jnp.exp(a)
            M_P[e, pl.ds(0, 16)] = S_P[e, pl.ds(0, 16)] * w
            M_P[e, pl.ds(16, 16)] = w

        pltpu.sync_copy(M_P, acc_sh.at[idxP.at[1]], add=True)

        @pl.when(k + 2 < NCH2)
        def _():
            off = pl.multiple_of(ebase + (k + 2) * CH2, 8)
            pltpu.sync_copy(ei_hbm.at[:, pl.ds(off, CH2)], idxP)

    def _chunk(k, carry):
        @pl.when(lax.rem(k, 2) == 0)
        def _():
            _do(k, idxE, S_E, D_E, M_E, semE, idxO, S_O, D_O, semO)

        @pl.when(lax.rem(k, 2) == 1)
        def _():
            _do(k, idxO, S_O, D_O, M_O, semO, idxE, S_E, D_E, semE)

        return carry

    lax.fori_loop(0, NCH2, _chunk, 0)

    plsc.subcore_barrier()

    for k in range((nchunks + NS - 1) // NS):
        ck = k * NS + s

        @pl.when(ck < nchunks)
        def _():
            r0 = pl.multiple_of(ck * CH2, 8)

            @pl.when(c == 0)
            def _():
                pltpu.sync_copy(acc_sh.at[pl.ds(r0, CH2)], acc0_hbm.at[pl.ds(r0, CH2)])

            @pl.when(c == 1)
            def _():
                pltpu.sync_copy(acc_sh.at[pl.ds(r0, CH2)], acc1_hbm.at[pl.ds(r0, CH2)])


def _edge2(t2s, t2d, ei):
    f = pl.kernel(
        _edge2_body,
        out_type=(
            jax.ShapeDtypeStruct((N, 32), jnp.float32),
            jax.ShapeDtypeStruct((N, 32), jnp.float32),
        ),
        mesh=plsc.VectorSubcoreMesh(
            core_axis_name="c", subcore_axis_name="s",
            num_cores=NC, num_subcores=NS),
        scratch_types=[
            pltpu.VMEM((2, CH2), jnp.int32),
            pltpu.VMEM((2, CH2), jnp.int32),
            pltpu.VMEM((CH2, 32), jnp.float32),
            pltpu.VMEM((CH2, 32), jnp.float32),
            pltpu.VMEM((CH2, 16), jnp.float32),
            pltpu.VMEM((CH2, 16), jnp.float32),
            pltpu.VMEM((CH2, 32), jnp.float32),
            pltpu.VMEM((CH2, 32), jnp.float32),
            pltpu.VMEM_SHARED((N, 32), jnp.float32),
            pltpu.SemaphoreType.DMA,
            pltpu.SemaphoreType.DMA,
        ],
        compiler_params=pltpu.CompilerParams(use_tc_tiling_on_sc=False),
    )
    return f(t2s, t2d, ei)


def _final_body(a0, a1, b2r, out_ref):
    acc = a0[...] + a1[...]
    num = acc[:, :16]
    den = acc[:, 16:]
    z = num / (den + 1e-16) + b2r[...]
    m = jnp.max(z, axis=1, keepdims=True)
    zz = z - m
    out_ref[...] = zz - jnp.log(jnp.sum(jnp.exp(zz), axis=1, keepdims=True))


def _final(a0, a1, b2r):
    return pl.pallas_call(
        _final_body,
        grid=(_NB,),
        in_specs=[
            pl.BlockSpec((_BLK, 32), lambda i: (i, 0)),
            pl.BlockSpec((_BLK, 32), lambda i: (i, 0)),
            pl.BlockSpec((1, 16), lambda i: (0, 0)),
        ],
        out_specs=pl.BlockSpec((_BLK, 16), lambda i: (i, 0)),
        out_shape=jax.ShapeDtypeStruct((N, 16), jnp.float32),
    )(a0, a1, b2r)


def kernel(x, edge_index, W1, att_src1, att_dst1, b1, W2, att_src2, att_dst2, b2):
    eye8 = jnp.eye(HEADS, dtype=jnp.float32)
    Ah_s = (att_src1[:, :, None] * eye8[:, None, :]).reshape(HEADS * HID, HEADS)
    Ah_d = (att_dst1[:, :, None] * eye8[:, None, :]).reshape(HEADS * HID, HEADS)
    As = jnp.concatenate([Ah_s, Ah_s], axis=1)
    Ad = jnp.concatenate([Ah_d, Ah_d], axis=1)
    hidx = jnp.arange(IN, dtype=jnp.int32) // HID
    B = (jnp.arange(16)[:, None] == hidx[None, :]).astype(jnp.float32)
    M2s = jnp.concatenate(
        [jnp.eye(16, dtype=jnp.float32),
         jnp.broadcast_to(att_src2[0][:, None], (16, 16))], axis=1)
    M2d = jnp.broadcast_to(att_dst2[0][:, None], (16, 16))

    htab, tabD = _prep1(x, W1, As, Ad)
    acc0, acc1 = _edge1(htab, tabD, edge_index)
    emb, t2s, t2d = _node2(acc0, acc1, B, b1.reshape(1, IN), W2, M2s, M2d)
    a20, a21 = _edge2(t2s, t2d, edge_index)
    out = _final(a20, a21, b2.reshape(1, 16))
    return out, emb

# --- scband reference (transcript-rebuilt; emitter-appended) ---
"""Pipeline reference for scband-gatnet-26379689132135 (READ-ONLY COPY).

The authoritative reference and input builder live on the scoring server;
editing this copy changes nothing except your own understanding.
"""

import jax, jax.numpy as jnp
import numpy as np

N = 10000
E = 320000
IN = 128
HID = 16
HEADS = 8
OUT = 16


def setup_inputs(seed: int = 0) -> dict:
    key = jax.random.key(seed)
    ks = jax.random.split(key, 12)
    x = jax.random.normal(ks[0], (N, IN), dtype=jnp.float32)
    edge_index = jax.random.randint(ks[1], (2, E), 0, N, dtype=jnp.int32)
    W1 = jax.random.normal(ks[2], (IN, HEADS * HID), dtype=jnp.float32) * 0.1
    att_src1 = jax.random.normal(ks[3], (HEADS, HID), dtype=jnp.float32) * 0.1
    att_dst1 = jax.random.normal(ks[4], (HEADS, HID), dtype=jnp.float32) * 0.1
    b1 = jnp.zeros((HEADS * HID,), dtype=jnp.float32)
    W2 = jax.random.normal(ks[5], (HEADS * HID, OUT), dtype=jnp.float32) * 0.1
    att_src2 = jax.random.normal(ks[6], (1, OUT), dtype=jnp.float32) * 0.1
    att_dst2 = jax.random.normal(ks[7], (1, OUT), dtype=jnp.float32) * 0.1
    b2 = jnp.zeros((OUT,), dtype=jnp.float32)
    return {"x": x, "edge_index": edge_index, "W1": W1, "att_src1": att_src1,
            "att_dst1": att_dst1, "b1": b1, "W2": W2, "att_src2": att_src2,
            "att_dst2": att_dst2, "b2": b2}


def _gat_conv(x, edge_index, W, att_src, att_dst, bias, heads, out_ch, concat):
    n = x.shape[0]
    src = edge_index[0]
    dst = edge_index[1]
    h = (x @ W).reshape(n, heads, out_ch)
    alpha_src = (h * att_src[None, :, :]).sum(-1)  # [N, heads]
    alpha_dst = (h * att_dst[None, :, :]).sum(-1)  # [N, heads]
    alpha = alpha_src[src] + alpha_dst[dst]        # [E, heads] (gather)
    alpha = jax.nn.leaky_relu(alpha, 0.2)
    amax = jax.ops.segment_max(alpha, dst, num_segments=n)
    amax = jnp.where(jnp.isfinite(amax), amax, 0.0)
    ealpha = jnp.exp(alpha - amax[dst])
    denom = jax.ops.segment_sum(ealpha, dst, num_segments=n)
    attn = ealpha / (denom[dst] + 1e-16)
    msg = h[src] * attn[:, :, None]                # [E, heads, out_ch]
    out = jax.ops.segment_sum(msg, dst, num_segments=n)
    if concat:
        out = out.reshape(n, heads * out_ch)
    else:
        out = out.mean(axis=1)
    return out + bias


def reference(x, edge_index, W1, att_src1, att_dst1, b1, W2, att_src2, att_dst2, b2):
    h = _gat_conv(x, edge_index, W1, att_src1, att_dst1, b1, HEADS, HID, True)
    h = jax.nn.elu(h)
    embeddings = h
    out = _gat_conv(h, edge_index, W2, att_src2, att_dst2, b2, 1, OUT, False)
    return (jax.nn.log_softmax(out, axis=1), embeddings)

if __name__ == "__main__":
    import jax
    _d = setup_inputs()
    print(jax.jit(kernel)(*tuple(_d.values())))

</pallas_src>

<mosaic_0001>
#map = affine_map<(d0, d1) -> (0, 0)>
module attributes {stable_mosaic.version = 14 : i64} {
  func.func @_edge1_body(%arg0: i32, %arg1: i32, %arg2: memref<10000x144xf32, #tpu.memory_space<hbm>>, %arg3: memref<10000x16xf32, #tpu.memory_space<hbm>>, %arg4: memref<2x320000xi32, #tpu.memory_space<hbm>>, %arg5: memref<10000x144xf32, #tpu.memory_space<hbm>>, %arg6: memref<10000x144xf32, #tpu.memory_space<hbm>>, %arg7: memref<2x80xi32, #tpu.memory_space<vmem>>, %arg8: memref<2x80xi32, #tpu.memory_space<vmem>>, %arg9: memref<80x16xf32, #tpu.memory_space<vmem>>, %arg10: memref<80x16xf32, #tpu.memory_space<vmem>>, %arg11: memref<80x144xf32, #tpu.memory_space<vmem>>, %arg12: memref<80x144xf32, #tpu.memory_space<vmem>>, %arg13: memref<10000x144xf32, #tpu.memory_space<vmem_shared>>, %arg14: memref<!tpu.dma_semaphore, #tpu.memory_space<semaphore_mem>>, %arg15: memref<!tpu.dma_semaphore, #tpu.memory_space<semaphore_mem>>) attributes {dimension_semantics = [#tpu.dimension_semantics<core_parallel>, #tpu.dimension_semantics<subcore_parallel>], iteration_bounds = array<i64: 2, 16>, scalar_prefetch = 0 : i64, scratch_operands = 9 : i64, tpu.core_type = #tpu.core_type<sc_vector_subcore>, window_params = [{transform_indices = #map}, {transform_indices = #map}, {transform_indices = #map}, {transform_indices = #map}, {transform_indices = #map}]} {
    %mul3A = arith.constant 16 : i32
    %mul3A_0 = arith.muli %arg0, %mul3A : i32
    %add3A = arith.addi %mul3A_0, %arg1 : i32
    %mul3A_1 = arith.constant 10000 : i32
    %mul3A_2 = arith.muli %add3A, %mul3A_1 : i32
    %broadcast_in_dim3A = arith.constant 0.000000e+00 : f32
    %broadcast_in_dim3A_3 = vector.broadcast %broadcast_in_dim3A : f32 to vector<16xf32>
    %scan3A = arith.constant 0 : i32
    %scan3A_4 = arith.constant 0 : i32
    %scan3A_5 = arith.constant 80 : i32
    %scan3A_6 = arith.addi %scan3A_4, %scan3A_5 : i32
    %scan3A_7 = arith.constant 1 : i32
    scf.for %scan3A_141 = %scan3A_4 to %scan3A_6 step %scan3A_7  : i32 {
      %swap3A = arith.index_cast %scan3A_141 : i32 to index
      %swap3A_142 = arith.constant 0 : index
      %swap3A_143 = tpu.vector_load %arg11[%swap3A, %swap3A_142] {strides = array<i32>} : memref<80x144xf32, #tpu.memory_space<vmem>>, vector<1x16xf32>,
      %swap3A_144 = vector.shape_cast %swap3A_143 : vector<1x16xf32> to vector<16xf32>
      %swap3A_145 = vector.shape_cast %broadcast_in_dim3A_3 : vector<16xf32> to vector<1x16xf32>
      tpu.vector_store %arg11[%swap3A, %swap3A_142], %swap3A_145 {strides = array<i32>} : memref<80x144xf32, #tpu.memory_space<vmem>>, vector<1x16xf32>,
      %swap3A_146 = arith.index_cast %scan3A_141 : i32 to index
      %swap3A_147 = arith.constant 16 : index
      %swap3A_148 = tpu.vector_load %arg11[%swap3A_146, %swap3A_147] {strides = array<i32>} : memref<80x144xf32, #tpu.memory_space<vmem>>, vector<1x16xf32>,
      %swap3A_149 = vector.shape_cast %swap3A_148 : vector<1x16xf32> to vector<16xf32>
      %swap3A_150 = vector.shape_cast %broadcast_in_dim3A_3 : vector<16xf32> to vector<1x16xf32>
      tpu.vector_store %arg11[%swap3A_146, %swap3A_147], %swap3A_150 {strides = array<i32>} : memref<80x144xf32, #tpu.memory_space<vmem>>, vector<1x16xf32>,
      %swap3A_151 = arith.index_cast %scan3A_141 : i32 to index
      %swap3A_152 = arith.constant 32 : index
      %swap3A_153 = tpu.vector_load %arg11[%swap3A_151, %swap3A_152] {strides = array<i32>} : memref<80x144xf32, #tpu.memory_space<vmem>>, vector<1x16xf32>,
      %swap3A_154 = vector.shape_cast %swap3A_153 : vector<1x16xf32> to vector<16xf32>
      %swap3A_155 = vector.shape_cast %broadcast_in_dim3A_3 : vector<16xf32> to vector<1x16xf32>
      tpu.vector_store %arg11[%swap3A_151, %swap3A_152], %swap3A_155 {strides = array<i32>} : memref<80x144xf32, #tpu.memory_space<vmem>>, vector<1x16xf32>,
      %swap3A_156 = arith.index_cast %scan3A_141 : i32 to index
      %swap3A_157 = arith.constant 48 : index
      %swap3A_158 = tpu.vector_load %arg11[%swap3A_156, %swap3A_157] {strides = array<i32>} : memref<80x144xf32, #tpu.memory_space<vmem>>, vector<1x16xf32>,
      %swap3A_159 = vector.shape_cast %swap3A_158 : vector<1x16xf32> to vector<16xf32>
      %swap3A_160 = vector.shape_cast %broadcast_in_dim3A_3 : vector<16xf32> to vector<1x16xf32>
      tpu.vector_store %arg11[%swap3A_156, %swap3A_157], %swap3A_160 {strides = array<i32>} : memref<80x144xf32, #tpu.memory_space<vmem>>, vector<1x16xf32>,
      %swap3A_161 = arith.index_cast %scan3A_141 : i32 to index
      %swap3A_162 = arith.constant 64 : index
      %swap3A_163 = tpu.vector_load %arg11[%swap3A_161, %swap3A_162] {strides = array<i32>} : memref<80x144xf32, #tpu.memory_space<vmem>>, vector<1x16xf32>,
      %swap3A_164 = vector.shape_cast %swap3A_163 : vector<1x16xf32> to vector<16xf32>
      %swap3A_165 = vector.shape_cast %broadcast_in_dim3A_3 : vector<16xf32> to vector<1x16xf32>
      tpu.vector_store %arg11[%swap3A_161, %swap3A_162], %swap3A_165 {strides = array<i32>} : memref<80x144xf32, #tpu.memory_space<vmem>>, vector<1x16xf32>,
      %swap3A_166 = arith.index_cast %scan3A_141 : i32 to index
      %swap3A_167 = arith.constant 80 : index
      %swap3A_168 = tpu.vector_load %arg11[%swap3A_166, %swap3A_167] {strides = array<i32>} : memref<80x144xf32, #tpu.memory_space<vmem>>, vector<1x16xf32>,
      %swap3A_169 = vector.shape_cast %swap3A_168 : vector<1x16xf32> to vector<16xf32>
      %swap3A_170 = vector.shape_cast %broadcast_in_dim3A_3 : vector<16xf32> to vector<1x16xf32>
      tpu.vector_store %arg11[%swap3A_166, %swap3A_167], %swap3A_170 {strides = array<i32>} : memref<80x144xf32, #tpu.memory_space<vmem>>, vector<1x16xf32>,
      %swap3A_171 = arith.index_cast %scan3A_141 : i32 to index
      %swap3A_172 = arith.constant 96 : index
      %swap3A_173 = tpu.vector_load %arg11[%swap3A_171, %swap3A_172] {strides = array<i32>} : memref<80x144xf32, #tpu.memory_space<vmem>>, vector<1x16xf32>,
      %swap3A_174 = vector.shape_cast %swap3A_173 : vector<1x16xf32> to vector<16xf32>
      %swap3A_175 = vector.shape_cast %broadcast_in_dim3A_3 : vector<16xf32> to vector<1x16xf32>
      tpu.vector_store %arg11[%swap3A_171, %swap3A_172], %swap3A_175 {strides = array<i32>} : memref<80x144xf32, #tpu.memory_space<vmem>>, vector<1x16xf32>,
      %swap3A_176 = arith.index_cast %scan3A_141 : i32 to index
      %swap3A_177 = arith.constant 112 : index
      %swap3A_178 = tpu.vector_load %arg11[%swap3A_176, %swap3A_177] {strides = array<i32>} : memref<80x144xf32, #tpu.memory_space<vmem>>, vector<1x16xf32>,
      %swap3A_179 = vector.shape_cast %swap3A_178 : vector<1x16xf32> to vector<16xf32>
      %swap3A_180 = vector.shape_cast %broadcast_in_dim3A_3 : vector<16xf32> to vector<1x16xf32>
      tpu.vector_store %arg11[%swap3A_176, %swap3A_177], %swap3A_180 {strides = array<i32>} : memref<80x144xf32, #tpu.memory_space<vmem>>, vector<1x16xf32>,
      %swap3A_181 = arith.index_cast %scan3A_141 : i32 to index
      %swap3A_182 = arith.constant 128 : index
      %swap3A_183 = tpu.vector_load %arg11[%swap3A_181, %swap3A_182] {strides = array<i32>} : memref<80x144xf32, #tpu.memory_space<vmem>>, vector<1x16xf32>,
      %swap3A_184 = vector.shape_cast %swap3A_183 : vector<1x16xf32> to vector<16xf32>
      %swap3A_185 = vector.shape_cast %broadcast_in_dim3A_3 : vector<16xf32> to vector<1x16xf32>
      tpu.vector_store %arg11[%swap3A_181, %swap3A_182], %swap3A_185 {strides = array<i32>} : memref<80x144xf32, #tpu.memory_space<vmem>>, vector<1x16xf32>,
    }
    %scan3A_8 = arith.constant 80 : i32
    %add3A_9 = arith.constant 0 : i32
    %add3A_10 = arith.addi %add3A_9, %arg1 : i32
    %lt3A = arith.constant 125 : i32
    %lt3A_11 = arith.cmpi slt, %add3A_10, %lt3A : i32
    %convert_element_type3A = arith.extui %lt3A_11 : i1 to i32
    %cond3A = arith.constant 0 : i32
    %cond3A_12 = arith.cmpi ne, %convert_element_type3A, %cond3A : i32
    scf.if %cond3A_12 {
      %mul3A_141 = arith.constant 80 : i32
      %mul3A_142 = arith.muli %add3A_10, %mul3A_141 : i32
      %multiple_of3A_143 = tpu.assume_multiple %mul3A_142, 8 : i32
      "tpu.region"() ({
        %run_scoped3A = tpu.sem_alloc : memref<!tpu.dma_semaphore, #tpu.memory_space<semaphore_mem>>
        %dma_start3A_144 = arith.constant 0 : i32
        %dma_start3A_145 = tpu.memref_slice %arg13[%multiple_of3A_143, %dma_start3A_144] : memref<10000x144xf32, #tpu.memory_space<vmem_shared>> -> memref<80x144xf32, #tpu.memory_space<vmem_shared>>
        %dma_start3A_146 = arith.constant 0 : i32
        %dma_start3A_147 = tpu.memref_slice %arg13[%multiple_of3A_143, %dma_start3A_146] : memref<10000x144xf32, #tpu.memory_space<vmem_shared>> -> memref<80x144xf32, #tpu.memory_space<vmem_shared>>
        tpu.enqueue_dma source(%arg11 : memref<80x144xf32, #tpu.memory_space<vmem>>) target(%dma_start3A_147 : memref<80x144xf32, #tpu.memory_space<vmem_shared>>) target_semaphore(%run_scoped3A : memref<!tpu.dma_semaphore, #tpu.memory_space<semaphore_mem>>)
        %dma_wait3A = arith.constant 0 : i32
        %dma_wait3A_148 = tpu.memref_slice %arg13[%multiple_of3A_143, %dma_wait3A] : memref<10000x144xf32, #tpu.memory_space<vmem_shared>> -> memref<80x144xf32, #tpu.memory_space<vmem_shared>>
        %dma_wait3A_149 = arith.constant 0 : i32
        %dma_wait3A_150 = tpu.memref_slice %arg13[%multiple_of3A_143, %dma_wait3A_149] : memref<10000x144xf32, #tpu.memory_space<vmem_shared>> -> memref<80x144xf32, #tpu.memory_space<vmem_shared>>
        tpu.wait_dma2 semaphore(%run_scoped3A : memref<!tpu.dma_semaphore, #tpu.memory_space<semaphore_mem>>) src(%arg11 : memref<80x144xf32, #tpu.memory_space<vmem>>) dst(%dma_wait3A_150 : memref<80x144xf32, #tpu.memory_space<vmem_shared>>)
        tpu.yield
      }) : () -> ()
    } else {
    }
    %add3A_13 = arith.constant 16 : i32
    %add3A_14 = arith.addi %add3A_13, %arg1 : i32
    %lt3A_15 = arith.constant 125 : i32
    %lt3A_16 = arith.cmpi slt, %add3A_14, %lt3A_15 : i32
    %convert_element_type3A_17 = arith.extui %lt3A_16 : i1 to i32
    %cond3A_18 = arith.constant 0 : i32
    %cond3A_19 = arith.cmpi ne, %convert_element_type3A_17, %cond3A_18 : i32
    scf.if %cond3A_19 {
      %mul3A_141 = arith.constant 80 : i32
      %mul3A_142 = arith.muli %add3A_14, %mul3A_141 : i32
      %multiple_of3A_143 = tpu.assume_multiple %mul3A_142, 8 : i32
      "tpu.region"() ({
        %run_scoped3A = tpu.sem_alloc : memref<!tpu.dma_semaphore, #tpu.memory_space<semaphore_mem>>
        %dma_start3A_144 = arith.constant 0 : i32
        %dma_start3A_145 = tpu.memref_slice %arg13[%multiple_of3A_143, %dma_start3A_144] : memref<10000x144xf32, #tpu.memory_space<vmem_shared>> -> memref<80x144xf32, #tpu.memory_space<vmem_shared>>
        %dma_start3A_146 = arith.constant 0 : i32
        %dma_start3A_147 = tpu.memref_slice %arg13[%multiple_of3A_143, %dma_start3A_146] : memref<10000x144xf32, #tpu.memory_space<vmem_shared>> -> memref<80x144xf32, #tpu.memory_space<vmem_shared>>
        tpu.enqueue_dma source(%arg11 : memref<80x144xf32, #tpu.memory_space<vmem>>) target(%dma_start3A_147 : memref<80x144xf32, #tpu.memory_space<vmem_shared>>) target_semaphore(%run_scoped3A : memref<!tpu.dma_semaphore, #tpu.memory_space<semaphore_mem>>)
        %dma_wait3A = arith.constant 0 : i32
        %dma_wait3A_148 = tpu.memref_slice %arg13[%multiple_of3A_143, %dma_wait3A] : memref<10000x144xf32, #tpu.memory_space<vmem_shared>> -> memref<80x144xf32, #tpu.memory_space<vmem_shared>>
        %dma_wait3A_149 = arith.constant 0 : i32
        %dma_wait3A_150 = tpu.memref_slice %arg13[%multiple_of3A_143, %dma_wait3A_149] : memref<10000x144xf32, #tpu.memory_space<vmem_shared>> -> memref<80x144xf32, #tpu.memory_space<vmem_shared>>
        tpu.wait_dma2 semaphore(%run_scoped3A : memref<!tpu.dma_semaphore, #tpu.memory_space<semaphore_mem>>) src(%arg11 : memref<80x144xf32, #tpu.memory_space<vmem>>) dst(%dma_wait3A_150 : memref<80x144xf32, #tpu.memory_space<vmem_shared>>)
        tpu.yield
      }) : () -> ()
    } else {
    }
    %add3A_20 = arith.constant 32 : i32
    %add3A_21 = arith.addi %add3A_20, %arg1 : i32
    %lt3A_22 = arith.constant 125 : i32
    %lt3A_23 = arith.cmpi slt, %add3A_21, %lt3A_22 : i32
    %convert_element_type3A_24 = arith.extui %lt3A_23 : i1 to i32
    %cond3A_25 = arith.constant 0 : i32
    %cond3A_26 = arith.cmpi ne, %convert_element_type3A_24, %cond3A_25 : i32
    scf.if %cond3A_26 {
      %mul3A_141 = arith.constant 80 : i32
      %mul3A_142 = arith.muli %add3A_21, %mul3A_141 : i32
      %multiple_of3A_143 = tpu.assume_multiple %mul3A_142, 8 : i32
      "tpu.region"() ({
        %run_scoped3A = tpu.sem_alloc : memref<!tpu.dma_semaphore, #tpu.memory_space<semaphore_mem>>
        %dma_start3A_144 = arith.constant 0 : i32
        %dma_start3A_145 = tpu.memref_slice %arg13[%multiple_of3A_143, %dma_start3A_144] : memref<10000x144xf32, #tpu.memory_space<vmem_shared>> -> memref<80x144xf32, #tpu.memory_space<vmem_shared>>
        %dma_start3A_146 = arith.constant 0 : i32
        %dma_start3A_147 = tpu.memref_slice %arg13[%multiple_of3A_143, %dma_start3A_146] : memref<10000x144xf32, #tpu.memory_space<vmem_shared>> -> memref<80x144xf32, #tpu.memory_space<vmem_shared>>
        tpu.enqueue_dma source(%arg11 : memref<80x144xf32, #tpu.memory_space<vmem>>) target(%dma_start3A_147 : memref<80x144xf32, #tpu.memory_space<vmem_shared>>) target_semaphore(%run_scoped3A : memref<!tpu.dma_semaphore, #tpu.memory_space<semaphore_mem>>)
        %dma_wait3A = arith.constant 0 : i32
        %dma_wait3A_148 = tpu.memref_slice %arg13[%multiple_of3A_143, %dma_wait3A] : memref<10000x144xf32, #tpu.memory_space<vmem_shared>> -> memref<80x144xf32, #tpu.memory_space<vmem_shared>>
        %dma_wait3A_149 = arith.constant 0 : i32
        %dma_wait3A_150 = tpu.memref_slice %arg13[%multiple_of3A_143, %dma_wait3A_149] : memref<10000x144xf32, #tpu.memory_space<vmem_shared>> -> memref<80x144xf32, #tpu.memory_space<vmem_shared>>
        tpu.wait_dma2 semaphore(%run_scoped3A : memref<!tpu.dma_semaphore, #tpu.memory_space<semaphore_mem>>) src(%arg11 : memref<80x144xf32, #tpu.memory_space<vmem>>) dst(%dma_wait3A_150 : memref<80x144xf32, #tpu.memory_space<vmem_shared>>)
        tpu.yield
      }) : () -> ()
    } else {
    }
    %add3A_27 = arith.constant 48 : i32
    %add3A_28 = arith.addi %add3A_27, %arg1 : i32
    %lt3A_29 = arith.constant 125 : i32
    %lt3A_30 = arith.cmpi slt, %add3A_28, %lt3A_29 : i32
    %convert_element_type3A_31 = arith.extui %lt3A_30 : i1 to i32
    %cond3A_32 = arith.constant 0 : i32
    %cond3A_33 = arith.cmpi ne, %convert_element_type3A_31, %cond3A_32 : i32
    scf.if %cond3A_33 {
      %mul3A_141 = arith.constant 80 : i32
      %mul3A_142 = arith.muli %add3A_28, %mul3A_141 : i32
      %multiple_of3A_143 = tpu.assume_multiple %mul3A_142, 8 : i32
      "tpu.region"() ({
        %run_scoped3A = tpu.sem_alloc : memref<!tpu.dma_semaphore, #tpu.memory_space<semaphore_mem>>
        %dma_start3A_144 = arith.constant 0 : i32
        %dma_start3A_145 = tpu.memref_slice %arg13[%multiple_of3A_143, %dma_start3A_144] : memref<10000x144xf32, #tpu.memory_space<vmem_shared>> -> memref<80x144xf32, #tpu.memory_space<vmem_shared>>
        %dma_start3A_146 = arith.constant 0 : i32
        %dma_start3A_147 = tpu.memref_slice %arg13[%multiple_of3A_143, %dma_start3A_146] : memref<10000x144xf32, #tpu.memory_space<vmem_shared>> -> memref<80x144xf32, #tpu.memory_space<vmem_shared>>
        tpu.enqueue_dma source(%arg11 : memref<80x144xf32, #tpu.memory_space<vmem>>) target(%dma_start3A_147 : memref<80x144xf32, #tpu.memory_space<vmem_shared>>) target_semaphore(%run_scoped3A : memref<!tpu.dma_semaphore, #tpu.memory_space<semaphore_mem>>)
        %dma_wait3A = arith.constant 0 : i32
        %dma_wait3A_148 = tpu.memref_slice %arg13[%multiple_of3A_143, %dma_wait3A] : memref<10000x144xf32, #tpu.memory_space<vmem_shared>> -> memref<80x144xf32, #tpu.memory_space<vmem_shared>>
        %dma_wait3A_149 = arith.constant 0 : i32
        %dma_wait3A_150 = tpu.memref_slice %arg13[%multiple_of3A_143, %dma_wait3A_149] : memref<10000x144xf32, #tpu.memory_space<vmem_shared>> -> memref<80x144xf32, #tpu.memory_space<vmem_shared>>
        tpu.wait_dma2 semaphore(%run_scoped3A : memref<!tpu.dma_semaphore, #tpu.memory_space<semaphore_mem>>) src(%arg11 : memref<80x144xf32, #tpu.memory_space<vmem>>) dst(%dma_wait3A_150 : memref<80x144xf32, #tpu.memory_space<vmem_shared>>)
        tpu.yield
      }) : () -> ()
    } else {
    }
    %add3A_34 = arith.constant 64 : i32
    %add3A_35 = arith.addi %add3A_34, %arg1 : i32
    %lt3A_36 = arith.constant 125 : i32
    %lt3A_37 = arith.cmpi slt, %add3A_35, %lt3A_36 : i32
    %convert_element_type3A_38 = arith.extui %lt3A_37 : i1 to i32
    %cond3A_39 = arith.constant 0 : i32
    %cond3A_40 = arith.cmpi ne, %convert_element_type3A_38, %cond3A_39 : i32
    scf.if %cond3A_40 {
      %mul3A_141 = arith.constant 80 : i32
      %mul3A_142 = arith.muli %add3A_35, %mul3A_141 : i32
      %multiple_of3A_143 = tpu.assume_multiple %mul3A_142, 8 : i32
      "tpu.region"() ({
        %run_scoped3A = tpu.sem_alloc : memref<!tpu.dma_semaphore, #tpu.memory_space<semaphore_mem>>
        %dma_start3A_144 = arith.constant 0 : i32
        %dma_start3A_145 = tpu.memref_slice %arg13[%multiple_of3A_143, %dma_start3A_144] : memref<10000x144xf32, #tpu.memory_space<vmem_shared>> -> memref<80x144xf32, #tpu.memory_space<vmem_shared>>
        %dma_start3A_146 = arith.constant 0 : i32
        %dma_start3A_147 = tpu.memref_slice %arg13[%multiple_of3A_143, %dma_start3A_146] : memref<10000x144xf32, #tpu.memory_space<vmem_shared>> -> memref<80x144xf32, #tpu.memory_space<vmem_shared>>
        tpu.enqueue_dma source(%arg11 : memref<80x144xf32, #tpu.memory_space<vmem>>) target(%dma_start3A_147 : memref<80x144xf32, #tpu.memory_space<vmem_shared>>) target_semaphore(%run_scoped3A : memref<!tpu.dma_semaphore, #tpu.memory_space<semaphore_mem>>)
        %dma_wait3A = arith.constant 0 : i32
        %dma_wait3A_148 = tpu.memref_slice %arg13[%multiple_of3A_143, %dma_wait3A] : memref<10000x144xf32, #tpu.memory_space<vmem_shared>> -> memref<80x144xf32, #tpu.memory_space<vmem_shared>>
        %dma_wait3A_149 = arith.constant 0 : i32
        %dma_wait3A_150 = tpu.memref_slice %arg13[%multiple_of3A_143, %dma_wait3A_149] : memref<10000x144xf32, #tpu.memory_space<vmem_shared>> -> memref<80x144xf32, #tpu.memory_space<vmem_shared>>
        tpu.wait_dma2 semaphore(%run_scoped3A : memref<!tpu.dma_semaphore, #tpu.memory_space<semaphore_mem>>) src(%arg11 : memref<80x144xf32, #tpu.memory_space<vmem>>) dst(%dma_wait3A_150 : memref<80x144xf32, #tpu.memory_space<vmem_shared>>)
        tpu.yield
      }) : () -> ()
    } else {
    }
    %add3A_41 = arith.constant 80 : i32
    %add3A_42 = arith.addi %add3A_41, %arg1 : i32
    %lt3A_43 = arith.constant 125 : i32
    %lt3A_44 = arith.cmpi slt, %add3A_42, %lt3A_43 : i32
    %convert_element_type3A_45 = arith.extui %lt3A_44 : i1 to i32
    %cond3A_46 = arith.constant 0 : i32
    %cond3A_47 = arith.cmpi ne, %convert_element_type3A_45, %cond3A_46 : i32
    scf.if %cond3A_47 {
      %mul3A_141 = arith.constant 80 : i32
      %mul3A_142 = arith.muli %add3A_42, %mul3A_141 : i32
      %multiple_of3A_143 = tpu.assume_multiple %mul3A_142, 8 : i32
      "tpu.region"() ({
        %run_scoped3A = tpu.sem_alloc : memref<!tpu.dma_semaphore, #tpu.memory_space<semaphore_mem>>
        %dma_start3A_144 = arith.constant 0 : i32
        %dma_start3A_145 = tpu.memref_slice %arg13[%multiple_of3A_143, %dma_start3A_144] : memref<10000x144xf32, #tpu.memory_space<vmem_shared>> -> memref<80x144xf32, #tpu.memory_space<vmem_shared>>
        %dma_start3A_146 = arith.constant 0 : i32
        %dma_start3A_147 = tpu.memref_slice %arg13[%multiple_of3A_143, %dma_start3A_146] : memref<10000x144xf32, #tpu.memory_space<vmem_shared>> -> memref<80x144xf32, #tpu.memory_space<vmem_shared>>
        tpu.enqueue_dma source(%arg11 : memref<80x144xf32, #tpu.memory_space<vmem>>) target(%dma_start3A_147 : memref<80x144xf32, #tpu.memory_space<vmem_shared>>) target_semaphore(%run_scoped3A : memref<!tpu.dma_semaphore, #tpu.memory_space<semaphore_mem>>)
        %dma_wait3A = arith.constant 0 : i32
        %dma_wait3A_148 = tpu.memref_slice %arg13[%multiple_of3A_143, %dma_wait3A] : memref<10000x144xf32, #tpu.memory_space<vmem_shared>> -> memref<80x144xf32, #tpu.memory_space<vmem_shared>>
        %dma_wait3A_149 = arith.constant 0 : i32
        %dma_wait3A_150 = tpu.memref_slice %arg13[%multiple_of3A_143, %dma_wait3A_149] : memref<10000x144xf32, #tpu.memory_space<vmem_shared>> -> memref<80x144xf32, #tpu.memory_space<vmem_shared>>
        tpu.wait_dma2 semaphore(%run_scoped3A : memref<!tpu.dma_semaphore, #tpu.memory_space<semaphore_mem>>) src(%arg11 : memref<80x144xf32, #tpu.memory_space<vmem>>) dst(%dma_wait3A_150 : memref<80x144xf32, #tpu.memory_space<vmem_shared>>)
        tpu.yield
      }) : () -> ()
    } else {
    }
    %add3A_48 = arith.constant 96 : i32
    %add3A_49 = arith.addi %add3A_48, %arg1 : i32
    %lt3A_50 = arith.constant 125 : i32
    %lt3A_51 = arith.cmpi slt, %add3A_49, %lt3A_50 : i32
    %convert_element_type3A_52 = arith.extui %lt3A_51 : i1 to i32
    %cond3A_53 = arith.constant 0 : i32
    %cond3A_54 = arith.cmpi ne, %convert_element_type3A_52, %cond3A_53 : i32
    scf.if %cond3A_54 {
      %mul3A_141 = arith.constant 80 : i32
      %mul3A_142 = arith.muli %add3A_49, %mul3A_141 : i32
      %multiple_of3A_143 = tpu.assume_multiple %mul3A_142, 8 : i32
      "tpu.region"() ({
        %run_scoped3A = tpu.sem_alloc : memref<!tpu.dma_semaphore, #tpu.memory_space<semaphore_mem>>
        %dma_start3A_144 = arith.constant 0 : i32
        %dma_start3A_145 = tpu.memref_slice %arg13[%multiple_of3A_143, %dma_start3A_144] : memref<10000x144xf32, #tpu.memory_space<vmem_shared>> -> memref<80x144xf32, #tpu.memory_space<vmem_shared>>
        %dma_start3A_146 = arith.constant 0 : i32
        %dma_start3A_147 = tpu.memref_slice %arg13[%multiple_of3A_143, %dma_start3A_146] : memref<10000x144xf32, #tpu.memory_space<vmem_shared>> -> memref<80x144xf32, #tpu.memory_space<vmem_shared>>
        tpu.enqueue_dma source(%arg11 : memref<80x144xf32, #tpu.memory_space<vmem>>) target(%dma_start3A_147 : memref<80x144xf32, #tpu.memory_space<vmem_shared>>) target_semaphore(%run_scoped3A : memref<!tpu.dma_semaphore, #tpu.memory_space<semaphore_mem>>)
        %dma_wait3A = arith.constant 0 : i32
        %dma_wait3A_148 = tpu.memref_slice %arg13[%multiple_of3A_143, %dma_wait3A] : memref<10000x144xf32, #tpu.memory_space<vmem_shared>> -> memref<80x144xf32, #tpu.memory_space<vmem_shared>>
        %dma_wait3A_149 = arith.constant 0 : i32
        %dma_wait3A_150 = tpu.memref_slice %arg13[%multiple_of3A_143, %dma_wait3A_149] : memref<10000x144xf32, #tpu.memory_space<vmem_shared>> -> memref<80x144xf32, #tpu.memory_space<vmem_shared>>
        tpu.wait_dma2 semaphore(%run_scoped3A : memref<!tpu.dma_semaphore, #tpu.memory_space<semaphore_mem>>) src(%arg11 : memref<80x144xf32, #tpu.memory_space<vmem>>) dst(%dma_wait3A_150 : memref<80x144xf32, #tpu.memory_space<vmem_shared>>)
        tpu.yield
      }) : () -> ()
    } else {
    }
    %add3A_55 = arith.constant 112 : i32
    %add3A_56 = arith.addi %add3A_55, %arg1 : i32
    %lt3A_57 = arith.constant 125 : i32
    %lt3A_58 = arith.cmpi slt, %add3A_56, %lt3A_57 : i32
    %convert_element_type3A_59 = arith.extui %lt3A_58 : i1 to i32
    %cond3A_60 = arith.constant 0 : i32
    %cond3A_61 = arith.cmpi ne, %convert_element_type3A_59, %cond3A_60 : i32
    scf.if %cond3A_61 {
      %mul3A_141 = arith.constant 80 : i32
      %mul3A_142 = arith.muli %add3A_56, %mul3A_141 : i32
      %multiple_of3A_143 = tpu.assume_multiple %mul3A_142, 8 : i32
      "tpu.region"() ({
        %run_scoped3A = tpu.sem_alloc : memref<!tpu.dma_semaphore, #tpu.memory_space<semaphore_mem>>
        %dma_start3A_144 = arith.constant 0 : i32
        %dma_start3A_145 = tpu.memref_slice %arg13[%multiple_of3A_143, %dma_start3A_144] : memref<10000x144xf32, #tpu.memory_space<vmem_shared>> -> memref<80x144xf32, #tpu.memory_space<vmem_shared>>
        %dma_start3A_146 = arith.constant 0 : i32
        %dma_start3A_147 = tpu.memref_slice %arg13[%multiple_of3A_143, %dma_start3A_146] : memref<10000x144xf32, #tpu.memory_space<vmem_shared>> -> memref<80x144xf32, #tpu.memory_space<vmem_shared>>
        tpu.enqueue_dma source(%arg11 : memref<80x144xf32, #tpu.memory_space<vmem>>) target(%dma_start3A_147 : memref<80x144xf32, #tpu.memory_space<vmem_shared>>) target_semaphore(%run_scoped3A : memref<!tpu.dma_semaphore, #tpu.memory_space<semaphore_mem>>)
        %dma_wait3A = arith.constant 0 : i32
        %dma_wait3A_148 = tpu.memref_slice %arg13[%multiple_of3A_143, %dma_wait3A] : memref<10000x144xf32, #tpu.memory_space<vmem_shared>> -> memref<80x144xf32, #tpu.memory_space<vmem_shared>>
        %dma_wait3A_149 = arith.constant 0 : i32
        %dma_wait3A_150 = tpu.memref_slice %arg13[%multiple_of3A_143, %dma_wait3A_149] : memref<10000x144xf32, #tpu.memory_space<vmem_shared>> -> memref<80x144xf32, #tpu.memory_space<vmem_shared>>
        tpu.wait_dma2 semaphore(%run_scoped3A : memref<!tpu.dma_semaphore, #tpu.memory_space<semaphore_mem>>) src(%arg11 : memref<80x144xf32, #tpu.memory_space<vmem>>) dst(%dma_wait3A_150 : memref<80x144xf32, #tpu.memory_space<vmem_shared>>)
        tpu.yield
      }) : () -> ()
    } else {
    }
    %multiple_of3A = tpu.assume_multiple %mul3A_2, 8 : i32
    "tpu.region"() ({
      %run_scoped3A = tpu.sem_alloc : memref<!tpu.dma_semaphore, #tpu.memory_space<semaphore_mem>>
      %dma_start3A_141 = arith.constant 0 : i32
      %dma_start3A_142 = tpu.memref_slice %arg4[%dma_start3A_141, %multiple_of3A] : memref<2x320000xi32, #tpu.memory_space<hbm>> -> memref<2x80xi32, #tpu.memory_space<hbm>>
      %dma_start3A_143 = arith.constant 0 : i32
      %dma_start3A_144 = tpu.memref_slice %arg4[%dma_start3A_143, %multiple_of3A] : memref<2x320000xi32, #tpu.memory_space<hbm>> -> memref<2x80xi32, #tpu.memory_space<hbm>>
      tpu.enqueue_dma source(%dma_start3A_144 : memref<2x80xi32, #tpu.memory_space<hbm>>) target(%arg7 : memref<2x80xi32, #tpu.memory_space<vmem>>) target_semaphore(%run_scoped3A : memref<!tpu.dma_semaphore, #tpu.memory_space<semaphore_mem>>)
      %dma_wait3A = arith.constant 0 : i32
      %dma_wait3A_145 = tpu.memref_slice %arg4[%dma_wait3A, %multiple_of3A] : memref<2x320000xi32, #tpu.memory_space<hbm>> -> memref<2x80xi32, #tpu.memory_space<hbm>>
      %dma_wait3A_146 = arith.constant 0 : i32
      %dma_wait3A_147 = tpu.memref_slice %arg4[%dma_wait3A_146, %multiple_of3A] : memref<2x320000xi32, #tpu.memory_space<hbm>> -> memref<2x80xi32, #tpu.memory_space<hbm>>
      tpu.wait_dma2 semaphore(%run_scoped3A : memref<!tpu.dma_semaphore, #tpu.memory_space<semaphore_mem>>) src(%dma_wait3A_147 : memref<2x80xi32, #tpu.memory_space<hbm>>) dst(%arg7 : memref<2x80xi32, #tpu.memory_space<vmem>>)
      tpu.yield
    }) : () -> ()
    %dma_start3A = arith.constant 0 : i32
    %dma_start3A_62 = arith.constant 0 : i32
    %dma_start3A_63 = tpu.memref_slice %arg7[%dma_start3A, %dma_start3A_62] : memref<2x80xi32, #tpu.memory_space<vmem>> -> memref<1x80xi32, #tpu.memory_space<vmem>>
    %dma_start3A_64 = tpu.memref_squeeze %dma_start3A_63 : memref<1x80xi32, #tpu.memory_space<vmem>> -> memref<80xi32, #tpu.memory_space<vmem>>
    %dma_start3A_65 = arith.constant 0 : i32
    %dma_start3A_66 = arith.constant 0 : i32
    %dma_start3A_67 = tpu.memref_slice %arg2[%dma_start3A_65, %dma_start3A_66] : memref<10000x144xf32, #tpu.memory_space<hbm>> -> memref<10000x144xf32, #tpu.memory_space<hbm>>
    tpu.enqueue_indirect_dma source(%dma_start3A_67 : memref<10000x144xf32, #tpu.memory_space<hbm>>) target(%arg11 : memref<80x144xf32, #tpu.memory_space<vmem>>) offsets(%dma_start3A_64 : memref<80xi32, #tpu.memory_space<vmem>>) semaphore(%arg14 : memref<!tpu.dma_semaphore, #tpu.memory_space<semaphore_mem>>)
    %dma_start3A_68 = arith.constant 1 : i32
    %dma_start3A_69 = arith.constant 0 : i32
    %dma_start3A_70 = tpu.memref_slice %arg7[%dma_start3A_68, %dma_start3A_69] : memref<2x80xi32, #tpu.memory_space<vmem>> -> memref<1x80xi32, #tpu.memory_space<vmem>>
    %dma_start3A_71 = tpu.memref_squeeze %dma_start3A_70 : memref<1x80xi32, #tpu.memory_space<vmem>> -> memref<80xi32, #tpu.memory_space<vmem>>
    %dma_start3A_72 = arith.constant 0 : i32
    %dma_start3A_73 = arith.constant 0 : i32
    %dma_start3A_74 = tpu.memref_slice %arg3[%dma_start3A_72, %dma_start3A_73] : memref<10000x16xf32, #tpu.memory_space<hbm>> -> memref<10000x16xf32, #tpu.memory_space<hbm>>
    tpu.enqueue_indirect_dma source(%dma_start3A_74 : memref<10000x16xf32, #tpu.memory_space<hbm>>) target(%arg9 : memref<80x16xf32, #tpu.memory_space<vmem>>) offsets(%dma_start3A_71 : memref<80xi32, #tpu.memory_space<vmem>>) semaphore(%arg14 : memref<!tpu.dma_semaphore, #tpu.memory_space<semaphore_mem>>)
    %add3A_75 = arith.constant 80 : i32
    %add3A_76 = arith.addi %mul3A_2, %add3A_75 : i32
    %multiple_of3A_77 = tpu.assume_multiple %add3A_76, 8 : i32
    "tpu.region"() ({
      %run_scoped3A = tpu.sem_alloc : memref<!tpu.dma_semaphore, #tpu.memory_space<semaphore_mem>>
      %dma_start3A_141 = arith.constant 0 : i32
      %dma_start3A_142 = tpu.memref_slice %arg4[%dma_start3A_141, %multiple_of3A_77] : memref<2x320000xi32, #tpu.memory_space<hbm>> -> memref<2x80xi32, #tpu.memory_space<hbm>>
      %dma_start3A_143 = arith.constant 0 : i32
      %dma_start3A_144 = tpu.memref_slice %arg4[%dma_start3A_143, %multiple_of3A_77] : memref<2x320000xi32, #tpu.memory_space<hbm>> -> memref<2x80xi32, #tpu.memory_space<hbm>>
      tpu.enqueue_dma source(%dma_start3A_144 : memref<2x80xi32, #tpu.memory_space<hbm>>) target(%arg8 : memref<2x80xi32, #tpu.memory_space<vmem>>) target_semaphore(%run_scoped3A : memref<!tpu.dma_semaphore, #tpu.memory_space<semaphore_mem>>)
      %dma_wait3A = arith.constant 0 : i32
      %dma_wait3A_145 = tpu.memref_slice %arg4[%dma_wait3A, %multiple_of3A_77] : memref<2x320000xi32, #tpu.memory_space<hbm>> -> memref<2x80xi32, #tpu.memory_space<hbm>>
      %dma_wait3A_146 = arith.constant 0 : i32
      %dma_wait3A_147 = tpu.memref_slice %arg4[%dma_wait3A_146, %multiple_of3A_77] : memref<2x320000xi32, #tpu.memory_space<hbm>> -> memref<2x80xi32, #tpu.memory_space<hbm>>
      tpu.wait_dma2 semaphore(%run_scoped3A : memref<!tpu.dma_semaphore, #tpu.memory_space<semaphore_mem>>) src(%dma_wait3A_147 : memref<2x80xi32, #tpu.memory_space<hbm>>) dst(%arg8 : memref<2x80xi32, #tpu.memory_space<vmem>>)
      tpu.yield
    }) : () -> ()
    %barrier3A = arith.constant 0 : index
    tpu.barrier barrier_id(%barrier3A)
    %scan3A_78 = arith.constant 0 : i32
    %scan3A_79 = arith.constant 0 : i32
    %scan3A_80 = arith.constant 125 : i32
    %scan3A_81 = arith.addi %scan3A_79, %scan3A_80 : i32
    %scan3A_82 = arith.constant 1 : i32
    scf.for %scan3A_141 = %scan3A_79 to %scan3A_81 step %scan3A_82  : i32 {
      %rem3A = arith.constant 2 : i32
      %rem3A_142 = arith.remsi %scan3A_141, %rem3A : i32
      %eq3A = arith.constant 0 : i32
      %eq3A_143 = arith.cmpi eq, %rem3A_142, %eq3A : i32
      %convert_element_type3A_144 = arith.extui %eq3A_143 : i1 to i32
      %cond3A_145 = arith.constant 0 : i32
      %cond3A_146 = arith.cmpi ne, %convert_element_type3A_144, %cond3A_145 : i32
      scf.if %cond3A_146 {
        %add3A_154 = arith.constant 1 : i32
        %add3A_155 = arith.addi %scan3A_141, %add3A_154 : i32
        %lt3A_156 = arith.constant 125 : i32
        %lt3A_157 = arith.cmpi slt, %add3A_155, %lt3A_156 : i32
        %convert_element_type3A_158 = arith.extui %lt3A_157 : i1 to i32
        %cond3A_159 = arith.constant 0 : i32
        %cond3A_160 = arith.cmpi ne, %convert_element_type3A_158, %cond3A_159 : i32
        scf.if %cond3A_160 {
          %dma_start3A_183 = arith.constant 0 : i32
          %dma_start3A_184 = arith.constant 0 : i32
          %dma_start3A_185 = tpu.memref_slice %arg8[%dma_start3A_183, %dma_start3A_184] : memref<2x80xi32, #tpu.memory_space<vmem>> -> memref<1x80xi32, #tpu.memory_space<vmem>>
          %dma_start3A_186 = tpu.memref_squeeze %dma_start3A_185 : memref<1x80xi32, #tpu.memory_space<vmem>> -> memref<80xi32, #tpu.memory_space<vmem>>
          %dma_start3A_187 = arith.constant 0 : i32
          %dma_start3A_188 = arith.constant 0 : i32
          %dma_start3A_189 = tpu.memref_slice %arg2[%dma_start3A_187, %dma_start3A_188] : memref<10000x144xf32, #tpu.memory_space<hbm>> -> memref<10000x144xf32, #tpu.memory_space<hbm>>
          tpu.enqueue_indirect_dma source(%dma_start3A_189 : memref<10000x144xf32, #tpu.memory_space<hbm>>) target(%arg12 : memref<80x144xf32, #tpu.memory_space<vmem>>) offsets(%dma_start3A_186 : memref<80xi32, #tpu.memory_space<vmem>>) semaphore(%arg15 : memref<!tpu.dma_semaphore, #tpu.memory_space<semaphore_mem>>)
          %dma_start3A_190 = arith.constant 1 : i32
          %dma_start3A_191 = arith.constant 0 : i32
          %dma_start3A_192 = tpu.memref_slice %arg8[%dma_start3A_190, %dma_start3A_191] : memref<2x80xi32, #tpu.memory_space<vmem>> -> memref<1x80xi32, #tpu.memory_space<vmem>>
          %dma_start3A_193 = tpu.memref_squeeze %dma_start3A_192 : memref<1x80xi32, #tpu.memory_space<vmem>> -> memref<80xi32, #tpu.memory_space<vmem>>
          %dma_start3A_194 = arith.constant 0 : i32
          %dma_start3A_195 = arith.constant 0 : i32
          %dma_start3A_196 = tpu.memref_slice %arg3[%dma_start3A_194, %dma_start3A_195] : memref<10000x16xf32, #tpu.memory_space<hbm>> -> memref<10000x16xf32, #tpu.memory_space<hbm>>
          tpu.enqueue_indirect_dma source(%dma_start3A_196 : memref<10000x16xf32, #tpu.memory_space<hbm>>) target(%arg10 : memref<80x16xf32, #tpu.memory_space<vmem>>) offsets(%dma_start3A_193 : memref<80xi32, #tpu.memory_space<vmem>>) semaphore(%arg15 : memref<!tpu.dma_semaphore, #tpu.memory_space<semaphore_mem>>)
        } else {
        }
        %dma_wait3A = arith.constant 0 : i32
        %dma_wait3A_161 = arith.constant 0 : i32
        %dma_wait3A_162 = tpu.memref_slice %arg7[%dma_wait3A, %dma_wait3A_161] : memref<2x80xi32, #tpu.memory_space<vmem>> -> memref<1x80xi32, #tpu.memory_space<vmem>>
        %dma_wait3A_163 = tpu.memref_squeeze %dma_wait3A_162 : memref<1x80xi32, #tpu.memory_space<vmem>> -> memref<80xi32, #tpu.memory_space<vmem>>
        %dma_wait3A_164 = arith.constant 0 : i32
        %dma_wait3A_165 = arith.constant 0 : i32
        %dma_wait3A_166 = tpu.memref_slice %arg2[%dma_wait3A_164, %dma_wait3A_165] : memref<10000x144xf32, #tpu.memory_space<hbm>> -> memref<10000x144xf32, #tpu.memory_space<hbm>>
        tpu.wait_indirect_dma semaphore(%arg14 : memref<!tpu.dma_semaphore, #tpu.memory_space<semaphore_mem>>) src(%dma_wait3A_166 : memref<10000x144xf32, #tpu.memory_space<hbm>>) dst(%arg11 : memref<80x144xf32, #tpu.memory_space<vmem>>)
        %dma_wait3A_167 = arith.constant 1 : i32
        %dma_wait3A_168 = arith.constant 0 : i32
        %dma_wait3A_169 = tpu.memref_slice %arg7[%dma_wait3A_167, %dma_wait3A_168] : memref<2x80xi32, #tpu.memory_space<vmem>> -> memref<1x80xi32, #tpu.memory_space<vmem>>
        %dma_wait3A_170 = tpu.memref_squeeze %dma_wait3A_169 : memref<1x80xi32, #tpu.memory_space<vmem>> -> memref<80xi32, #tpu.memory_space<vmem>>
        %dma_wait3A_171 = arith.constant 0 : i32
        %dma_wait3A_172 = arith.constant 0 : i32
        %dma_wait3A_173 = tpu.memref_slice %arg3[%dma_wait3A_171, %dma_wait3A_172] : memref<10000x16xf32, #tpu.memory_space<hbm>> -> memref<10000x16xf32, #tpu.memory_space<hbm>>
        tpu.wait_indirect_dma semaphore(%arg14 : memref<!tpu.dma_semaphore, #tpu.memory_space<semaphore_mem>>) src(%dma_wait3A_173 : memref<10000x16xf32, #tpu.memory_space<hbm>>) dst(%arg9 : memref<80x16xf32, #tpu.memory_space<vmem>>)
        %parallel_loop3A = arith.constant 0 : i32
        %parallel_loop3A_174 = arith.constant 80 : i32
        %parallel_loop3A_175 = arith.constant 1 : i32
        scf.for %parallel_loop3A_183 = %parallel_loop3A to %parallel_loop3A_174 step %parallel_loop3A_175  : i32 {
          %parallel_loop3A_184 = arith.index_cast %parallel_loop3A_183 : i32 to index
          %parallel_loop3A_185 = arith.constant 128 : index
          %parallel_loop3A_186 = tpu.vector_load %arg11[%parallel_loop3A_184, %parallel_loop3A_185] {strides = array<i32>} : memref<80x144xf32, #tpu.memory_space<vmem>>, vector<1x16xf32>,
          %parallel_loop3A_187 = vector.shape_cast %parallel_loop3A_186 : vector<1x16xf32> to vector<16xf32>
          %parallel_loop3A_188 = arith.index_cast %parallel_loop3A_183 : i32 to index
          %parallel_loop3A_189 = arith.constant 0 : index
          %parallel_loop3A_190 = tpu.vector_load %arg9[%parallel_loop3A_188, %parallel_loop3A_189] {strides = array<i32>} : memref<80x16xf32, #tpu.memory_space<vmem>>, vector<1x16xf32>,
          %parallel_loop3A_191 = vector.shape_cast %parallel_loop3A_190 : vector<1x16xf32> to vector<16xf32>
          %parallel_loop3A_192 = arith.addf %parallel_loop3A_187, %parallel_loop3A_191 : vector<16xf32>
          %parallel_loop3A_193 = arith.constant 0.000000e+00 : f32
          %parallel_loop3A_194 = vector.broadcast %parallel_loop3A_193 : f32 to vector<16xf32>
          %parallel_loop3A_195 = arith.cmpf oge, %parallel_loop3A_192, %parallel_loop3A_194 : vector<16xf32>
          %parallel_loop3A_196 = arith.constant 2.000000e-01 : f32
          %parallel_loop3A_197 = vector.broadcast %parallel_loop3A_196 : f32 to vector<16xf32>
          %parallel_loop3A_198 = arith.mulf %parallel_loop3A_197, %parallel_loop3A_192 : vector<16xf32>
          %parallel_loop3A_199 = arith.select %parallel_loop3A_195, %parallel_loop3A_192, %parallel_loop3A_198 : vector<16xi1>, vector<16xf32>
          %parallel_loop3A_200 = math.exp %parallel_loop3A_199 : vector<16xf32>
          %parallel_loop3A_201 = arith.index_cast %parallel_loop3A_183 : i32 to index
          %parallel_loop3A_202 = arith.constant 128 : index
          %parallel_loop3A_203 = tpu.vector_load %arg11[%parallel_loop3A_201, %parallel_loop3A_202] {strides = array<i32>} : memref<80x144xf32, #tpu.memory_space<vmem>>, vector<1x16xf32>,
          %parallel_loop3A_204 = vector.shape_cast %parallel_loop3A_203 : vector<1x16xf32> to vector<16xf32>
          %parallel_loop3A_205 = vector.shape_cast %parallel_loop3A_200 : vector<16xf32> to vector<1x16xf32>
          tpu.vector_store %arg11[%parallel_loop3A_201, %parallel_loop3A_202], %parallel_loop3A_205 {strides = array<i32>} : memref<80x144xf32, #tpu.memory_space<vmem>>, vector<1x16xf32>,
          %parallel_loop3A_206 = arith.index_cast %parallel_loop3A_183 : i32 to index
          %parallel_loop3A_207 = arith.constant 0 : index
          %parallel_loop3A_208 = tpu.vector_load %arg11[%parallel_loop3A_206, %parallel_loop3A_207] {strides = array<i32>} : memref<80x144xf32, #tpu.memory_space<vmem>>, vector<1x16xf32>,
          %parallel_loop3A_209 = vector.shape_cast %parallel_loop3A_208 : vector<1x16xf32> to vector<16xf32>
          %parallel_loop3A_210 = vector.extract_strided_slice %parallel_loop3A_200 {offsets = [0], sizes = [1], strides = [1]} : vector<16xf32> to vector<1xf32>
          %parallel_loop3A_211 = vector.extract %parallel_loop3A_210[0] : f32 from vector<1xf32>
          %parallel_loop3A_212 = vector.broadcast %parallel_loop3A_211 : f32 to vector<16xf32>
          %parallel_loop3A_213 = arith.mulf %parallel_loop3A_209, %parallel_loop3A_212 : vector<16xf32>
          %parallel_loop3A_214 = arith.index_cast %parallel_loop3A_183 : i32 to index
          %parallel_loop3A_215 = arith.constant 0 : index
          %parallel_loop3A_216 = tpu.vector_load %arg11[%parallel_loop3A_214, %parallel_loop3A_215] {strides = array<i32>} : memref<80x144xf32, #tpu.memory_space<vmem>>, vector<1x16xf32>,
          %parallel_loop3A_217 = vector.shape_cast %parallel_loop3A_216 : vector<1x16xf32> to vector<16xf32>
          %parallel_loop3A_218 = vector.shape_cast %parallel_loop3A_213 : vector<16xf32> to vector<1x16xf32>
          tpu.vector_store %arg11[%parallel_loop3A_214, %parallel_loop3A_215], %parallel_loop3A_218 {strides = array<i32>} : memref<80x144xf32, #tpu.memory_space<vmem>>, vector<1x16xf32>,
          %parallel_loop3A_219 = arith.index_cast %parallel_loop3A_183 : i32 to index
          %parallel_loop3A_220 = arith.constant 16 : index
          %parallel_loop3A_221 = tpu.vector_load %arg11[%parallel_loop3A_219, %parallel_loop3A_220] {strides = array<i32>} : memref<80x144xf32, #tpu.memory_space<vmem>>, vector<1x16xf32>,
          %parallel_loop3A_222 = vector.shape_cast %parallel_loop3A_221 : vector<1x16xf32> to vector<16xf32>
          %parallel_loop3A_223 = vector.extract_strided_slice %parallel_loop3A_200 {offsets = [1], sizes = [1], strides = [1]} : vector<16xf32> to vector<1xf32>
          %parallel_loop3A_224 = vector.extract %parallel_loop3A_223[0] : f32 from vector<1xf32>
          %parallel_loop3A_225 = vector.broadcast %parallel_loop3A_224 : f32 to vector<16xf32>
          %parallel_loop3A_226 = arith.mulf %parallel_loop3A_222, %parallel_loop3A_225 : vector<16xf32>
          %parallel_loop3A_227 = arith.index_cast %parallel_loop3A_183 : i32 to index
          %parallel_loop3A_228 = arith.constant 16 : index
          %parallel_loop3A_229 = tpu.vector_load %arg11[%parallel_loop3A_227, %parallel_loop3A_228] {strides = array<i32>} : memref<80x144xf32, #tpu.memory_space<vmem>>, vector<1x16xf32>,
          %parallel_loop3A_230 = vector.shape_cast %parallel_loop3A_229 : vector<1x16xf32> to vector<16xf32>
          %parallel_loop3A_231 = vector.shape_cast %parallel_loop3A_226 : vector<16xf32> to vector<1x16xf32>
          tpu.vector_store %arg11[%parallel_loop3A_227, %parallel_loop3A_228], %parallel_loop3A_231 {strides = array<i32>} : memref<80x144xf32, #tpu.memory_space<vmem>>, vector<1x16xf32>,
          %parallel_loop3A_232 = arith.index_cast %parallel_loop3A_183 : i32 to index
          %parallel_loop3A_233 = arith.constant 32 : index
          %parallel_loop3A_234 = tpu.vector_load %arg11[%parallel_loop3A_232, %parallel_loop3A_233] {strides = array<i32>} : memref<80x144xf32, #tpu.memory_space<vmem>>, vector<1x16xf32>,
          %parallel_loop3A_235 = vector.shape_cast %parallel_loop3A_234 : vector<1x16xf32> to vector<16xf32>
          %parallel_loop3A_236 = vector.extract_strided_slice %parallel_loop3A_200 {offsets = [2], sizes = [1], strides = [1]} : vector<16xf32> to vector<1xf32>
          %parallel_loop3A_237 = vector.extract %parallel_loop3A_236[0] : f32 from vector<1xf32>
          %parallel_loop3A_238 = vector.broadcast %parallel_loop3A_237 : f32 to vector<16xf32>
          %parallel_loop3A_239 = arith.mulf %parallel_loop3A_235, %parallel_loop3A_238 : vector<16xf32>
          %parallel_loop3A_240 = arith.index_cast %parallel_loop3A_183 : i32 to index
          %parallel_loop3A_241 = arith.constant 32 : index
          %parallel_loop3A_242 = tpu.vector_load %arg11[%parallel_loop3A_240, %parallel_loop3A_241] {strides = array<i32>} : memref<80x144xf32, #tpu.memory_space<vmem>>, vector<1x16xf32>,
          %parallel_loop3A_243 = vector.shape_cast %parallel_loop3A_242 : vector<1x16xf32> to vector<16xf32>
          %parallel_loop3A_244 = vector.shape_cast %parallel_loop3A_239 : vector<16xf32> to vector<1x16xf32>
          tpu.vector_store %arg11[%parallel_loop3A_240, %parallel_loop3A_241], %parallel_loop3A_244 {strides = array<i32>} : memref<80x144xf32, #tpu.memory_space<vmem>>, vector<1x16xf32>,
          %parallel_loop3A_245 = arith.index_cast %parallel_loop3A_183 : i32 to index
          %parallel_loop3A_246 = arith.constant 48 : index
          %parallel_loop3A_247 = tpu.vector_load %arg11[%parallel_loop3A_245, %parallel_loop3A_246] {strides = array<i32>} : memref<80x144xf32, #tpu.memory_space<vmem>>, vector<1x16xf32>,
          %parallel_loop3A_248 = vector.shape_cast %parallel_loop3A_247 : vector<1x16xf32> to vector<16xf32>
          %parallel_loop3A_249 = vector.extract_strided_slice %parallel_loop3A_200 {offsets = [3], sizes = [1], strides = [1]} : vector<16xf32> to vector<1xf32>
          %parallel_loop3A_250 = vector.extract %parallel_loop3A_249[0] : f32 from vector<1xf32>
          %parallel_loop3A_251 = vector.broadcast %parallel_loop3A_250 : f32 to vector<16xf32>
          %parallel_loop3A_252 = arith.mulf %parallel_loop3A_248, %parallel_loop3A_251 : vector<16xf32>
          %parallel_loop3A_253 = arith.index_cast %parallel_loop3A_183 : i32 to index
          %parallel_loop3A_254 = arith.constant 48 : index
          %parallel_loop3A_255 = tpu.vector_load %arg11[%parallel_loop3A_253, %parallel_loop3A_254] {strides = array<i32>} : memref<80x144xf32, #tpu.memory_space<vmem>>, vector<1x16xf32>,
          %parallel_loop3A_256 = vector.shape_cast %parallel_loop3A_255 : vector<1x16xf32> to vector<16xf32>
          %parallel_loop3A_257 = vector.shape_cast %parallel_loop3A_252 : vector<16xf32> to vector<1x16xf32>
          tpu.vector_store %arg11[%parallel_loop3A_253, %parallel_loop3A_254], %parallel_loop3A_257 {strides = array<i32>} : memref<80x144xf32, #tpu.memory_space<vmem>>, vector<1x16xf32>,
          %parallel_loop3A_258 = arith.index_cast %parallel_loop3A_183 : i32 to index
          %parallel_loop3A_259 = arith.constant 64 : index
          %parallel_loop3A_260 = tpu.vector_load %arg11[%parallel_loop3A_258, %parallel_loop3A_259] {strides = array<i32>} : memref<80x144xf32, #tpu.memory_space<vmem>>, vector<1x16xf32>,
          %parallel_loop3A_261 = vector.shape_cast %parallel_loop3A_260 : vector<1x16xf32> to vector<16xf32>
          %parallel_loop3A_262 = vector.extract_strided_slice %parallel_loop3A_200 {offsets = [4], sizes = [1], strides = [1]} : vector<16xf32> to vector<1xf32>
          %parallel_loop3A_263 = vector.extract %parallel_loop3A_262[0] : f32 from vector<1xf32>
          %parallel_loop3A_264 = vector.broadcast %parallel_loop3A_263 : f32 to vector<16xf32>
          %parallel_loop3A_265 = arith.mulf %parallel_loop3A_261, %parallel_loop3A_264 : vector<16xf32>
          %parallel_loop3A_266 = arith.index_cast %parallel_loop3A_183 : i32 to index
          %parallel_loop3A_267 = arith.constant 64 : index
          %parallel_loop3A_268 = tpu.vector_load %arg11[%parallel_loop3A_266, %parallel_loop3A_267] {strides = array<i32>} : memref<80x144xf32, #tpu.memory_space<vmem>>, vector<1x16xf32>,
          %parallel_loop3A_269 = vector.shape_cast %parallel_loop3A_268 : vector<1x16xf32> to vector<16xf32>
          %parallel_loop3A_270 = vector.shape_cast %parallel_loop3A_265 : vector<16xf32> to vector<1x16xf32>
          tpu.vector_store %arg11[%parallel_loop3A_266, %parallel_loop3A_267], %parallel_loop3A_270 {strides = array<i32>} : memref<80x144xf32, #tpu.memory_space<vmem>>, vector<1x16xf32>,
          %parallel_loop3A_271 = arith.index_cast %parallel_loop3A_183 : i32 to index
          %parallel_loop3A_272 = arith.constant 80 : index
          %parallel_loop3A_273 = tpu.vector_load %arg11[%parallel_loop3A_271, %parallel_loop3A_272] {strides = array<i32>} : memref<80x144xf32, #tpu.memory_space<vmem>>, vector<1x16xf32>,
          %parallel_loop3A_274 = vector.shape_cast %parallel_loop3A_273 : vector<1x16xf32> to vector<16xf32>
          %parallel_loop3A_275 = vector.extract_strided_slice %parallel_loop3A_200 {offsets = [5], sizes = [1], strides = [1]} : vector<16xf32> to vector<1xf32>
          %parallel_loop3A_276 = vector.extract %parallel_loop3A_275[0] : f32 from vector<1xf32>
          %parallel_loop3A_277 = vector.broadcast %parallel_loop3A_276 : f32 to vector<16xf32>
          %parallel_loop3A_278 = arith.mulf %parallel_loop3A_274, %parallel_loop3A_277 : vector<16xf32>
          %parallel_loop3A_279 = arith.index_cast %parallel_loop3A_183 : i32 to index
          %parallel_loop3A_280 = arith.constant 80 : index
          %parallel_loop3A_281 = tpu.vector_load %arg11[%parallel_loop3A_279, %parallel_loop3A_280] {strides = array<i32>} : memref<80x144xf32, #tpu.memory_space<vmem>>, vector<1x16xf32>,
          %parallel_loop3A_282 = vector.shape_cast %parallel_loop3A_281 : vector<1x16xf32> to vector<16xf32>
          %parallel_loop3A_283 = vector.shape_cast %parallel_loop3A_278 : vector<16xf32> to vector<1x16xf32>
          tpu.vector_store %arg11[%parallel_loop3A_279, %parallel_loop3A_280], %parallel_loop3A_283 {strides = array<i32>} : memref<80x144xf32, #tpu.memory_space<vmem>>, vector<1x16xf32>,
          %parallel_loop3A_284 = arith.index_cast %parallel_loop3A_183 : i32 to index
          %parallel_loop3A_285 = arith.constant 96 : index
          %parallel_loop3A_286 = tpu.vector_load %arg11[%parallel_loop3A_284, %parallel_loop3A_285] {strides = array<i32>} : memref<80x144xf32, #tpu.memory_space<vmem>>, vector<1x16xf32>,
          %parallel_loop3A_287 = vector.shape_cast %parallel_loop3A_286 : vector<1x16xf32> to vector<16xf32>
          %parallel_loop3A_288 = vector.extract_strided_slice %parallel_loop3A_200 {offsets = [6], sizes = [1], strides = [1]} : vector<16xf32> to vector<1xf32>
          %parallel_loop3A_289 = vector.extract %parallel_loop3A_288[0] : f32 from vector<1xf32>
          %parallel_loop3A_290 = vector.broadcast %parallel_loop3A_289 : f32 to vector<16xf32>
          %parallel_loop3A_291 = arith.mulf %parallel_loop3A_287, %parallel_loop3A_290 : vector<16xf32>
          %parallel_loop3A_292 = arith.index_cast %parallel_loop3A_183 : i32 to index
          %parallel_loop3A_293 = arith.constant 96 : index
          %parallel_loop3A_294 = tpu.vector_load %arg11[%parallel_loop3A_292, %parallel_loop3A_293] {strides = array<i32>} : memref<80x144xf32, #tpu.memory_space<vmem>>, vector<1x16xf32>,
          %parallel_loop3A_295 = vector.shape_cast %parallel_loop3A_294 : vector<1x16xf32> to vector<16xf32>
          %parallel_loop3A_296 = vector.shape_cast %parallel_loop3A_291 : vector<16xf32> to vector<1x16xf32>
          tpu.vector_store %arg11[%parallel_loop3A_292, %parallel_loop3A_293], %parallel_loop3A_296 {strides = array<i32>} : memref<80x144xf32, #tpu.memory_space<vmem>>, vector<1x16xf32>,
          %parallel_loop3A_297 = arith.index_cast %parallel_loop3A_183 : i32 to index
          %parallel_loop3A_298 = arith.constant 112 : index
          %parallel_loop3A_299 = tpu.vector_load %arg11[%parallel_loop3A_297, %parallel_loop3A_298] {strides = array<i32>} : memref<80x144xf32, #tpu.memory_space<vmem>>, vector<1x16xf32>,
          %parallel_loop3A_300 = vector.shape_cast %parallel_loop3A_299 : vector<1x16xf32> to vector<16xf32>
          %parallel_loop3A_301 = vector.extract_strided_slice %parallel_loop3A_200 {offsets = [7], sizes = [1], strides = [1]} : vector<16xf32> to vector<1xf32>
          %parallel_loop3A_302 = vector.extract %parallel_loop3A_301[0] : f32 from vector<1xf32>
          %parallel_loop3A_303 = vector.broadcast %parallel_loop3A_302 : f32 to vector<16xf32>
          %parallel_loop3A_304 = arith.mulf %parallel_loop3A_300, %parallel_loop3A_303 : vector<16xf32>
          %parallel_loop3A_305 = arith.index_cast %parallel_loop3A_183 : i32 to index
          %parallel_loop3A_306 = arith.constant 112 : index
          %parallel_loop3A_307 = tpu.vector_load %arg11[%parallel_loop3A_305, %parallel_loop3A_306] {strides = array<i32>} : memref<80x144xf32, #tpu.memory_space<vmem>>, vector<1x16xf32>,
          %parallel_loop3A_308 = vector.shape_cast %parallel_loop3A_307 : vector<1x16xf32> to vector<16xf32>
          %parallel_loop3A_309 = vector.shape_cast %parallel_loop3A_304 : vector<16xf32> to vector<1x16xf32>
          tpu.vector_store %arg11[%parallel_loop3A_305, %parallel_loop3A_306], %parallel_loop3A_309 {strides = array<i32>} : memref<80x144xf32, #tpu.memory_space<vmem>>, vector<1x16xf32>,
        } {sc.loop_unroll_factor = 2 : i64, sc.parallel_access}
        %run_scoped3A = arith.constant 1 : i32
        "tpu.region"() ({
          %run_scoped3A_183 = tpu.sem_alloc : memref<!tpu.dma_semaphore, #tpu.memory_space<semaphore_mem>>
          %dma_start3A_184 = arith.constant 0 : i32
          %dma_start3A_185 = tpu.memref_slice %arg7[%run_scoped3A, %dma_start3A_184] : memref<2x80xi32, #tpu.memory_space<vmem>> -> memref<1x80xi32, #tpu.memory_space<vmem>>
          %dma_start3A_186 = tpu.memref_squeeze %dma_start3A_185 : memref<1x80xi32, #tpu.memory_space<vmem>> -> memref<80xi32, #tpu.memory_space<vmem>>
          %dma_start3A_187 = arith.constant 0 : i32
          %dma_start3A_188 = arith.constant 0 : i32
          %dma_start3A_189 = tpu.memref_slice %arg13[%dma_start3A_187, %dma_start3A_188] : memref<10000x144xf32, #tpu.memory_space<vmem_shared>> -> memref<10000x144xf32, #tpu.memory_space<vmem_shared>>
          tpu.enqueue_indirect_dma source(%arg11 : memref<80x144xf32, #tpu.memory_space<vmem>>) target(%dma_start3A_189 : memref<10000x144xf32, #tpu.memory_space<vmem_shared>>) offsets(%dma_start3A_186 : memref<80xi32, #tpu.memory_space<vmem>>) semaphore(%run_scoped3A_183 : memref<!tpu.dma_semaphore, #tpu.memory_space<semaphore_mem>>) {add = true}
          %dma_wait3A_190 = arith.constant 0 : i32
          %dma_wait3A_191 = tpu.memref_slice %arg7[%run_scoped3A, %dma_wait3A_190] : memref<2x80xi32, #tpu.memory_space<vmem>> -> memref<1x80xi32, #tpu.memory_space<vmem>>
          %dma_wait3A_192 = tpu.memref_squeeze %dma_wait3A_191 : memref<1x80xi32, #tpu.memory_space<vmem>> -> memref<80xi32, #tpu.memory_space<vmem>>
          %dma_wait3A_193 = arith.constant 0 : i32
          %dma_wait3A_194 = arith.constant 0 : i32
          %dma_wait3A_195 = tpu.memref_slice %arg13[%dma_wait3A_193, %dma_wait3A_194] : memref<10000x144xf32, #tpu.memory_space<vmem_shared>> -> memref<10000x144xf32, #tpu.memory_space<vmem_shared>>
          tpu.wait_indirect_dma semaphore(%run_scoped3A_183 : memref<!tpu.dma_semaphore, #tpu.memory_space<semaphore_mem>>) src(%arg11 : memref<80x144xf32, #tpu.memory_space<vmem>>) dst(%dma_wait3A_195 : memref<10000x144xf32, #tpu.memory_space<vmem_shared>>)
          tpu.yield
        }) : () -> ()
        %add3A_176 = arith.constant 2 : i32
        %add3A_177 = arith.addi %scan3A_141, %add3A_176 : i32
        %lt3A_178 = arith.constant 125 : i32
        %lt3A_179 = arith.cmpi slt, %add3A_177, %lt3A_178 : i32
        %convert_element_type3A_180 = arith.extui %lt3A_179 : i1 to i32
        %cond3A_181 = arith.constant 0 : i32
        %cond3A_182 = arith.cmpi ne, %convert_element_type3A_180, %cond3A_181 : i32
        scf.if %cond3A_182 {
          %add3A_183 = arith.constant 2 : i32
          %add3A_184 = arith.addi %scan3A_141, %add3A_183 : i32
          %mul3A_185 = arith.constant 80 : i32
          %mul3A_186 = arith.muli %add3A_184, %mul3A_185 : i32
          %add3A_187 = arith.addi %mul3A_2, %mul3A_186 : i32
          %multiple_of3A_188 = tpu.assume_multiple %add3A_187, 8 : i32
          "tpu.region"() ({
            %run_scoped3A_189 = tpu.sem_alloc : memref<!tpu.dma_semaphore, #tpu.memory_space<semaphore_mem>>
            %dma_start3A_190 = arith.constant 0 : i32
            %dma_start3A_191 = tpu.memref_slice %arg4[%dma_start3A_190, %multiple_of3A_188] : memref<2x320000xi32, #tpu.memory_space<hbm>> -> memref<2x80xi32, #tpu.memory_space<hbm>>
            %dma_start3A_192 = arith.constant 0 : i32
            %dma_start3A_193 = tpu.memref_slice %arg4[%dma_start3A_192, %multiple_of3A_188] : memref<2x320000xi32, #tpu.memory_space<hbm>> -> memref<2x80xi32, #tpu.memory_space<hbm>>
            tpu.enqueue_dma source(%dma_start3A_193 : memref<2x80xi32, #tpu.memory_space<hbm>>) target(%arg7 : memref<2x80xi32, #tpu.memory_space<vmem>>) target_semaphore(%run_scoped3A_189 : memref<!tpu.dma_semaphore, #tpu.memory_space<semaphore_mem>>)
            %dma_wait3A_194 = arith.constant 0 : i32
            %dma_wait3A_195 = tpu.memref_slice %arg4[%dma_wait3A_194, %multiple_of3A_188] : memref<2x320000xi32, #tpu.memory_space<hbm>> -> memref<2x80xi32, #tpu.memory_space<hbm>>
            %dma_wait3A_196 = arith.constant 0 : i32
            %dma_wait3A_197 = tpu.memref_slice %arg4[%dma_wait3A_196, %multiple_of3A_188] : memref<2x320000xi32, #tpu.memory_space<hbm>> -> memref<2x80xi32, #tpu.memory_space<hbm>>
            tpu.wait_dma2 semaphore(%run_scoped3A_189 : memref<!tpu.dma_semaphore, #tpu.memory_space<semaphore_mem>>) src(%dma_wait3A_197 : memref<2x80xi32, #tpu.memory_space<hbm>>) dst(%arg7 : memref<2x80xi32, #tpu.memory_space<vmem>>)
            tpu.yield
          }) : () -> ()
        } else {
        }
      } else {
      }
      %rem3A_147 = arith.constant 2 : i32
      %rem3A_148 = arith.remsi %scan3A_141, %rem3A_147 : i32
      %eq3A_149 = arith.constant 1 : i32
      %eq3A_150 = arith.cmpi eq, %rem3A_148, %eq3A_149 : i32
      %convert_element_type3A_151 = arith.extui %eq3A_150 : i1 to i32
      %cond3A_152 = arith.constant 0 : i32
      %cond3A_153 = arith.cmpi ne, %convert_element_type3A_151, %cond3A_152 : i32
      scf.if %cond3A_153 {
        %add3A_154 = arith.constant 1 : i32
        %add3A_155 = arith.addi %scan3A_141, %add3A_154 : i32
        %lt3A_156 = arith.constant 125 : i32
        %lt3A_157 = arith.cmpi slt, %add3A_155, %lt3A_156 : i32
        %convert_element_type3A_158 = arith.extui %lt3A_157 : i1 to i32
        %cond3A_159 = arith.constant 0 : i32
        %cond3A_160 = arith.cmpi ne, %convert_element_type3A_158, %cond3A_159 : i32
        scf.if %cond3A_160 {
          %dma_start3A_183 = arith.constant 0 : i32
          %dma_start3A_184 = arith.constant 0 : i32
          %dma_start3A_185 = tpu.memref_slice %arg7[%dma_start3A_183, %dma_start3A_184] : memref<2x80xi32, #tpu.memory_space<vmem>> -> memref<1x80xi32, #tpu.memory_space<vmem>>
          %dma_start3A_186 = tpu.memref_squeeze %dma_start3A_185 : memref<1x80xi32, #tpu.memory_space<vmem>> -> memref<80xi32, #tpu.memory_space<vmem>>
          %dma_start3A_187 = arith.constant 0 : i32
          %dma_start3A_188 = arith.constant 0 : i32
          %dma_start3A_189 = tpu.memref_slice %arg2[%dma_start3A_187, %dma_start3A_188] : memref<10000x144xf32, #tpu.memory_space<hbm>> -> memref<10000x144xf32, #tpu.memory_space<hbm>>
          tpu.enqueue_indirect_dma source(%dma_start3A_189 : memref<10000x144xf32, #tpu.memory_space<hbm>>) target(%arg11 : memref<80x144xf32, #tpu.memory_space<vmem>>) offsets(%dma_start3A_186 : memref<80xi32, #tpu.memory_space<vmem>>) semaphore(%arg14 : memref<!tpu.dma_semaphore, #tpu.memory_space<semaphore_mem>>)
          %dma_start3A_190 = arith.constant 1 : i32
          %dma_start3A_191 = arith.constant 0 : i32
          %dma_start3A_192 = tpu.memref_slice %arg7[%dma_start3A_190, %dma_start3A_191] : memref<2x80xi32, #tpu.memory_space<vmem>> -> memref<1x80xi32, #tpu.memory_space<vmem>>
          %dma_start3A_193 = tpu.memref_squeeze %dma_start3A_192 : memref<1x80xi32, #tpu.memory_space<vmem>> -> memref<80xi32, #tpu.memory_space<vmem>>
          %dma_start3A_194 = arith.constant 0 : i32
          %dma_start3A_195 = arith.constant 0 : i32
          %dma_start3A_196 = tpu.memref_slice %arg3[%dma_start3A_194, %dma_start3A_195] : memref<10000x16xf32, #tpu.memory_space<hbm>> -> memref<10000x16xf32, #tpu.memory_space<hbm>>
          tpu.enqueue_indirect_dma source(%dma_start3A_196 : memref<10000x16xf32, #tpu.memory_space<hbm>>) target(%arg9 : memref<80x16xf32, #tpu.memory_space<vmem>>) offsets(%dma_start3A_193 : memref<80xi32, #tpu.memory_space<vmem>>) semaphore(%arg14 : memref<!tpu.dma_semaphore, #tpu.memory_space<semaphore_mem>>)
        } else {
        }
        %dma_wait3A = arith.constant 0 : i32
        %dma_wait3A_161 = arith.constant 0 : i32
        %dma_wait3A_162 = tpu.memref_slice %arg8[%dma_wait3A, %dma_wait3A_161] : memref<2x80xi32, #tpu.memory_space<vmem>> -> memref<1x80xi32, #tpu.memory_space<vmem>>
        %dma_wait3A_163 = tpu.memref_squeeze %dma_wait3A_162 : memref<1x80xi32, #tpu.memory_space<vmem>> -> memref<80xi32, #tpu.memory_space<vmem>>
        %dma_wait3A_164 = arith.constant 0 : i32
        %dma_wait3A_165 = arith.constant 0 : i32
        %dma_wait3A_166 = tpu.memref_slice %arg2[%dma_wait3A_164, %dma_wait3A_165] : memref<10000x144xf32, #tpu.memory_space<hbm>> -> memref<10000x144xf32, #tpu.memory_space<hbm>>
        tpu.wait_indirect_dma semaphore(%arg15 : memref<!tpu.dma_semaphore, #tpu.memory_space<semaphore_mem>>) src(%dma_wait3A_166 : memref<10000x144xf32, #tpu.memory_space<hbm>>) dst(%arg12 : memref<80x144xf32, #tpu.memory_space<vmem>>)
        %dma_wait3A_167 = arith.constant 1 : i32
        %dma_wait3A_168 = arith.constant 0 : i32
        %dma_wait3A_169 = tpu.memref_slice %arg8[%dma_wait3A_167, %dma_wait3A_168] : memref<2x80xi32, #tpu.memory_space<vmem>> -> memref<1x80xi32, #tpu.memory_space<vmem>>
        %dma_wait3A_170 = tpu.memref_squeeze %dma_wait3A_169 : memref<1x80xi32, #tpu.memory_space<vmem>> -> memref<80xi32, #tpu.memory_space<vmem>>
        %dma_wait3A_171 = arith.constant 0 : i32
        %dma_wait3A_172 = arith.constant 0 : i32
        %dma_wait3A_173 = tpu.memref_slice %arg3[%dma_wait3A_171, %dma_wait3A_172] : memref<10000x16xf32, #tpu.memory_space<hbm>> -> memref<10000x16xf32, #tpu.memory_space<hbm>>
        tpu.wait_indirect_dma semaphore(%arg15 : memref<!tpu.dma_semaphore, #tpu.memory_space<semaphore_mem>>) src(%dma_wait3A_173 : memref<10000x16xf32, #tpu.memory_space<hbm>>) dst(%arg10 : memref<80x16xf32, #tpu.memory_space<vmem>>)
        %parallel_loop3A = arith.constant 0 : i32
        %parallel_loop3A_174 = arith.constant 80 : i32
        %parallel_loop3A_175 = arith.constant 1 : i32
        scf.for %parallel_loop3A_183 = %parallel_loop3A to %parallel_loop3A_174 step %parallel_loop3A_175  : i32 {
          %parallel_loop3A_184 = arith.index_cast %parallel_loop3A_183 : i32 to index
          %parallel_loop3A_185 = arith.constant 128 : index
          %parallel_loop3A_186 = tpu.vector_load %arg12[%parallel_loop3A_184, %parallel_loop3A_185] {strides = array<i32>} : memref<80x144xf32, #tpu.memory_space<vmem>>, vector<1x16xf32>,
          %parallel_loop3A_187 = vector.shape_cast %parallel_loop3A_186 : vector<1x16xf32> to vector<16xf32>
          %parallel_loop3A_188 = arith.index_cast %parallel_loop3A_183 : i32 to index
          %parallel_loop3A_189 = arith.constant 0 : index
          %parallel_loop3A_190 = tpu.vector_load %arg10[%parallel_loop3A_188, %parallel_loop3A_189] {strides = array<i32>} : memref<80x16xf32, #tpu.memory_space<vmem>>, vector<1x16xf32>,
          %parallel_loop3A_191 = vector.shape_cast %parallel_loop3A_190 : vector<1x16xf32> to vector<16xf32>
          %parallel_loop3A_192 = arith.addf %parallel_loop3A_187, %parallel_loop3A_191 : vector<16xf32>
          %parallel_loop3A_193 = arith.constant 0.000000e+00 : f32
          %parallel_loop3A_194 = vector.broadcast %parallel_loop3A_193 : f32 to vector<16xf32>
          %parallel_loop3A_195 = arith.cmpf oge, %parallel_loop3A_192, %parallel_loop3A_194 : vector<16xf32>
          %parallel_loop3A_196 = arith.constant 2.000000e-01 : f32
          %parallel_loop3A_197 = vector.broadcast %parallel_loop3A_196 : f32 to vector<16xf32>
          %parallel_loop3A_198 = arith.mulf %parallel_loop3A_197, %parallel_loop3A_192 : vector<16xf32>
          %parallel_loop3A_199 = arith.select %parallel_loop3A_195, %parallel_loop3A_192, %parallel_loop3A_198 : vector<16xi1>, vector<16xf32>
          %parallel_loop3A_200 = math.exp %parallel_loop3A_199 : vector<16xf32>
          %parallel_loop3A_201 = arith.index_cast %parallel_loop3A_183 : i32 to index
          %parallel_loop3A_202 = arith.constant 128 : index
          %parallel_loop3A_203 = tpu.vector_load %arg12[%parallel_loop3A_201, %parallel_loop3A_202] {strides = array<i32>} : memref<80x144xf32, #tpu.memory_space<vmem>>, vector<1x16xf32>,
          %parallel_loop3A_204 = vector.shape_cast %parallel_loop3A_203 : vector<1x16xf32> to vector<16xf32>
          %parallel_loop3A_205 = vector.shape_cast %parallel_loop3A_200 : vector<16xf32> to vector<1x16xf32>
          tpu.vector_store %arg12[%parallel_loop3A_201, %parallel_loop3A_202], %parallel_loop3A_205 {strides = array<i32>} : memref<80x144xf32, #tpu.memory_space<vmem>>, vector<1x16xf32>,
          %parallel_loop3A_206 = arith.index_cast %parallel_loop3A_183 : i32 to index
          %parallel_loop3A_207 = arith.constant 0 : index
          %parallel_loop3A_208 = tpu.vector_load %arg12[%parallel_loop3A_206, %parallel_loop3A_207] {strides = array<i32>} : memref<80x144xf32, #tpu.memory_space<vmem>>, vector<1x16xf32>,
          %parallel_loop3A_209 = vector.shape_cast %parallel_loop3A_208 : vector<1x16xf32> to vector<16xf32>
          %parallel_loop3A_210 = vector.extract_strided_slice %parallel_loop3A_200 {offsets = [0], sizes = [1], strides = [1]} : vector<16xf32> to vector<1xf32>
          %parallel_loop3A_211 = vector.extract %parallel_loop3A_210[0] : f32 from vector<1xf32>
          %parallel_loop3A_212 = vector.broadcast %parallel_loop3A_211 : f32 to vector<16xf32>
          %parallel_loop3A_213 = arith.mulf %parallel_loop3A_209, %parallel_loop3A_212 : vector<16xf32>
          %parallel_loop3A_214 = arith.index_cast %parallel_loop3A_183 : i32 to index
          %parallel_loop3A_215 = arith.constant 0 : index
          %parallel_loop3A_216 = tpu.vector_load %arg12[%parallel_loop3A_214, %parallel_loop3A_215] {strides = array<i32>} : memref<80x144xf32, #tpu.memory_space<vmem>>, vector<1x16xf32>,
          %parallel_loop3A_217 = vector.shape_cast %parallel_loop3A_216 : vector<1x16xf32> to vector<16xf32>
          %parallel_loop3A_218 = vector.shape_cast %parallel_loop3A_213 : vector<16xf32> to vector<1x16xf32>
          tpu.vector_store %arg12[%parallel_loop3A_214, %parallel_loop3A_215], %parallel_loop3A_218 {strides = array<i32>} : memref<80x144xf32, #tpu.memory_space<vmem>>, vector<1x16xf32>,
          %parallel_loop3A_219 = arith.index_cast %parallel_loop3A_183 : i32 to index
          %parallel_loop3A_220 = arith.constant 16 : index
          %parallel_loop3A_221 = tpu.vector_load %arg12[%parallel_loop3A_219, %parallel_loop3A_220] {strides = array<i32>} : memref<80x144xf32, #tpu.memory_space<vmem>>, vector<1x16xf32>,
          %parallel_loop3A_222 = vector.shape_cast %parallel_loop3A_221 : vector<1x16xf32> to vector<16xf32>
          %parallel_loop3A_223 = vector.extract_strided_slice %parallel_loop3A_200 {offsets = [1], sizes = [1], strides = [1]} : vector<16xf32> to vector<1xf32>
          %parallel_loop3A_224 = vector.extract %parallel_loop3A_223[0] : f32 from vector<1xf32>
          %parallel_loop3A_225 = vector.broadcast %parallel_loop3A_224 : f32 to vector<16xf32>
          %parallel_loop3A_226 = arith.mulf %parallel_loop3A_222, %parallel_loop3A_225 : vector<16xf32>
          %parallel_loop3A_227 = arith.index_cast %parallel_loop3A_183 : i32 to index
          %parallel_loop3A_228 = arith.constant 16 : index
          %parallel_loop3A_229 = tpu.vector_load %arg12[%parallel_loop3A_227, %parallel_loop3A_228] {strides = array<i32>} : memref<80x144xf32, #tpu.memory_space<vmem>>, vector<1x16xf32>,
          %parallel_loop3A_230 = vector.shape_cast %parallel_loop3A_229 : vector<1x16xf32> to vector<16xf32>
          %parallel_loop3A_231 = vector.shape_cast %parallel_loop3A_226 : vector<16xf32> to vector<1x16xf32>
          tpu.vector_store %arg12[%parallel_loop3A_227, %parallel_loop3A_228], %parallel_loop3A_231 {strides = array<i32>} : memref<80x144xf32, #tpu.memory_space<vmem>>, vector<1x16xf32>,
          %parallel_loop3A_232 = arith.index_cast %parallel_loop3A_183 : i32 to index
          %parallel_loop3A_233 = arith.constant 32 : index
          %parallel_loop3A_234 = tpu.vector_load %arg12[%parallel_loop3A_232, %parallel_loop3A_233] {strides = array<i32>} : memref<80x144xf32, #tpu.memory_space<vmem>>, vector<1x16xf32>,
          %parallel_loop3A_235 = vector.shape_cast %parallel_loop3A_234 : vector<1x16xf32> to vector<16xf32>
          %parallel_loop3A_236 = vector.extract_strided_slice %parallel_loop3A_200 {offsets = [2], sizes = [1], strides = [1]} : vector<16xf32> to vector<1xf32>
          %parallel_loop3A_237 = vector.extract %parallel_loop3A_236[0] : f32 from vector<1xf32>
          %parallel_loop3A_238 = vector.broadcast %parallel_loop3A_237 : f32 to vector<16xf32>
          %parallel_loop3A_239 = arith.mulf %parallel_loop3A_235, %parallel_loop3A_238 : vector<16xf32>
          %parallel_loop3A_240 = arith.index_cast %parallel_loop3A_183 : i32 to index
          %parallel_loop3A_241 = arith.constant 32 : index
          %parallel_loop3A_242 = tpu.vector_load %arg12[%parallel_loop3A_240, %parallel_loop3A_241] {strides = array<i32>} : memref<80x144xf32, #tpu.memory_space<vmem>>, vector<1x16xf32>,
          %parallel_loop3A_243 = vector.shape_cast %parallel_loop3A_242 : vector<1x16xf32> to vector<16xf32>
          %parallel_loop3A_244 = vector.shape_cast %parallel_loop3A_239 : vector<16xf32> to vector<1x16xf32>
          tpu.vector_store %arg12[%parallel_loop3A_240, %parallel_loop3A_241], %parallel_loop3A_244 {strides = array<i32>} : memref<80x144xf32, #tpu.memory_space<vmem>>, vector<1x16xf32>,
          %parallel_loop3A_245 = arith.index_cast %parallel_loop3A_183 : i32 to index
          %parallel_loop3A_246 = arith.constant 48 : index
          %parallel_loop3A_247 = tpu.vector_load %arg12[%parallel_loop3A_245, %parallel_loop3A_246] {strides = array<i32>} : memref<80x144xf32, #tpu.memory_space<vmem>>, vector<1x16xf32>,
          %parallel_loop3A_248 = vector.shape_cast %parallel_loop3A_247 : vector<1x16xf32> to vector<16xf32>
          %parallel_loop3A_249 = vector.extract_strided_slice %parallel_loop3A_200 {offsets = [3], sizes = [1], strides = [1]} : vector<16xf32> to vector<1xf32>
          %parallel_loop3A_250 = vector.extract %parallel_loop3A_249[0] : f32 from vector<1xf32>
          %parallel_loop3A_251 = vector.broadcast %parallel_loop3A_250 : f32 to vector<16xf32>
          %parallel_loop3A_252 = arith.mulf %parallel_loop3A_248, %parallel_loop3A_251 : vector<16xf32>
          %parallel_loop3A_253 = arith.index_cast %parallel_loop3A_183 : i32 to index
          %parallel_loop3A_254 = arith.constant 48 : index
          %parallel_loop3A_255 = tpu.vector_load %arg12[%parallel_loop3A_253, %parallel_loop3A_254] {strides = array<i32>} : memref<80x144xf32, #tpu.memory_space<vmem>>, vector<1x16xf32>,
          %parallel_loop3A_256 = vector.shape_cast %parallel_loop3A_255 : vector<1x16xf32> to vector<16xf32>
          %parallel_loop3A_257 = vector.shape_cast %parallel_loop3A_252 : vector<16xf32> to vector<1x16xf32>
          tpu.vector_store %arg12[%parallel_loop3A_253, %parallel_loop3A_254], %parallel_loop3A_257 {strides = array<i32>} : memref<80x144xf32, #tpu.memory_space<vmem>>, vector<1x16xf32>,
          %parallel_loop3A_258 = arith.index_cast %parallel_loop3A_183 : i32 to index
          %parallel_loop3A_259 = arith.constant 64 : index
          %parallel_loop3A_260 = tpu.vector_load %arg12[%parallel_loop3A_258, %parallel_loop3A_259] {strides = array<i32>} : memref<80x144xf32, #tpu.memory_space<vmem>>, vector<1x16xf32>,
          %parallel_loop3A_261 = vector.shape_cast %parallel_loop3A_260 : vector<1x16xf32> to vector<16xf32>
          %parallel_loop3A_262 = vector.extract_strided_slice %parallel_loop3A_200 {offsets = [4], sizes = [1], strides = [1]} : vector<16xf32> to vector<1xf32>
          %parallel_loop3A_263 = vector.extract %parallel_loop3A_262[0] : f32 from vector<1xf32>
          %parallel_loop3A_264 = vector.broadcast %parallel_loop3A_263 : f32 to vector<16xf32>
          %parallel_loop3A_265 = arith.mulf %parallel_loop3A_261, %parallel_loop3A_264 : vector<16xf32>
          %parallel_loop3A_266 = arith.index_cast %parallel_loop3A_183 : i32 to index
          %parallel_loop3A_267 = arith.constant 64 : index
          %parallel_loop3A_268 = tpu.vector_load %arg12[%parallel_loop3A_266, %parallel_loop3A_267] {strides = array<i32>} : memref<80x144xf32, #tpu.memory_space<vmem>>, vector<1x16xf32>,
          %parallel_loop3A_269 = vector.shape_cast %parallel_loop3A_268 : vector<1x16xf32> to vector<16xf32>
          %parallel_loop3A_270 = vector.shape_cast %parallel_loop3A_265 : vector<16xf32> to vector<1x16xf32>
          tpu.vector_store %arg12[%parallel_loop3A_266, %parallel_loop3A_267], %parallel_loop3A_270 {strides = array<i32>} : memref<80x144xf32, #tpu.memory_space<vmem>>, vector<1x16xf32>,
          %parallel_loop3A_271 = arith.index_cast %parallel_loop3A_183 : i32 to index
          %parallel_loop3A_272 = arith.constant 80 : index
          %parallel_loop3A_273 = tpu.vector_load %arg12[%parallel_loop3A_271, %parallel_loop3A_272] {strides = array<i32>} : memref<80x144xf32, #tpu.memory_space<vmem>>, vector<1x16xf32>,
          %parallel_loop3A_274 = vector.shape_cast %parallel_loop3A_273 : vector<1x16xf32> to vector<16xf32>
          %parallel_loop3A_275 = vector.extract_strided_slice %parallel_loop3A_200 {offsets = [5], sizes = [1], strides = [1]} : vector<16xf32> to vector<1xf32>
          %parallel_loop3A_276 = vector.extract %parallel_loop3A_275[0] : f32 from vector<1xf32>
          %parallel_loop3A_277 = vector.broadcast %parallel_loop3A_276 : f32 to vector<16xf32>
          %parallel_loop3A_278 = arith.mulf %parallel_loop3A_274, %parallel_loop3A_277 : vector<16xf32>
          %parallel_loop3A_279 = arith.index_cast %parallel_loop3A_183 : i32 to index
          %parallel_loop3A_280 = arith.constant 80 : index
          %parallel_loop3A_281 = tpu.vector_load %arg12[%parallel_loop3A_279, %parallel_loop3A_280] {strides = array<i32>} : memref<80x144xf32, #tpu.memory_space<vmem>>, vector<1x16xf32>,
          %parallel_loop3A_282 = vector.shape_cast %parallel_loop3A_281 : vector<1x16xf32> to vector<16xf32>
          %parallel_loop3A_283 = vector.shape_cast %parallel_loop3A_278 : vector<16xf32> to vector<1x16xf32>
          tpu.vector_store %arg12[%parallel_loop3A_279, %parallel_loop3A_280], %parallel_loop3A_283 {strides = array<i32>} : memref<80x144xf32, #tpu.memory_space<vmem>>, vector<1x16xf32>,
          %parallel_loop3A_284 = arith.index_cast %parallel_loop3A_183 : i32 to index
          %parallel_loop3A_285 = arith.constant 96 : index
          %parallel_loop3A_286 = tpu.vector_load %arg12[%parallel_loop3A_284, %parallel_loop3A_285] {strides = array<i32>} : memref<80x144xf32, #tpu.memory_space<vmem>>, vector<1x16xf32>,
          %parallel_loop3A_287 = vector.shape_cast %parallel_loop3A_286 : vector<1x16xf32> to vector<16xf32>
          %parallel_loop3A_288 = vector.extract_strided_slice %parallel_loop3A_200 {offsets = [6], sizes = [1], strides = [1]} : vector<16xf32> to vector<1xf32>
          %parallel_loop3A_289 = vector.extract %parallel_loop3A_288[0] : f32 from vector<1xf32>
          %parallel_loop3A_290 = vector.broadcast %parallel_loop3A_289 : f32 to vector<16xf32>
          %parallel_loop3A_291 = arith.mulf %parallel_loop3A_287, %parallel_loop3A_290 : vector<16xf32>
          %parallel_loop3A_292 = arith.index_cast %parallel_loop3A_183 : i32 to index
          %parallel_loop3A_293 = arith.constant 96 : index
          %parallel_loop3A_294 = tpu.vector_load %arg12[%parallel_loop3A_292, %parallel_loop3A_293] {strides = array<i32>} : memref<80x144xf32, #tpu.memory_space<vmem>>, vector<1x16xf32>,
          %parallel_loop3A_295 = vector.shape_cast %parallel_loop3A_294 : vector<1x16xf32> to vector<16xf32>
          %parallel_loop3A_296 = vector.shape_cast %parallel_loop3A_291 : vector<16xf32> to vector<1x16xf32>
          tpu.vector_store %arg12[%parallel_loop3A_292, %parallel_loop3A_293], %parallel_loop3A_296 {strides = array<i32>} : memref<80x144xf32, #tpu.memory_space<vmem>>, vector<1x16xf32>,
          %parallel_loop3A_297 = arith.index_cast %parallel_loop3A_183 : i32 to index
          %parallel_loop3A_298 = arith.constant 112 : index
          %parallel_loop3A_299 = tpu.vector_load %arg12[%parallel_loop3A_297, %parallel_loop3A_298] {strides = array<i32>} : memref<80x144xf32, #tpu.memory_space<vmem>>, vector<1x16xf32>,
          %parallel_loop3A_300 = vector.shape_cast %parallel_loop3A_299 : vector<1x16xf32> to vector<16xf32>
          %parallel_loop3A_301 = vector.extract_strided_slice %parallel_loop3A_200 {offsets = [7], sizes = [1], strides = [1]} : vector<16xf32> to vector<1xf32>
          %parallel_loop3A_302 = vector.extract %parallel_loop3A_301[0] : f32 from vector<1xf32>
          %parallel_loop3A_303 = vector.broadcast %parallel_loop3A_302 : f32 to vector<16xf32>
          %parallel_loop3A_304 = arith.mulf %parallel_loop3A_300, %parallel_loop3A_303 : vector<16xf32>
          %parallel_loop3A_305 = arith.index_cast %parallel_loop3A_183 : i32 to index
          %parallel_loop3A_306 = arith.constant 112 : index
          %parallel_loop3A_307 = tpu.vector_load %arg12[%parallel_loop3A_305, %parallel_loop3A_306] {strides = array<i32>} : memref<80x144xf32, #tpu.memory_space<vmem>>, vector<1x16xf32>,
          %parallel_loop3A_308 = vector.shape_cast %parallel_loop3A_307 : vector<1x16xf32> to vector<16xf32>
          %parallel_loop3A_309 = vector.shape_cast %parallel_loop3A_304 : vector<16xf32> to vector<1x16xf32>
          tpu.vector_store %arg12[%parallel_loop3A_305, %parallel_loop3A_306], %parallel_loop3A_309 {strides = array<i32>} : memref<80x144xf32, #tpu.memory_space<vmem>>, vector<1x16xf32>,
        } {sc.loop_unroll_factor = 2 : i64, sc.parallel_access}
        %run_scoped3A = arith.constant 1 : i32
        "tpu.region"() ({
          %run_scoped3A_183 = tpu.sem_alloc : memref<!tpu.dma_semaphore, #tpu.memory_space<semaphore_mem>>
          %dma_start3A_184 = arith.constant 0 : i32
          %dma_start3A_185 = tpu.memref_slice %arg8[%run_scoped3A, %dma_start3A_184] : memref<2x80xi32, #tpu.memory_space<vmem>> -> memref<1x80xi32, #tpu.memory_space<vmem>>
          %dma_start3A_186 = tpu.memref_squeeze %dma_start3A_185 : memref<1x80xi32, #tpu.memory_space<vmem>> -> memref<80xi32, #tpu.memory_space<vmem>>
          %dma_start3A_187 = arith.constant 0 : i32
          %dma_start3A_188 = arith.constant 0 : i32
          %dma_start3A_189 = tpu.memref_slice %arg13[%dma_start3A_187, %dma_start3A_188] : memref<10000x144xf32, #tpu.memory_space<vmem_shared>> -> memref<10000x144xf32, #tpu.memory_space<vmem_shared>>
          tpu.enqueue_indirect_dma source(%arg12 : memref<80x144xf32, #tpu.memory_space<vmem>>) target(%dma_start3A_189 : memref<10000x144xf32, #tpu.memory_space<vmem_shared>>) offsets(%dma_start3A_186 : memref<80xi32, #tpu.memory_space<vmem>>) semaphore(%run_scoped3A_183 : memref<!tpu.dma_semaphore, #tpu.memory_space<semaphore_mem>>) {add = true}
          %dma_wait3A_190 = arith.constant 0 : i32
          %dma_wait3A_191 = tpu.memref_slice %arg8[%run_scoped3A, %dma_wait3A_190] : memref<2x80xi32, #tpu.memory_space<vmem>> -> memref<1x80xi32, #tpu.memory_space<vmem>>
          %dma_wait3A_192 = tpu.memref_squeeze %dma_wait3A_191 : memref<1x80xi32, #tpu.memory_space<vmem>> -> memref<80xi32, #tpu.memory_space<vmem>>
          %dma_wait3A_193 = arith.constant 0 : i32
          %dma_wait3A_194 = arith.constant 0 : i32
          %dma_wait3A_195 = tpu.memref_slice %arg13[%dma_wait3A_193, %dma_wait3A_194] : memref<10000x144xf32, #tpu.memory_space<vmem_shared>> -> memref<10000x144xf32, #tpu.memory_space<vmem_shared>>
          tpu.wait_indirect_dma semaphore(%run_scoped3A_183 : memref<!tpu.dma_semaphore, #tpu.memory_space<semaphore_mem>>) src(%arg12 : memref<80x144xf32, #tpu.memory_space<vmem>>) dst(%dma_wait3A_195 : memref<10000x144xf32, #tpu.memory_space<vmem_shared>>)
          tpu.yield
        }) : () -> ()
        %add3A_176 = arith.constant 2 : i32
        %add3A_177 = arith.addi %scan3A_141, %add3A_176 : i32
        %lt3A_178 = arith.constant 125 : i32
        %lt3A_179 = arith.cmpi slt, %add3A_177, %lt3A_178 : i32
        %convert_element_type3A_180 = arith.extui %lt3A_179 : i1 to i32
        %cond3A_181 = arith.constant 0 : i32
        %cond3A_182 = arith.cmpi ne, %convert_element_type3A_180, %cond3A_181 : i32
        scf.if %cond3A_182 {
          %add3A_183 = arith.constant 2 : i32
          %add3A_184 = arith.addi %scan3A_141, %add3A_183 : i32
          %mul3A_185 = arith.constant 80 : i32
          %mul3A_186 = arith.muli %add3A_184, %mul3A_185 : i32
          %add3A_187 = arith.addi %mul3A_2, %mul3A_186 : i32
          %multiple_of3A_188 = tpu.assume_multiple %add3A_187, 8 : i32
          "tpu.region"() ({
            %run_scoped3A_189 = tpu.sem_alloc : memref<!tpu.dma_semaphore, #tpu.memory_space<semaphore_mem>>
            %dma_start3A_190 = arith.constant 0 : i32
            %dma_start3A_191 = tpu.memref_slice %arg4[%dma_start3A_190, %multiple_of3A_188] : memref<2x320000xi32, #tpu.memory_space<hbm>> -> memref<2x80xi32, #tpu.memory_space<hbm>>
            %dma_start3A_192 = arith.constant 0 : i32
            %dma_start3A_193 = tpu.memref_slice %arg4[%dma_start3A_192, %multiple_of3A_188] : memref<2x320000xi32, #tpu.memory_space<hbm>> -> memref<2x80xi32, #tpu.memory_space<hbm>>
            tpu.enqueue_dma source(%dma_start3A_193 : memref<2x80xi32, #tpu.memory_space<hbm>>) target(%arg8 : memref<2x80xi32, #tpu.memory_space<vmem>>) target_semaphore(%run_scoped3A_189 : memref<!tpu.dma_semaphore, #tpu.memory_space<semaphore_mem>>)
            %dma_wait3A_194 = arith.constant 0 : i32
            %dma_wait3A_195 = tpu.memref_slice %arg4[%dma_wait3A_194, %multiple_of3A_188] : memref<2x320000xi32, #tpu.memory_space<hbm>> -> memref<2x80xi32, #tpu.memory_space<hbm>>
            %dma_wait3A_196 = arith.constant 0 : i32
            %dma_wait3A_197 = tpu.memref_slice %arg4[%dma_wait3A_196, %multiple_of3A_188] : memref<2x320000xi32, #tpu.memory_space<hbm>> -> memref<2x80xi32, #tpu.memory_space<hbm>>
            tpu.wait_dma2 semaphore(%run_scoped3A_189 : memref<!tpu.dma_semaphore, #tpu.memory_space<semaphore_mem>>) src(%dma_wait3A_197 : memref<2x80xi32, #tpu.memory_space<hbm>>) dst(%arg8 : memref<2x80xi32, #tpu.memory_space<vmem>>)
            tpu.yield
          }) : () -> ()
        } else {
        }
      } else {
      }
    }
    %scan3A_83 = arith.constant 125 : i32
    %barrier3A_84 = arith.constant 0 : index
    tpu.barrier barrier_id(%barrier3A_84)
    %add3A_85 = arith.constant 0 : i32
    %add3A_86 = arith.addi %add3A_85, %arg1 : i32
    %lt3A_87 = arith.constant 125 : i32
    %lt3A_88 = arith.cmpi slt, %add3A_86, %lt3A_87 : i32
    %convert_element_type3A_89 = arith.extui %lt3A_88 : i1 to i32
    %cond3A_90 = arith.constant 0 : i32
    %cond3A_91 = arith.cmpi ne, %convert_element_type3A_89, %cond3A_90 : i32
    scf.if %cond3A_91 {
      %mul3A_141 = arith.constant 80 : i32
      %mul3A_142 = arith.muli %add3A_86, %mul3A_141 : i32
      %multiple_of3A_143 = tpu.assume_multiple %mul3A_142, 8 : i32
      %eq3A = arith.constant 0 : i32
      %eq3A_144 = arith.cmpi eq, %arg0, %eq3A : i32
      %convert_element_type3A_145 = arith.extui %eq3A_144 : i1 to i32
      %cond3A_146 = arith.constant 0 : i32
      %cond3A_147 = arith.cmpi ne, %convert_element_type3A_145, %cond3A_146 : i32
      scf.if %cond3A_147 {
        "tpu.region"() ({
          %run_scoped3A = tpu.sem_alloc : memref<!tpu.dma_semaphore, #tpu.memory_space<semaphore_mem>>
          %dma_start3A_153 = arith.constant 0 : i32
          %dma_start3A_154 = tpu.memref_slice %arg5[%multiple_of3A_143, %dma_start3A_153] : memref<10000x144xf32, #tpu.memory_space<hbm>> -> memref<80x144xf32, #tpu.memory_space<hbm>>
          %dma_start3A_155 = arith.constant 0 : i32
          %dma_start3A_156 = tpu.memref_slice %arg13[%multiple_of3A_143, %dma_start3A_155] : memref<10000x144xf32, #tpu.memory_space<vmem_shared>> -> memref<80x144xf32, #tpu.memory_space<vmem_shared>>
          tpu.enqueue_dma source(%dma_start3A_156 : memref<80x144xf32, #tpu.memory_space<vmem_shared>>) target(%dma_start3A_154 : memref<80x144xf32, #tpu.memory_space<hbm>>) target_semaphore(%run_scoped3A : memref<!tpu.dma_semaphore, #tpu.memory_space<semaphore_mem>>)
          %dma_wait3A = arith.constant 0 : i32
          %dma_wait3A_157 = tpu.memref_slice %arg5[%multiple_of3A_143, %dma_wait3A] : memref<10000x144xf32, #tpu.memory_space<hbm>> -> memref<80x144xf32, #tpu.memory_space<hbm>>
          %dma_wait3A_158 = arith.constant 0 : i32
          %dma_wait3A_159 = tpu.memref_slice %arg13[%multiple_of3A_143, %dma_wait3A_158] : memref<10000x144xf32, #tpu.memory_space<vmem_shared>> -> memref<80x144xf32, #tpu.memory_space<vmem_shared>>
          tpu.wait_dma2 semaphore(%run_scoped3A : memref<!tpu.dma_semaphore, #tpu.memory_space<semaphore_mem>>) src(%dma_wait3A_159 : memref<80x144xf32, #tpu.memory_space<vmem_shared>>) dst(%dma_wait3A_157 : memref<80x144xf32, #tpu.memory_space<hbm>>)
          tpu.yield
        }) : () -> ()
      } else {
      }
      %eq3A_148 = arith.constant 1 : i32
      %eq3A_149 = arith.cmpi eq, %arg0, %eq3A_148 : i32
      %convert_element_type3A_150 = arith.extui %eq3A_149 : i1 to i32
      %cond3A_151 = arith.constant 0 : i32
      %cond3A_152 = arith.cmpi ne, %convert_element_type3A_150, %cond3A_151 : i32
      scf.if %cond3A_152 {
        "tpu.region"() ({
          %run_scoped3A = tpu.sem_alloc : memref<!tpu.dma_semaphore, #tpu.memory_space<semaphore_mem>>
          %dma_start3A_153 = arith.constant 0 : i32
          %dma_start3A_154 = tpu.memref_slice %arg6[%multiple_of3A_143, %dma_start3A_153] : memref<10000x144xf32, #tpu.memory_space<hbm>> -> memref<80x144xf32, #tpu.memory_space<hbm>>
          %dma_start3A_155 = arith.constant 0 : i32
          %dma_start3A_156 = tpu.memref_slice %arg13[%multiple_of3A_143, %dma_start3A_155] : memref<10000x144xf32, #tpu.memory_space<vmem_shared>> -> memref<80x144xf32, #tpu.memory_space<vmem_shared>>
          tpu.enqueue_dma source(%dma_start3A_156 : memref<80x144xf32, #tpu.memory_space<vmem_shared>>) target(%dma_start3A_154 : memref<80x144xf32, #tpu.memory_space<hbm>>) target_semaphore(%run_scoped3A : memref<!tpu.dma_semaphore, #tpu.memory_space<semaphore_mem>>)
          %dma_wait3A = arith.constant 0 : i32
          %dma_wait3A_157 = tpu.memref_slice %arg6[%multiple_of3A_143, %dma_wait3A] : memref<10000x144xf32, #tpu.memory_space<hbm>> -> memref<80x144xf32, #tpu.memory_space<hbm>>
          %dma_wait3A_158 = arith.constant 0 : i32
          %dma_wait3A_159 = tpu.memref_slice %arg13[%multiple_of3A_143, %dma_wait3A_158] : memref<10000x144xf32, #tpu.memory_space<vmem_shared>> -> memref<80x144xf32, #tpu.memory_space<vmem_shared>>
          tpu.wait_dma2 semaphore(%run_scoped3A : memref<!tpu.dma_semaphore, #tpu.memory_space<semaphore_mem>>) src(%dma_wait3A_159 : memref<80x144xf32, #tpu.memory_space<vmem_shared>>) dst(%dma_wait3A_157 : memref<80x144xf32, #tpu.memory_space<hbm>>)
          tpu.yield
        }) : () -> ()
      } else {
      }
    } else {
    }
    %add3A_92 = arith.constant 16 : i32
    %add3A_93 = arith.addi %add3A_92, %arg1 : i32
    %lt3A_94 = arith.constant 125 : i32
    %lt3A_95 = arith.cmpi slt, %add3A_93, %lt3A_94 : i32
    %convert_element_type3A_96 = arith.extui %lt3A_95 : i1 to i32
    %cond3A_97 = arith.constant 0 : i32
    %cond3A_98 = arith.cmpi ne, %convert_element_type3A_96, %cond3A_97 : i32
    scf.if %cond3A_98 {
      %mul3A_141 = arith.constant 80 : i32
      %mul3A_142 = arith.muli %add3A_93, %mul3A_141 : i32
      %multiple_of3A_143 = tpu.assume_multiple %mul3A_142, 8 : i32
      %eq3A = arith.constant 0 : i32
      %eq3A_144 = arith.cmpi eq, %arg0, %eq3A : i32
      %convert_element_type3A_145 = arith.extui %eq3A_144 : i1 to i32
      %cond3A_146 = arith.constant 0 : i32
      %cond3A_147 = arith.cmpi ne, %convert_element_type3A_145, %cond3A_146 : i32
      scf.if %cond3A_147 {
        "tpu.region"() ({
          %run_scoped3A = tpu.sem_alloc : memref<!tpu.dma_semaphore, #tpu.memory_space<semaphore_mem>>
          %dma_start3A_153 = arith.constant 0 : i32
          %dma_start3A_154 = tpu.memref_slice %arg5[%multiple_of3A_143, %dma_start3A_153] : memref<10000x144xf32, #tpu.memory_space<hbm>> -> memref<80x144xf32, #tpu.memory_space<hbm>>
          %dma_start3A_155 = arith.constant 0 : i32
          %dma_start3A_156 = tpu.memref_slice %arg13[%multiple_of3A_143, %dma_start3A_155] : memref<10000x144xf32, #tpu.memory_space<vmem_shared>> -> memref<80x144xf32, #tpu.memory_space<vmem_shared>>
          tpu.enqueue_dma source(%dma_start3A_156 : memref<80x144xf32, #tpu.memory_space<vmem_shared>>) target(%dma_start3A_154 : memref<80x144xf32, #tpu.memory_space<hbm>>) target_semaphore(%run_scoped3A : memref<!tpu.dma_semaphore, #tpu.memory_space<semaphore_mem>>)
          %dma_wait3A = arith.constant 0 : i32
          %dma_wait3A_157 = tpu.memref_slice %arg5[%multiple_of3A_143, %dma_wait3A] : memref<10000x144xf32, #tpu.memory_space<hbm>> -> memref<80x144xf32, #tpu.memory_space<hbm>>
          %dma_wait3A_158 = arith.constant 0 : i32
          %dma_wait3A_159 = tpu.memref_slice %arg13[%multiple_of3A_143, %dma_wait3A_158] : memref<10000x144xf32, #tpu.memory_space<vmem_shared>> -> memref<80x144xf32, #tpu.memory_space<vmem_shared>>
          tpu.wait_dma2 semaphore(%run_scoped3A : memref<!tpu.dma_semaphore, #tpu.memory_space<semaphore_mem>>) src(%dma_wait3A_159 : memref<80x144xf32, #tpu.memory_space<vmem_shared>>) dst(%dma_wait3A_157 : memref<80x144xf32, #tpu.memory_space<hbm>>)
          tpu.yield
        }) : () -> ()
      } else {
      }
      %eq3A_148 = arith.constant 1 : i32
      %eq3A_149 = arith.cmpi eq, %arg0, %eq3A_148 : i32
      %convert_element_type3A_150 = arith.extui %eq3A_149 : i1 to i32
      %cond3A_151 = arith.constant 0 : i32
      %cond3A_152 = arith.cmpi ne, %convert_element_type3A_150, %cond3A_151 : i32
      scf.if %cond3A_152 {
        "tpu.region"() ({
          %run_scoped3A = tpu.sem_alloc : memref<!tpu.dma_semaphore, #tpu.memory_space<semaphore_mem>>
          %dma_start3A_153 = arith.constant 0 : i32
          %dma_start3A_154 = tpu.memref_slice %arg6[%multiple_of3A_143, %dma_start3A_153] : memref<10000x144xf32, #tpu.memory_space<hbm>> -> memref<80x144xf32, #tpu.memory_space<hbm>>
          %dma_start3A_155 = arith.constant 0 : i32
          %dma_start3A_156 = tpu.memref_slice %arg13[%multiple_of3A_143, %dma_start3A_155] : memref<10000x144xf32, #tpu.memory_space<vmem_shared>> -> memref<80x144xf32, #tpu.memory_space<vmem_shared>>
          tpu.enqueue_dma source(%dma_start3A_156 : memref<80x144xf32, #tpu.memory_space<vmem_shared>>) target(%dma_start3A_154 : memref<80x144xf32, #tpu.memory_space<hbm>>) target_semaphore(%run_scoped3A : memref<!tpu.dma_semaphore, #tpu.memory_space<semaphore_mem>>)
          %dma_wait3A = arith.constant 0 : i32
          %dma_wait3A_157 = tpu.memref_slice %arg6[%multiple_of3A_143, %dma_wait3A] : memref<10000x144xf32, #tpu.memory_space<hbm>> -> memref<80x144xf32, #tpu.memory_space<hbm>>
          %dma_wait3A_158 = arith.constant 0 : i32
          %dma_wait3A_159 = tpu.memref_slice %arg13[%multiple_of3A_143, %dma_wait3A_158] : memref<10000x144xf32, #tpu.memory_space<vmem_shared>> -> memref<80x144xf32, #tpu.memory_space<vmem_shared>>
          tpu.wait_dma2 semaphore(%run_scoped3A : memref<!tpu.dma_semaphore, #tpu.memory_space<semaphore_mem>>) src(%dma_wait3A_159 : memref<80x144xf32, #tpu.memory_space<vmem_shared>>) dst(%dma_wait3A_157 : memref<80x144xf32, #tpu.memory_space<hbm>>)
          tpu.yield
        }) : () -> ()
      } else {
      }
    } else {
    }
    %add3A_99 = arith.constant 32 : i32
    %add3A_100 = arith.addi %add3A_99, %arg1 : i32
    %lt3A_101 = arith.constant 125 : i32
    %lt3A_102 = arith.cmpi slt, %add3A_100, %lt3A_101 : i32
    %convert_element_type3A_103 = arith.extui %lt3A_102 : i1 to i32
    %cond3A_104 = arith.constant 0 : i32
    %cond3A_105 = arith.cmpi ne, %convert_element_type3A_103, %cond3A_104 : i32
    scf.if %cond3A_105 {
      %mul3A_141 = arith.constant 80 : i32
      %mul3A_142 = arith.muli %add3A_100, %mul3A_141 : i32
      %multiple_of3A_143 = tpu.assume_multiple %mul3A_142, 8 : i32
      %eq3A = arith.constant 0 : i32
      %eq3A_144 = arith.cmpi eq, %arg0, %eq3A : i32
      %convert_element_type3A_145 = arith.extui %eq3A_144 : i1 to i32
      %cond3A_146 = arith.constant 0 : i32
      %cond3A_147 = arith.cmpi ne, %convert_element_type3A_145, %cond3A_146 : i32
      scf.if %cond3A_147 {
        "tpu.region"() ({
          %run_scoped3A = tpu.sem_alloc : memref<!tpu.dma_semaphore, #tpu.memory_space<semaphore_mem>>
          %dma_start3A_153 = arith.constant 0 : i32
          %dma_start3A_154 = tpu.memref_slice %arg5[%multiple_of3A_143, %dma_start3A_153] : memref<10000x144xf32, #tpu.memory_space<hbm>> -> memref<80x144xf32, #tpu.memory_space<hbm>>
          %dma_start3A_155 = arith.constant 0 : i32
          %dma_start3A_156 = tpu.memref_slice %arg13[%multiple_of3A_143, %dma_start3A_155] : memref<10000x144xf32, #tpu.memory_space<vmem_shared>> -> memref<80x144xf32, #tpu.memory_space<vmem_shared>>
          tpu.enqueue_dma source(%dma_start3A_156 : memref<80x144xf32, #tpu.memory_space<vmem_shared>>) target(%dma_start3A_154 : memref<80x144xf32, #tpu.memory_space<hbm>>) target_semaphore(%run_scoped3A : memref<!tpu.dma_semaphore, #tpu.memory_space<semaphore_mem>>)
          %dma_wait3A = arith.constant 0 : i32
          %dma_wait3A_157 = tpu.memref_slice %arg5[%multiple_of3A_143, %dma_wait3A] : memref<10000x144xf32, #tpu.memory_space<hbm>> -> memref<80x144xf32, #tpu.memory_space<hbm>>
          %dma_wait3A_158 = arith.constant 0 : i32
          %dma_wait3A_159 = tpu.memref_slice %arg13[%multiple_of3A_143, %dma_wait3A_158] : memref<10000x144xf32, #tpu.memory_space<vmem_shared>> -> memref<80x144xf32, #tpu.memory_space<vmem_shared>>
          tpu.wait_dma2 semaphore(%run_scoped3A : memref<!tpu.dma_semaphore, #tpu.memory_space<semaphore_mem>>) src(%dma_wait3A_159 : memref<80x144xf32, #tpu.memory_space<vmem_shared>>) dst(%dma_wait3A_157 : memref<80x144xf32, #tpu.memory_space<hbm>>)
          tpu.yield
        }) : () -> ()
      } else {
      }
      %eq3A_148 = arith.constant 1 : i32
      %eq3A_149 = arith.cmpi eq, %arg0, %eq3A_148 : i32
      %convert_element_type3A_150 = arith.extui %eq3A_149 : i1 to i32
      %cond3A_151 = arith.constant 0 : i32
      %cond3A_152 = arith.cmpi ne, %convert_element_type3A_150, %cond3A_151 : i32
      scf.if %cond3A_152 {
        "tpu.region"() ({
          %run_scoped3A = tpu.sem_alloc : memref<!tpu.dma_semaphore, #tpu.memory_space<semaphore_mem>>
          %dma_start3A_153 = arith.constant 0 : i32
          %dma_start3A_154 = tpu.memref_slice %arg6[%multiple_of3A_143, %dma_start3A_153] : memref<10000x144xf32, #tpu.memory_space<hbm>> -> memref<80x144xf32, #tpu.memory_space<hbm>>
          %dma_start3A_155 = arith.constant 0 : i32
          %dma_start3A_156 = tpu.memref_slice %arg13[%multiple_of3A_143, %dma_start3A_155] : memref<10000x144xf32, #tpu.memory_space<vmem_shared>> -> memref<80x144xf32, #tpu.memory_space<vmem_shared>>
          tpu.enqueue_dma source(%dma_start3A_156 : memref<80x144xf32, #tpu.memory_space<vmem_shared>>) target(%dma_start3A_154 : memref<80x144xf32, #tpu.memory_space<hbm>>) target_semaphore(%run_scoped3A : memref<!tpu.dma_semaphore, #tpu.memory_space<semaphore_mem>>)
          %dma_wait3A = arith.constant 0 : i32
          %dma_wait3A_157 = tpu.memref_slice %arg6[%multiple_of3A_143, %dma_wait3A] : memref<10000x144xf32, #tpu.memory_space<hbm>> -> memref<80x144xf32, #tpu.memory_space<hbm>>
          %dma_wait3A_158 = arith.constant 0 : i32
          %dma_wait3A_159 = tpu.memref_slice %arg13[%multiple_of3A_143, %dma_wait3A_158] : memref<10000x144xf32, #tpu.memory_space<vmem_shared>> -> memref<80x144xf32, #tpu.memory_space<vmem_shared>>
          tpu.wait_dma2 semaphore(%run_scoped3A : memref<!tpu.dma_semaphore, #tpu.memory_space<semaphore_mem>>) src(%dma_wait3A_159 : memref<80x144xf32, #tpu.memory_space<vmem_shared>>) dst(%dma_wait3A_157 : memref<80x144xf32, #tpu.memory_space<hbm>>)
          tpu.yield
        }) : () -> ()
      } else {
      }
    } else {
    }
    %add3A_106 = arith.constant 48 : i32
    %add3A_107 = arith.addi %add3A_106, %arg1 : i32
    %lt3A_108 = arith.constant 125 : i32
    %lt3A_109 = arith.cmpi slt, %add3A_107, %lt3A_108 : i32
    %convert_element_type3A_110 = arith.extui %lt3A_109 : i1 to i32
    %cond3A_111 = arith.constant 0 : i32
    %cond3A_112 = arith.cmpi ne, %convert_element_type3A_110, %cond3A_111 : i32
    scf.if %cond3A_112 {
      %mul3A_141 = arith.constant 80 : i32
      %mul3A_142 = arith.muli %add3A_107, %mul3A_141 : i32
      %multiple_of3A_143 = tpu.assume_multiple %mul3A_142, 8 : i32
      %eq3A = arith.constant 0 : i32
      %eq3A_144 = arith.cmpi eq, %arg0, %eq3A : i32
      %convert_element_type3A_145 = arith.extui %eq3A_144 : i1 to i32
      %cond3A_146 = arith.constant 0 : i32
      %cond3A_147 = arith.cmpi ne, %convert_element_type3A_145, %cond3A_146 : i32
      scf.if %cond3A_147 {
        "tpu.region"() ({
          %run_scoped3A = tpu.sem_alloc : memref<!tpu.dma_semaphore, #tpu.memory_space<semaphore_mem>>
          %dma_start3A_153 = arith.constant 0 : i32
          %dma_start3A_154 = tpu.memref_slice %arg5[%multiple_of3A_143, %dma_start3A_153] : memref<10000x144xf32, #tpu.memory_space<hbm>> -> memref<80x144xf32, #tpu.memory_space<hbm>>
          %dma_start3A_155 = arith.constant 0 : i32
          %dma_start3A_156 = tpu.memref_slice %arg13[%multiple_of3A_143, %dma_start3A_155] : memref<10000x144xf32, #tpu.memory_space<vmem_shared>> -> memref<80x144xf32, #tpu.memory_space<vmem_shared>>
          tpu.enqueue_dma source(%dma_start3A_156 : memref<80x144xf32, #tpu.memory_space<vmem_shared>>) target(%dma_start3A_154 : memref<80x144xf32, #tpu.memory_space<hbm>>) target_semaphore(%run_scoped3A : memref<!tpu.dma_semaphore, #tpu.memory_space<semaphore_mem>>)
          %dma_wait3A = arith.constant 0 : i32
          %dma_wait3A_157 = tpu.memref_slice %arg5[%multiple_of3A_143, %dma_wait3A] : memref<10000x144xf32, #tpu.memory_space<hbm>> -> memref<80x144xf32, #tpu.memory_space<hbm>>
          %dma_wait3A_158 = arith.constant 0 : i32
          %dma_wait3A_159 = tpu.memref_slice %arg13[%multiple_of3A_143, %dma_wait3A_158] : memref<10000x144xf32, #tpu.memory_space<vmem_shared>> -> memref<80x144xf32, #tpu.memory_space<vmem_shared>>
          tpu.wait_dma2 semaphore(%run_scoped3A : memref<!tpu.dma_semaphore, #tpu.memory_space<semaphore_mem>>) src(%dma_wait3A_159 : memref<80x144xf32, #tpu.memory_space<vmem_shared>>) dst(%dma_wait3A_157 : memref<80x144xf32, #tpu.memory_space<hbm>>)
          tpu.yield
        }) : () -> ()
      } else {
      }
      %eq3A_148 = arith.constant 1 : i32
      %eq3A_149 = arith.cmpi eq, %arg0, %eq3A_148 : i32
      %convert_element_type3A_150 = arith.extui %eq3A_149 : i1 to i32
      %cond3A_151 = arith.constant 0 : i32
      %cond3A_152 = arith.cmpi ne, %convert_element_type3A_150, %cond3A_151 : i32
      scf.if %cond3A_152 {
        "tpu.region"() ({
          %run_scoped3A = tpu.sem_alloc : memref<!tpu.dma_semaphore, #tpu.memory_space<semaphore_mem>>
          %dma_start3A_153 = arith.constant 0 : i32
          %dma_start3A_154 = tpu.memref_slice %arg6[%multiple_of3A_143, %dma_start3A_153] : memref<10000x144xf32, #tpu.memory_space<hbm>> -> memref<80x144xf32, #tpu.memory_space<hbm>>
          %dma_start3A_155 = arith.constant 0 : i32
          %dma_start3A_156 = tpu.memref_slice %arg13[%multiple_of3A_143, %dma_start3A_155] : memref<10000x144xf32, #tpu.memory_space<vmem_shared>> -> memref<80x144xf32, #tpu.memory_space<vmem_shared>>
          tpu.enqueue_dma source(%dma_start3A_156 : memref<80x144xf32, #tpu.memory_space<vmem_shared>>) target(%dma_start3A_154 : memref<80x144xf32, #tpu.memory_space<hbm>>) target_semaphore(%run_scoped3A : memref<!tpu.dma_semaphore, #tpu.memory_space<semaphore_mem>>)
          %dma_wait3A = arith.constant 0 : i32
          %dma_wait3A_157 = tpu.memref_slice %arg6[%multiple_of3A_143, %dma_wait3A] : memref<10000x144xf32, #tpu.memory_space<hbm>> -> memref<80x144xf32, #tpu.memory_space<hbm>>
          %dma_wait3A_158 = arith.constant 0 : i32
          %dma_wait3A_159 = tpu.memref_slice %arg13[%multiple_of3A_143, %dma_wait3A_158] : memref<10000x144xf32, #tpu.memory_space<vmem_shared>> -> memref<80x144xf32, #tpu.memory_space<vmem_shared>>
          tpu.wait_dma2 semaphore(%run_scoped3A : memref<!tpu.dma_semaphore, #tpu.memory_space<semaphore_mem>>) src(%dma_wait3A_159 : memref<80x144xf32, #tpu.memory_space<vmem_shared>>) dst(%dma_wait3A_157 : memref<80x144xf32, #tpu.memory_space<hbm>>)
          tpu.yield
        }) : () -> ()
      } else {
      }
    } else {
    }
    %add3A_113 = arith.constant 64 : i32
    %add3A_114 = arith.addi %add3A_113, %arg1 : i32
    %lt3A_115 = arith.constant 125 : i32
    %lt3A_116 = arith.cmpi slt, %add3A_114, %lt3A_115 : i32
    %convert_element_type3A_117 = arith.extui %lt3A_116 : i1 to i32
    %cond3A_118 = arith.constant 0 : i32
    %cond3A_119 = arith.cmpi ne, %convert_element_type3A_117, %cond3A_118 : i32
    scf.if %cond3A_119 {
      %mul3A_141 = arith.constant 80 : i32
      %mul3A_142 = arith.muli %add3A_114, %mul3A_141 : i32
      %multiple_of3A_143 = tpu.assume_multiple %mul3A_142, 8 : i32
      %eq3A = arith.constant 0 : i32
      %eq3A_144 = arith.cmpi eq, %arg0, %eq3A : i32
      %convert_element_type3A_145 = arith.extui %eq3A_144 : i1 to i32
      %cond3A_146 = arith.constant 0 : i32
      %cond3A_147 = arith.cmpi ne, %convert_element_type3A_145, %cond3A_146 : i32
      scf.if %cond3A_147 {
        "tpu.region"() ({
          %run_scoped3A = tpu.sem_alloc : memref<!tpu.dma_semaphore, #tpu.memory_space<semaphore_mem>>
          %dma_start3A_153 = arith.constant 0 : i32
          %dma_start3A_154 = tpu.memref_slice %arg5[%multiple_of3A_143, %dma_start3A_153] : memref<10000x144xf32, #tpu.memory_space<hbm>> -> memref<80x144xf32, #tpu.memory_space<hbm>>
          %dma_start3A_155 = arith.constant 0 : i32
          %dma_start3A_156 = tpu.memref_slice %arg13[%multiple_of3A_143, %dma_start3A_155] : memref<10000x144xf32, #tpu.memory_space<vmem_shared>> -> memref<80x144xf32, #tpu.memory_space<vmem_shared>>
          tpu.enqueue_dma source(%dma_start3A_156 : memref<80x144xf32, #tpu.memory_space<vmem_shared>>) target(%dma_start3A_154 : memref<80x144xf32, #tpu.memory_space<hbm>>) target_semaphore(%run_scoped3A : memref<!tpu.dma_semaphore, #tpu.memory_space<semaphore_mem>>)
          %dma_wait3A = arith.constant 0 : i32
          %dma_wait3A_157 = tpu.memref_slice %arg5[%multiple_of3A_143, %dma_wait3A] : memref<10000x144xf32, #tpu.memory_space<hbm>> -> memref<80x144xf32, #tpu.memory_space<hbm>>
          %dma_wait3A_158 = arith.constant 0 : i32
          %dma_wait3A_159 = tpu.memref_slice %arg13[%multiple_of3A_143, %dma_wait3A_158] : memref<10000x144xf32, #tpu.memory_space<vmem_shared>> -> memref<80x144xf32, #tpu.memory_space<vmem_shared>>
          tpu.wait_dma2 semaphore(%run_scoped3A : memref<!tpu.dma_semaphore, #tpu.memory_space<semaphore_mem>>) src(%dma_wait3A_159 : memref<80x144xf32, #tpu.memory_space<vmem_shared>>) dst(%dma_wait3A_157 : memref<80x144xf32, #tpu.memory_space<hbm>>)
          tpu.yield
        }) : () -> ()
      } else {
      }
      %eq3A_148 = arith.constant 1 : i32
      %eq3A_149 = arith.cmpi eq, %arg0, %eq3A_148 : i32
      %convert_element_type3A_150 = arith.extui %eq3A_149 : i1 to i32
      %cond3A_151 = arith.constant 0 : i32
      %cond3A_152 = arith.cmpi ne, %convert_element_type3A_150, %cond3A_151 : i32
      scf.if %cond3A_152 {
        "tpu.region"() ({
          %run_scoped3A = tpu.sem_alloc : memref<!tpu.dma_semaphore, #tpu.memory_space<semaphore_mem>>
          %dma_start3A_153 = arith.constant 0 : i32
          %dma_start3A_154 = tpu.memref_slice %arg6[%multiple_of3A_143, %dma_start3A_153] : memref<10000x144xf32, #tpu.memory_space<hbm>> -> memref<80x144xf32, #tpu.memory_space<hbm>>
          %dma_start3A_155 = arith.constant 0 : i32
          %dma_start3A_156 = tpu.memref_slice %arg13[%multiple_of3A_143, %dma_start3A_155] : memref<10000x144xf32, #tpu.memory_space<vmem_shared>> -> memref<80x144xf32, #tpu.memory_space<vmem_shared>>
          tpu.enqueue_dma source(%dma_start3A_156 : memref<80x144xf32, #tpu.memory_space<vmem_shared>>) target(%dma_start3A_154 : memref<80x144xf32, #tpu.memory_space<hbm>>) target_semaphore(%run_scoped3A : memref<!tpu.dma_semaphore, #tpu.memory_space<semaphore_mem>>)
          %dma_wait3A = arith.constant 0 : i32
          %dma_wait3A_157 = tpu.memref_slice %arg6[%multiple_of3A_143, %dma_wait3A] : memref<10000x144xf32, #tpu.memory_space<hbm>> -> memref<80x144xf32, #tpu.memory_space<hbm>>
          %dma_wait3A_158 = arith.constant 0 : i32
          %dma_wait3A_159 = tpu.memref_slice %arg13[%multiple_of3A_143, %dma_wait3A_158] : memref<10000x144xf32, #tpu.memory_space<vmem_shared>> -> memref<80x144xf32, #tpu.memory_space<vmem_shared>>
          tpu.wait_dma2 semaphore(%run_scoped3A : memref<!tpu.dma_semaphore, #tpu.memory_space<semaphore_mem>>) src(%dma_wait3A_159 : memref<80x144xf32, #tpu.memory_space<vmem_shared>>) dst(%dma_wait3A_157 : memref<80x144xf32, #tpu.memory_space<hbm>>)
          tpu.yield
        }) : () -> ()
      } else {
      }
    } else {
    }
    %add3A_120 = arith.constant 80 : i32
    %add3A_121 = arith.addi %add3A_120, %arg1 : i32
    %lt3A_122 = arith.constant 125 : i32
    %lt3A_123 = arith.cmpi slt, %add3A_121, %lt3A_122 : i32
    %convert_element_type3A_124 = arith.extui %lt3A_123 : i1 to i32
    %cond3A_125 = arith.constant 0 : i32
    %cond3A_126 = arith.cmpi ne, %convert_element_type3A_124, %cond3A_125 : i32
    scf.if %cond3A_126 {
      %mul3A_141 = arith.constant 80 : i32
      %mul3A_142 = arith.muli %add3A_121, %mul3A_141 : i32
      %multiple_of3A_143 = tpu.assume_multiple %mul3A_142, 8 : i32
      %eq3A = arith.constant 0 : i32
      %eq3A_144 = arith.cmpi eq, %arg0, %eq3A : i32
      %convert_element_type3A_145 = arith.extui %eq3A_144 : i1 to i32
      %cond3A_146 = arith.constant 0 : i32
      %cond3A_147 = arith.cmpi ne, %convert_element_type3A_145, %cond3A_146 : i32
      scf.if %cond3A_147 {
        "tpu.region"() ({
          %run_scoped3A = tpu.sem_alloc : memref<!tpu.dma_semaphore, #tpu.memory_space<semaphore_mem>>
          %dma_start3A_153 = arith.constant 0 : i32
          %dma_start3A_154 = tpu.memref_slice %arg5[%multiple_of3A_143, %dma_start3A_153] : memref<10000x144xf32, #tpu.memory_space<hbm>> -> memref<80x144xf32, #tpu.memory_space<hbm>>
          %dma_start3A_155 = arith.constant 0 : i32
          %dma_start3A_156 = tpu.memref_slice %arg13[%multiple_of3A_143, %dma_start3A_155] : memref<10000x144xf32, #tpu.memory_space<vmem_shared>> -> memref<80x144xf32, #tpu.memory_space<vmem_shared>>
          tpu.enqueue_dma source(%dma_start3A_156 : memref<80x144xf32, #tpu.memory_space<vmem_shared>>) target(%dma_start3A_154 : memref<80x144xf32, #tpu.memory_space<hbm>>) target_semaphore(%run_scoped3A : memref<!tpu.dma_semaphore, #tpu.memory_space<semaphore_mem>>)
          %dma_wait3A = arith.constant 0 : i32
          %dma_wait3A_157 = tpu.memref_slice %arg5[%multiple_of3A_143, %dma_wait3A] : memref<10000x144xf32, #tpu.memory_space<hbm>> -> memref<80x144xf32, #tpu.memory_space<hbm>>
          %dma_wait3A_158 = arith.constant 0 : i32
          %dma_wait3A_159 = tpu.memref_slice %arg13[%multiple_of3A_143, %dma_wait3A_158] : memref<10000x144xf32, #tpu.memory_space<vmem_shared>> -> memref<80x144xf32, #tpu.memory_space<vmem_shared>>
          tpu.wait_dma2 semaphore(%run_scoped3A : memref<!tpu.dma_semaphore, #tpu.memory_space<semaphore_mem>>) src(%dma_wait3A_159 : memref<80x144xf32, #tpu.memory_space<vmem_shared>>) dst(%dma_wait3A_157 : memref<80x144xf32, #tpu.memory_space<hbm>>)
          tpu.yield
        }) : () -> ()
      } else {
      }
      %eq3A_148 = arith.constant 1 : i32
      %eq3A_149 = arith.cmpi eq, %arg0, %eq3A_148 : i32
      %convert_element_type3A_150 = arith.extui %eq3A_149 : i1 to i32
      %cond3A_151 = arith.constant 0 : i32
      %cond3A_152 = arith.cmpi ne, %convert_element_type3A_150, %cond3A_151 : i32
      scf.if %cond3A_152 {
        "tpu.region"() ({
          %run_scoped3A = tpu.sem_alloc : memref<!tpu.dma_semaphore, #tpu.memory_space<semaphore_mem>>
          %dma_start3A_153 = arith.constant 0 : i32
          %dma_start3A_154 = tpu.memref_slice %arg6[%multiple_of3A_143, %dma_start3A_153] : memref<10000x144xf32, #tpu.memory_space<hbm>> -> memref<80x144xf32, #tpu.memory_space<hbm>>
          %dma_start3A_155 = arith.constant 0 : i32
          %dma_start3A_156 = tpu.memref_slice %arg13[%multiple_of3A_143, %dma_start3A_155] : memref<10000x144xf32, #tpu.memory_space<vmem_shared>> -> memref<80x144xf32, #tpu.memory_space<vmem_shared>>
          tpu.enqueue_dma source(%dma_start3A_156 : memref<80x144xf32, #tpu.memory_space<vmem_shared>>) target(%dma_start3A_154 : memref<80x144xf32, #tpu.memory_space<hbm>>) target_semaphore(%run_scoped3A : memref<!tpu.dma_semaphore, #tpu.memory_space<semaphore_mem>>)
          %dma_wait3A = arith.constant 0 : i32
          %dma_wait3A_157 = tpu.memref_slice %arg6[%multiple_of3A_143, %dma_wait3A] : memref<10000x144xf32, #tpu.memory_space<hbm>> -> memref<80x144xf32, #tpu.memory_space<hbm>>
          %dma_wait3A_158 = arith.constant 0 : i32
          %dma_wait3A_159 = tpu.memref_slice %arg13[%multiple_of3A_143, %dma_wait3A_158] : memref<10000x144xf32, #tpu.memory_space<vmem_shared>> -> memref<80x144xf32, #tpu.memory_space<vmem_shared>>
          tpu.wait_dma2 semaphore(%run_scoped3A : memref<!tpu.dma_semaphore, #tpu.memory_space<semaphore_mem>>) src(%dma_wait3A_159 : memref<80x144xf32, #tpu.memory_space<vmem_shared>>) dst(%dma_wait3A_157 : memref<80x144xf32, #tpu.memory_space<hbm>>)
          tpu.yield
        }) : () -> ()
      } else {
      }
    } else {
    }
    %add3A_127 = arith.constant 96 : i32
    %add3A_128 = arith.addi %add3A_127, %arg1 : i32
    %lt3A_129 = arith.constant 125 : i32
    %lt3A_130 = arith.cmpi slt, %add3A_128, %lt3A_129 : i32
    %convert_element_type3A_131 = arith.extui %lt3A_130 : i1 to i32
    %cond3A_132 = arith.constant 0 : i32
    %cond3A_133 = arith.cmpi ne, %convert_element_type3A_131, %cond3A_132 : i32
    scf.if %cond3A_133 {
      %mul3A_141 = arith.constant 80 : i32
      %mul3A_142 = arith.muli %add3A_128, %mul3A_141 : i32
      %multiple_of3A_143 = tpu.assume_multiple %mul3A_142, 8 : i32
      %eq3A = arith.constant 0 : i32
      %eq3A_144 = arith.cmpi eq, %arg0, %eq3A : i32
      %convert_element_type3A_145 = arith.extui %eq3A_144 : i1 to i32
      %cond3A_146 = arith.constant 0 : i32
      %cond3A_147 = arith.cmpi ne, %convert_element_type3A_145, %cond3A_146 : i32
      scf.if %cond3A_147 {
        "tpu.region"() ({
          %run_scoped3A = tpu.sem_alloc : memref<!tpu.dma_semaphore, #tpu.memory_space<semaphore_mem>>
          %dma_start3A_153 = arith.constant 0 : i32
          %dma_start3A_154 = tpu.memref_slice %arg5[%multiple_of3A_143, %dma_start3A_153] : memref<10000x144xf32, #tpu.memory_space<hbm>> -> memref<80x144xf32, #tpu.memory_space<hbm>>
          %dma_start3A_155 = arith.constant 0 : i32
          %dma_start3A_156 = tpu.memref_slice %arg13[%multiple_of3A_143, %dma_start3A_155] : memref<10000x144xf32, #tpu.memory_space<vmem_shared>> -> memref<80x144xf32, #tpu.memory_space<vmem_shared>>
          tpu.enqueue_dma source(%dma_start3A_156 : memref<80x144xf32, #tpu.memory_space<vmem_shared>>) target(%dma_start3A_154 : memref<80x144xf32, #tpu.memory_space<hbm>>) target_semaphore(%run_scoped3A : memref<!tpu.dma_semaphore, #tpu.memory_space<semaphore_mem>>)
          %dma_wait3A = arith.constant 0 : i32
          %dma_wait3A_157 = tpu.memref_slice %arg5[%multiple_of3A_143, %dma_wait3A] : memref<10000x144xf32, #tpu.memory_space<hbm>> -> memref<80x144xf32, #tpu.memory_space<hbm>>
          %dma_wait3A_158 = arith.constant 0 : i32
          %dma_wait3A_159 = tpu.memref_slice %arg13[%multiple_of3A_143, %dma_wait3A_158] : memref<10000x144xf32, #tpu.memory_space<vmem_shared>> -> memref<80x144xf32, #tpu.memory_space<vmem_shared>>
          tpu.wait_dma2 semaphore(%run_scoped3A : memref<!tpu.dma_semaphore, #tpu.memory_space<semaphore_mem>>) src(%dma_wait3A_159 : memref<80x144xf32, #tpu.memory_space<vmem_shared>>) dst(%dma_wait3A_157 : memref<80x144xf32, #tpu.memory_space<hbm>>)
          tpu.yield
        }) : () -> ()
      } else {
      }
      %eq3A_148 = arith.constant 1 : i32
      %eq3A_149 = arith.cmpi eq, %arg0, %eq3A_148 : i32
      %convert_element_type3A_150 = arith.extui %eq3A_149 : i1 to i32
      %cond3A_151 = arith.constant 0 : i32
      %cond3A_152 = arith.cmpi ne, %convert_element_type3A_150, %cond3A_151 : i32
      scf.if %cond3A_152 {
        "tpu.region"() ({
          %run_scoped3A = tpu.sem_alloc : memref<!tpu.dma_semaphore, #tpu.memory_space<semaphore_mem>>
          %dma_start3A_153 = arith.constant 0 : i32
          %dma_start3A_154 = tpu.memref_slice %arg6[%multiple_of3A_143, %dma_start3A_153] : memref<10000x144xf32, #tpu.memory_space<hbm>> -> memref<80x144xf32, #tpu.memory_space<hbm>>
          %dma_start3A_155 = arith.constant 0 : i32
          %dma_start3A_156 = tpu.memref_slice %arg13[%multiple_of3A_143, %dma_start3A_155] : memref<10000x144xf32, #tpu.memory_space<vmem_shared>> -> memref<80x144xf32, #tpu.memory_space<vmem_shared>>
          tpu.enqueue_dma source(%dma_start3A_156 : memref<80x144xf32, #tpu.memory_space<vmem_shared>>) target(%dma_start3A_154 : memref<80x144xf32, #tpu.memory_space<hbm>>) target_semaphore(%run_scoped3A : memref<!tpu.dma_semaphore, #tpu.memory_space<semaphore_mem>>)
          %dma_wait3A = arith.constant 0 : i32
          %dma_wait3A_157 = tpu.memref_slice %arg6[%multiple_of3A_143, %dma_wait3A] : memref<10000x144xf32, #tpu.memory_space<hbm>> -> memref<80x144xf32, #tpu.memory_space<hbm>>
          %dma_wait3A_158 = arith.constant 0 : i32
          %dma_wait3A_159 = tpu.memref_slice %arg13[%multiple_of3A_143, %dma_wait3A_158] : memref<10000x144xf32, #tpu.memory_space<vmem_shared>> -> memref<80x144xf32, #tpu.memory_space<vmem_shared>>
          tpu.wait_dma2 semaphore(%run_scoped3A : memref<!tpu.dma_semaphore, #tpu.memory_space<semaphore_mem>>) src(%dma_wait3A_159 : memref<80x144xf32, #tpu.memory_space<vmem_shared>>) dst(%dma_wait3A_157 : memref<80x144xf32, #tpu.memory_space<hbm>>)
          tpu.yield
        }) : () -> ()
      } else {
      }
    } else {
    }
    %add3A_134 = arith.constant 112 : i32
    %add3A_135 = arith.addi %add3A_134, %arg1 : i32
    %lt3A_136 = arith.constant 125 : i32
    %lt3A_137 = arith.cmpi slt, %add3A_135, %lt3A_136 : i32
    %convert_element_type3A_138 = arith.extui %lt3A_137 : i1 to i32
    %cond3A_139 = arith.constant 0 : i32
    %cond3A_140 = arith.cmpi ne, %convert_element_type3A_138, %cond3A_139 : i32
    scf.if %cond3A_140 {
      %mul3A_141 = arith.constant 80 : i32
      %mul3A_142 = arith.muli %add3A_135, %mul3A_141 : i32
      %multiple_of3A_143 = tpu.assume_multiple %mul3A_142, 8 : i32
      %eq3A = arith.constant 0 : i32
      %eq3A_144 = arith.cmpi eq, %arg0, %eq3A : i32
      %convert_element_type3A_145 = arith.extui %eq3A_144 : i1 to i32
      %cond3A_146 = arith.constant 0 : i32
      %cond3A_147 = arith.cmpi ne, %convert_element_type3A_145, %cond3A_146 : i32
      scf.if %cond3A_147 {
        "tpu.region"() ({
          %run_scoped3A = tpu.sem_alloc : memref<!tpu.dma_semaphore, #tpu.memory_space<semaphore_mem>>
          %dma_start3A_153 = arith.constant 0 : i32
          %dma_start3A_154 = tpu.memref_slice %arg5[%multiple_of3A_143, %dma_start3A_153] : memref<10000x144xf32, #tpu.memory_space<hbm>> -> memref<80x144xf32, #tpu.memory_space<hbm>>
          %dma_start3A_155 = arith.constant 0 : i32
          %dma_start3A_156 = tpu.memref_slice %arg13[%multiple_of3A_143, %dma_start3A_155] : memref<10000x144xf32, #tpu.memory_space<vmem_shared>> -> memref<80x144xf32, #tpu.memory_space<vmem_shared>>
          tpu.enqueue_dma source(%dma_start3A_156 : memref<80x144xf32, #tpu.memory_space<vmem_shared>>) target(%dma_start3A_154 : memref<80x144xf32, #tpu.memory_space<hbm>>) target_semaphore(%run_scoped3A : memref<!tpu.dma_semaphore, #tpu.memory_space<semaphore_mem>>)
          %dma_wait3A = arith.constant 0 : i32
          %dma_wait3A_157 = tpu.memref_slice %arg5[%multiple_of3A_143, %dma_wait3A] : memref<10000x144xf32, #tpu.memory_space<hbm>> -> memref<80x144xf32, #tpu.memory_space<hbm>>
          %dma_wait3A_158 = arith.constant 0 : i32
          %dma_wait3A_159 = tpu.memref_slice %arg13[%multiple_of3A_143, %dma_wait3A_158] : memref<10000x144xf32, #tpu.memory_space<vmem_shared>> -> memref<80x144xf32, #tpu.memory_space<vmem_shared>>
          tpu.wait_dma2 semaphore(%run_scoped3A : memref<!tpu.dma_semaphore, #tpu.memory_space<semaphore_mem>>) src(%dma_wait3A_159 : memref<80x144xf32, #tpu.memory_space<vmem_shared>>) dst(%dma_wait3A_157 : memref<80x144xf32, #tpu.memory_space<hbm>>)
          tpu.yield
        }) : () -> ()
      } else {
      }
      %eq3A_148 = arith.constant 1 : i32
      %eq3A_149 = arith.cmpi eq, %arg0, %eq3A_148 : i32
      %convert_element_type3A_150 = arith.extui %eq3A_149 : i1 to i32
      %cond3A_151 = arith.constant 0 : i32
      %cond3A_152 = arith.cmpi ne, %convert_element_type3A_150, %cond3A_151 : i32
      scf.if %cond3A_152 {
        "tpu.region"() ({
          %run_scoped3A = tpu.sem_alloc : memref<!tpu.dma_semaphore, #tpu.memory_space<semaphore_mem>>
          %dma_start3A_153 = arith.constant 0 : i32
          %dma_start3A_154 = tpu.memref_slice %arg6[%multiple_of3A_143, %dma_start3A_153] : memref<10000x144xf32, #tpu.memory_space<hbm>> -> memref<80x144xf32, #tpu.memory_space<hbm>>
          %dma_start3A_155 = arith.constant 0 : i32
          %dma_start3A_156 = tpu.memref_slice %arg13[%multiple_of3A_143, %dma_start3A_155] : memref<10000x144xf32, #tpu.memory_space<vmem_shared>> -> memref<80x144xf32, #tpu.memory_space<vmem_shared>>
          tpu.enqueue_dma source(%dma_start3A_156 : memref<80x144xf32, #tpu.memory_space<vmem_shared>>) target(%dma_start3A_154 : memref<80x144xf32, #tpu.memory_space<hbm>>) target_semaphore(%run_scoped3A : memref<!tpu.dma_semaphore, #tpu.memory_space<semaphore_mem>>)
          %dma_wait3A = arith.constant 0 : i32
          %dma_wait3A_157 = tpu.memref_slice %arg6[%multiple_of3A_143, %dma_wait3A] : memref<10000x144xf32, #tpu.memory_space<hbm>> -> memref<80x144xf32, #tpu.memory_space<hbm>>
          %dma_wait3A_158 = arith.constant 0 : i32
          %dma_wait3A_159 = tpu.memref_slice %arg13[%multiple_of3A_143, %dma_wait3A_158] : memref<10000x144xf32, #tpu.memory_space<vmem_shared>> -> memref<80x144xf32, #tpu.memory_space<vmem_shared>>
          tpu.wait_dma2 semaphore(%run_scoped3A : memref<!tpu.dma_semaphore, #tpu.memory_space<semaphore_mem>>) src(%dma_wait3A_159 : memref<80x144xf32, #tpu.memory_space<vmem_shared>>) dst(%dma_wait3A_157 : memref<80x144xf32, #tpu.memory_space<hbm>>)
          tpu.yield
        }) : () -> ()
      } else {
      }
    } else {
    }
    return
  }
}

#map = affine_map<(d0, d1) -> (0, 0)>
module attributes {stable_mosaic.version = 14 : i64} {
  func.func @_edge2_body(%arg0: i32, %arg1: i32, %arg2: memref<10000x32xf32, #tpu.memory_space<hbm>>, %arg3: memref<10000x16xf32, #tpu.memory_space<hbm>>, %arg4: memref<2x320000xi32, #tpu.memory_space<hbm>>, %arg5: memref<10000x32xf32, #tpu.memory_space<hbm>>, %arg6: memref<10000x32xf32, #tpu.memory_space<hbm>>, %arg7: memref<2x400xi32, #tpu.memory_space<vmem>>, %arg8: memref<2x400xi32, #tpu.memory_space<vmem>>, %arg9: memref<400x32xf32, #tpu.memory_space<vmem>>, %arg10: memref<400x32xf32, #tpu.memory_space<vmem>>, %arg11: memref<400x16xf32, #tpu.memory_space<vmem>>, %arg12: memref<400x16xf32, #tpu.memory_space<vmem>>, %arg13: memref<400x32xf32, #tpu.memory_space<vmem>>, %arg14: memref<400x32xf32, #tpu.memory_space<vmem>>, %arg15: memref<10000x32xf32, #tpu.memory_space<vmem_shared>>, %arg16: memref<!tpu.dma_semaphore, #tpu.memory_space<semaphore_mem>>, %arg17: memref<!tpu.dma_semaphore, #tpu.memory_space<semaphore_mem>>) attributes {dimension_semantics = [#tpu.dimension_semantics<core_parallel>, #tpu.dimension_semantics<subcore_parallel>], iteration_bounds = array<i64: 2, 16>, scalar_prefetch = 0 : i64, scratch_operands = 11 : i64, tpu.core_type = #tpu.core_type<sc_vector_subcore>, window_params = [{transform_indices = #map}, {transform_indices = #map}, {transform_indices = #map}, {transform_indices = #map}, {transform_indices = #map}]} {
    %mul3A = arith.constant 16 : i32
    %mul3A_0 = arith.muli %arg0, %mul3A : i32
    %add3A = arith.addi %mul3A_0, %arg1 : i32
    %mul3A_1 = arith.constant 10000 : i32
    %mul3A_2 = arith.muli %add3A, %mul3A_1 : i32
    %broadcast_in_dim3A = arith.constant 0.000000e+00 : f32
    %broadcast_in_dim3A_3 = vector.broadcast %broadcast_in_dim3A : f32 to vector<16xf32>
    %scan3A = arith.constant 0 : i32
    %scan3A_4 = arith.constant 0 : i32
    %scan3A_5 = arith.constant 400 : i32
    %scan3A_6 = arith.addi %scan3A_4, %scan3A_5 : i32
    %scan3A_7 = arith.constant 1 : i32
    scf.for %scan3A_57 = %scan3A_4 to %scan3A_6 step %scan3A_7  : i32 {
      %swap3A = arith.index_cast %scan3A_57 : i32 to index
      %swap3A_58 = arith.constant 0 : index
      %swap3A_59 = tpu.vector_load %arg13[%swap3A, %swap3A_58] {strides = array<i32>} : memref<400x32xf32, #tpu.memory_space<vmem>>, vector<1x16xf32>,
      %swap3A_60 = vector.shape_cast %swap3A_59 : vector<1x16xf32> to vector<16xf32>
      %swap3A_61 = vector.shape_cast %broadcast_in_dim3A_3 : vector<16xf32> to vector<1x16xf32>
      tpu.vector_store %arg13[%swap3A, %swap3A_58], %swap3A_61 {strides = array<i32>} : memref<400x32xf32, #tpu.memory_space<vmem>>, vector<1x16xf32>,
      %swap3A_62 = arith.index_cast %scan3A_57 : i32 to index
      %swap3A_63 = arith.constant 16 : index
      %swap3A_64 = tpu.vector_load %arg13[%swap3A_62, %swap3A_63] {strides = array<i32>} : memref<400x32xf32, #tpu.memory_space<vmem>>, vector<1x16xf32>,
      %swap3A_65 = vector.shape_cast %swap3A_64 : vector<1x16xf32> to vector<16xf32>
      %swap3A_66 = vector.shape_cast %broadcast_in_dim3A_3 : vector<16xf32> to vector<1x16xf32>
      tpu.vector_store %arg13[%swap3A_62, %swap3A_63], %swap3A_66 {strides = array<i32>} : memref<400x32xf32, #tpu.memory_space<vmem>>, vector<1x16xf32>,
    }
    %scan3A_8 = arith.constant 400 : i32
    %add3A_9 = arith.constant 0 : i32
    %add3A_10 = arith.addi %add3A_9, %arg1 : i32
    %lt3A = arith.constant 25 : i32
    %lt3A_11 = arith.cmpi slt, %add3A_10, %lt3A : i32
    %convert_element_type3A = arith.extui %lt3A_11 : i1 to i32
    %cond3A = arith.constant 0 : i32
    %cond3A_12 = arith.cmpi ne, %convert_element_type3A, %cond3A : i32
    scf.if %cond3A_12 {
      %mul3A_57 = arith.constant 400 : i32
      %mul3A_58 = arith.muli %add3A_10, %mul3A_57 : i32
      %multiple_of3A_59 = tpu.assume_multiple %mul3A_58, 8 : i32
      "tpu.region"() ({
        %run_scoped3A = tpu.sem_alloc : memref<!tpu.dma_semaphore, #tpu.memory_space<semaphore_mem>>
        %dma_start3A_60 = arith.constant 0 : i32
        %dma_start3A_61 = tpu.memref_slice %arg15[%multiple_of3A_59, %dma_start3A_60] : memref<10000x32xf32, #tpu.memory_space<vmem_shared>> -> memref<400x32xf32, #tpu.memory_space<vmem_shared>>
        %dma_start3A_62 = arith.constant 0 : i32
        %dma_start3A_63 = tpu.memref_slice %arg15[%multiple_of3A_59, %dma_start3A_62] : memref<10000x32xf32, #tpu.memory_space<vmem_shared>> -> memref<400x32xf32, #tpu.memory_space<vmem_shared>>
        tpu.enqueue_dma source(%arg13 : memref<400x32xf32, #tpu.memory_space<vmem>>) target(%dma_start3A_63 : memref<400x32xf32, #tpu.memory_space<vmem_shared>>) target_semaphore(%run_scoped3A : memref<!tpu.dma_semaphore, #tpu.memory_space<semaphore_mem>>)
        %dma_wait3A = arith.constant 0 : i32
        %dma_wait3A_64 = tpu.memref_slice %arg15[%multiple_of3A_59, %dma_wait3A] : memref<10000x32xf32, #tpu.memory_space<vmem_shared>> -> memref<400x32xf32, #tpu.memory_space<vmem_shared>>
        %dma_wait3A_65 = arith.constant 0 : i32
        %dma_wait3A_66 = tpu.memref_slice %arg15[%multiple_of3A_59, %dma_wait3A_65] : memref<10000x32xf32, #tpu.memory_space<vmem_shared>> -> memref<400x32xf32, #tpu.memory_space<vmem_shared>>
        tpu.wait_dma2 semaphore(%run_scoped3A : memref<!tpu.dma_semaphore, #tpu.memory_space<semaphore_mem>>) src(%arg13 : memref<400x32xf32, #tpu.memory_space<vmem>>) dst(%dma_wait3A_66 : memref<400x32xf32, #tpu.memory_space<vmem_shared>>)
        tpu.yield
      }) : () -> ()
    } else {
    }
    %add3A_13 = arith.constant 16 : i32
    %add3A_14 = arith.addi %add3A_13, %arg1 : i32
    %lt3A_15 = arith.constant 25 : i32
    %lt3A_16 = arith.cmpi slt, %add3A_14, %lt3A_15 : i32
    %convert_element_type3A_17 = arith.extui %lt3A_16 : i1 to i32
    %cond3A_18 = arith.constant 0 : i32
    %cond3A_19 = arith.cmpi ne, %convert_element_type3A_17, %cond3A_18 : i32
    scf.if %cond3A_19 {
      %mul3A_57 = arith.constant 400 : i32
      %mul3A_58 = arith.muli %add3A_14, %mul3A_57 : i32
      %multiple_of3A_59 = tpu.assume_multiple %mul3A_58, 8 : i32
      "tpu.region"() ({
        %run_scoped3A = tpu.sem_alloc : memref<!tpu.dma_semaphore, #tpu.memory_space<semaphore_mem>>
        %dma_start3A_60 = arith.constant 0 : i32
        %dma_start3A_61 = tpu.memref_slice %arg15[%multiple_of3A_59, %dma_start3A_60] : memref<10000x32xf32, #tpu.memory_space<vmem_shared>> -> memref<400x32xf32, #tpu.memory_space<vmem_shared>>
        %dma_start3A_62 = arith.constant 0 : i32
        %dma_start3A_63 = tpu.memref_slice %arg15[%multiple_of3A_59, %dma_start3A_62] : memref<10000x32xf32, #tpu.memory_space<vmem_shared>> -> memref<400x32xf32, #tpu.memory_space<vmem_shared>>
        tpu.enqueue_dma source(%arg13 : memref<400x32xf32, #tpu.memory_space<vmem>>) target(%dma_start3A_63 : memref<400x32xf32, #tpu.memory_space<vmem_shared>>) target_semaphore(%run_scoped3A : memref<!tpu.dma_semaphore, #tpu.memory_space<semaphore_mem>>)
        %dma_wait3A = arith.constant 0 : i32
        %dma_wait3A_64 = tpu.memref_slice %arg15[%multiple_of3A_59, %dma_wait3A] : memref<10000x32xf32, #tpu.memory_space<vmem_shared>> -> memref<400x32xf32, #tpu.memory_space<vmem_shared>>
        %dma_wait3A_65 = arith.constant 0 : i32
        %dma_wait3A_66 = tpu.memref_slice %arg15[%multiple_of3A_59, %dma_wait3A_65] : memref<10000x32xf32, #tpu.memory_space<vmem_shared>> -> memref<400x32xf32, #tpu.memory_space<vmem_shared>>
        tpu.wait_dma2 semaphore(%run_scoped3A : memref<!tpu.dma_semaphore, #tpu.memory_space<semaphore_mem>>) src(%arg13 : memref<400x32xf32, #tpu.memory_space<vmem>>) dst(%dma_wait3A_66 : memref<400x32xf32, #tpu.memory_space<vmem_shared>>)
        tpu.yield
      }) : () -> ()
    } else {
    }
    %multiple_of3A = tpu.assume_multiple %mul3A_2, 8 : i32
    "tpu.region"() ({
      %run_scoped3A = tpu.sem_alloc : memref<!tpu.dma_semaphore, #tpu.memory_space<semaphore_mem>>
      %dma_start3A_57 = arith.constant 0 : i32
      %dma_start3A_58 = tpu.memref_slice %arg4[%dma_start3A_57, %multiple_of3A] : memref<2x320000xi32, #tpu.memory_space<hbm>> -> memref<2x400xi32, #tpu.memory_space<hbm>>
      %dma_start3A_59 = arith.constant 0 : i32
      %dma_start3A_60 = tpu.memref_slice %arg4[%dma_start3A_59, %multiple_of3A] : memref<2x320000xi32, #tpu.memory_space<hbm>> -> memref<2x400xi32, #tpu.memory_space<hbm>>
      tpu.enqueue_dma source(%dma_start3A_60 : memref<2x400xi32, #tpu.memory_space<hbm>>) target(%arg7 : memref<2x400xi32, #tpu.memory_space<vmem>>) target_semaphore(%run_scoped3A : memref<!tpu.dma_semaphore, #tpu.memory_space<semaphore_mem>>)
      %dma_wait3A = arith.constant 0 : i32
      %dma_wait3A_61 = tpu.memref_slice %arg4[%dma_wait3A, %multiple_of3A] : memref<2x320000xi32, #tpu.memory_space<hbm>> -> memref<2x400xi32, #tpu.memory_space<hbm>>
      %dma_wait3A_62 = arith.constant 0 : i32
      %dma_wait3A_63 = tpu.memref_slice %arg4[%dma_wait3A_62, %multiple_of3A] : memref<2x320000xi32, #tpu.memory_space<hbm>> -> memref<2x400xi32, #tpu.memory_space<hbm>>
      tpu.wait_dma2 semaphore(%run_scoped3A : memref<!tpu.dma_semaphore, #tpu.memory_space<semaphore_mem>>) src(%dma_wait3A_63 : memref<2x400xi32, #tpu.memory_space<hbm>>) dst(%arg7 : memref<2x400xi32, #tpu.memory_space<vmem>>)
      tpu.yield
    }) : () -> ()
    %dma_start3A = arith.constant 0 : i32
    %dma_start3A_20 = arith.constant 0 : i32
    %dma_start3A_21 = tpu.memref_slice %arg7[%dma_start3A, %dma_start3A_20] : memref<2x400xi32, #tpu.memory_space<vmem>> -> memref<1x400xi32, #tpu.memory_space<vmem>>
    %dma_start3A_22 = tpu.memref_squeeze %dma_start3A_21 : memref<1x400xi32, #tpu.memory_space<vmem>> -> memref<400xi32, #tpu.memory_space<vmem>>
    %dma_start3A_23 = arith.constant 0 : i32
    %dma_start3A_24 = arith.constant 0 : i32
    %dma_start3A_25 = tpu.memref_slice %arg2[%dma_start3A_23, %dma_start3A_24] : memref<10000x32xf32, #tpu.memory_space<hbm>> -> memref<10000x32xf32, #tpu.memory_space<hbm>>
    tpu.enqueue_indirect_dma source(%dma_start3A_25 : memref<10000x32xf32, #tpu.memory_space<hbm>>) target(%arg9 : memref<400x32xf32, #tpu.memory_space<vmem>>) offsets(%dma_start3A_22 : memref<400xi32, #tpu.memory_space<vmem>>) semaphore(%arg16 : memref<!tpu.dma_semaphore, #tpu.memory_space<semaphore_mem>>)
    %dma_start3A_26 = arith.constant 1 : i32
    %dma_start3A_27 = arith.constant 0 : i32
    %dma_start3A_28 = tpu.memref_slice %arg7[%dma_start3A_26, %dma_start3A_27] : memref<2x400xi32, #tpu.memory_space<vmem>> -> memref<1x400xi32, #tpu.memory_space<vmem>>
    %dma_start3A_29 = tpu.memref_squeeze %dma_start3A_28 : memref<1x400xi32, #tpu.memory_space<vmem>> -> memref<400xi32, #tpu.memory_space<vmem>>
    %dma_start3A_30 = arith.constant 0 : i32
    %dma_start3A_31 = arith.constant 0 : i32
    %dma_start3A_32 = tpu.memref_slice %arg3[%dma_start3A_30, %dma_start3A_31] : memref<10000x16xf32, #tpu.memory_space<hbm>> -> memref<10000x16xf32, #tpu.memory_space<hbm>>
    tpu.enqueue_indirect_dma source(%dma_start3A_32 : memref<10000x16xf32, #tpu.memory_space<hbm>>) target(%arg11 : memref<400x16xf32, #tpu.memory_space<vmem>>) offsets(%dma_start3A_29 : memref<400xi32, #tpu.memory_space<vmem>>) semaphore(%arg16 : memref<!tpu.dma_semaphore, #tpu.memory_space<semaphore_mem>>)
    %add3A_33 = arith.constant 400 : i32
    %add3A_34 = arith.addi %mul3A_2, %add3A_33 : i32
    %multiple_of3A_35 = tpu.assume_multiple %add3A_34, 8 : i32
    "tpu.region"() ({
      %run_scoped3A = tpu.sem_alloc : memref<!tpu.dma_semaphore, #tpu.memory_space<semaphore_mem>>
      %dma_start3A_57 = arith.constant 0 : i32
      %dma_start3A_58 = tpu.memref_slice %arg4[%dma_start3A_57, %multiple_of3A_35] : memref<2x320000xi32, #tpu.memory_space<hbm>> -> memref<2x400xi32, #tpu.memory_space<hbm>>
      %dma_start3A_59 = arith.constant 0 : i32
      %dma_start3A_60 = tpu.memref_slice %arg4[%dma_start3A_59, %multiple_of3A_35] : memref<2x320000xi32, #tpu.memory_space<hbm>> -> memref<2x400xi32, #tpu.memory_space<hbm>>
      tpu.enqueue_dma source(%dma_start3A_60 : memref<2x400xi32, #tpu.memory_space<hbm>>) target(%arg8 : memref<2x400xi32, #tpu.memory_space<vmem>>) target_semaphore(%run_scoped3A : memref<!tpu.dma_semaphore, #tpu.memory_space<semaphore_mem>>)
      %dma_wait3A = arith.constant 0 : i32
      %dma_wait3A_61 = tpu.memref_slice %arg4[%dma_wait3A, %multiple_of3A_35] : memref<2x320000xi32, #tpu.memory_space<hbm>> -> memref<2x400xi32, #tpu.memory_space<hbm>>
      %dma_wait3A_62 = arith.constant 0 : i32
      %dma_wait3A_63 = tpu.memref_slice %arg4[%dma_wait3A_62, %multiple_of3A_35] : memref<2x320000xi32, #tpu.memory_space<hbm>> -> memref<2x400xi32, #tpu.memory_space<hbm>>
      tpu.wait_dma2 semaphore(%run_scoped3A : memref<!tpu.dma_semaphore, #tpu.memory_space<semaphore_mem>>) src(%dma_wait3A_63 : memref<2x400xi32, #tpu.memory_space<hbm>>) dst(%arg8 : memref<2x400xi32, #tpu.memory_space<vmem>>)
      tpu.yield
    }) : () -> ()
    %barrier3A = arith.constant 0 : index
    tpu.barrier barrier_id(%barrier3A)
    %scan3A_36 = arith.constant 0 : i32
    %scan3A_37 = arith.constant 0 : i32
    %scan3A_38 = arith.constant 25 : i32
    %scan3A_39 = arith.addi %scan3A_37, %scan3A_38 : i32
    %scan3A_40 = arith.constant 1 : i32
    scf.for %scan3A_57 = %scan3A_37 to %scan3A_39 step %scan3A_40  : i32 {
      %rem3A = arith.constant 2 : i32
      %rem3A_58 = arith.remsi %scan3A_57, %rem3A : i32
      %eq3A = arith.constant 0 : i32
      %eq3A_59 = arith.cmpi eq, %rem3A_58, %eq3A : i32
      %convert_element_type3A_60 = arith.extui %eq3A_59 : i1 to i32
      %cond3A_61 = arith.constant 0 : i32
      %cond3A_62 = arith.cmpi ne, %convert_element_type3A_60, %cond3A_61 : i32
      scf.if %cond3A_62 {
        %add3A_70 = arith.constant 1 : i32
        %add3A_71 = arith.addi %scan3A_57, %add3A_70 : i32
        %lt3A_72 = arith.constant 25 : i32
        %lt3A_73 = arith.cmpi slt, %add3A_71, %lt3A_72 : i32
        %convert_element_type3A_74 = arith.extui %lt3A_73 : i1 to i32
        %cond3A_75 = arith.constant 0 : i32
        %cond3A_76 = arith.cmpi ne, %convert_element_type3A_74, %cond3A_75 : i32
        scf.if %cond3A_76 {
          %dma_start3A_99 = arith.constant 0 : i32
          %dma_start3A_100 = arith.constant 0 : i32
          %dma_start3A_101 = tpu.memref_slice %arg8[%dma_start3A_99, %dma_start3A_100] : memref<2x400xi32, #tpu.memory_space<vmem>> -> memref<1x400xi32, #tpu.memory_space<vmem>>
          %dma_start3A_102 = tpu.memref_squeeze %dma_start3A_101 : memref<1x400xi32, #tpu.memory_space<vmem>> -> memref<400xi32, #tpu.memory_space<vmem>>
          %dma_start3A_103 = arith.constant 0 : i32
          %dma_start3A_104 = arith.constant 0 : i32
          %dma_start3A_105 = tpu.memref_slice %arg2[%dma_start3A_103, %dma_start3A_104] : memref<10000x32xf32, #tpu.memory_space<hbm>> -> memref<10000x32xf32, #tpu.memory_space<hbm>>
          tpu.enqueue_indirect_dma source(%dma_start3A_105 : memref<10000x32xf32, #tpu.memory_space<hbm>>) target(%arg10 : memref<400x32xf32, #tpu.memory_space<vmem>>) offsets(%dma_start3A_102 : memref<400xi32, #tpu.memory_space<vmem>>) semaphore(%arg17 : memref<!tpu.dma_semaphore, #tpu.memory_space<semaphore_mem>>)
          %dma_start3A_106 = arith.constant 1 : i32
          %dma_start3A_107 = arith.constant 0 : i32
          %dma_start3A_108 = tpu.memref_slice %arg8[%dma_start3A_106, %dma_start3A_107] : memref<2x400xi32, #tpu.memory_space<vmem>> -> memref<1x400xi32, #tpu.memory_space<vmem>>
          %dma_start3A_109 = tpu.memref_squeeze %dma_start3A_108 : memref<1x400xi32, #tpu.memory_space<vmem>> -> memref<400xi32, #tpu.memory_space<vmem>>
          %dma_start3A_110 = arith.constant 0 : i32
          %dma_start3A_111 = arith.constant 0 : i32
          %dma_start3A_112 = tpu.memref_slice %arg3[%dma_start3A_110, %dma_start3A_111] : memref<10000x16xf32, #tpu.memory_space<hbm>> -> memref<10000x16xf32, #tpu.memory_space<hbm>>
          tpu.enqueue_indirect_dma source(%dma_start3A_112 : memref<10000x16xf32, #tpu.memory_space<hbm>>) target(%arg12 : memref<400x16xf32, #tpu.memory_space<vmem>>) offsets(%dma_start3A_109 : memref<400xi32, #tpu.memory_space<vmem>>) semaphore(%arg17 : memref<!tpu.dma_semaphore, #tpu.memory_space<semaphore_mem>>)
        } else {
        }
        %dma_wait3A = arith.constant 0 : i32
        %dma_wait3A_77 = arith.constant 0 : i32
        %dma_wait3A_78 = tpu.memref_slice %arg7[%dma_wait3A, %dma_wait3A_77] : memref<2x400xi32, #tpu.memory_space<vmem>> -> memref<1x400xi32, #tpu.memory_space<vmem>>
        %dma_wait3A_79 = tpu.memref_squeeze %dma_wait3A_78 : memref<1x400xi32, #tpu.memory_space<vmem>> -> memref<400xi32, #tpu.memory_space<vmem>>
        %dma_wait3A_80 = arith.constant 0 : i32
        %dma_wait3A_81 = arith.constant 0 : i32
        %dma_wait3A_82 = tpu.memref_slice %arg2[%dma_wait3A_80, %dma_wait3A_81] : memref<10000x32xf32, #tpu.memory_space<hbm>> -> memref<10000x32xf32, #tpu.memory_space<hbm>>
        tpu.wait_indirect_dma semaphore(%arg16 : memref<!tpu.dma_semaphore, #tpu.memory_space<semaphore_mem>>) src(%dma_wait3A_82 : memref<10000x32xf32, #tpu.memory_space<hbm>>) dst(%arg9 : memref<400x32xf32, #tpu.memory_space<vmem>>)
        %dma_wait3A_83 = arith.constant 1 : i32
        %dma_wait3A_84 = arith.constant 0 : i32
        %dma_wait3A_85 = tpu.memref_slice %arg7[%dma_wait3A_83, %dma_wait3A_84] : memref<2x400xi32, #tpu.memory_space<vmem>> -> memref<1x400xi32, #tpu.memory_space<vmem>>
        %dma_wait3A_86 = tpu.memref_squeeze %dma_wait3A_85 : memref<1x400xi32, #tpu.memory_space<vmem>> -> memref<400xi32, #tpu.memory_space<vmem>>
        %dma_wait3A_87 = arith.constant 0 : i32
        %dma_wait3A_88 = arith.constant 0 : i32
        %dma_wait3A_89 = tpu.memref_slice %arg3[%dma_wait3A_87, %dma_wait3A_88] : memref<10000x16xf32, #tpu.memory_space<hbm>> -> memref<10000x16xf32, #tpu.memory_space<hbm>>
        tpu.wait_indirect_dma semaphore(%arg16 : memref<!tpu.dma_semaphore, #tpu.memory_space<semaphore_mem>>) src(%dma_wait3A_89 : memref<10000x16xf32, #tpu.memory_space<hbm>>) dst(%arg11 : memref<400x16xf32, #tpu.memory_space<vmem>>)
        %parallel_loop3A = arith.constant 0 : i32
        %parallel_loop3A_90 = arith.constant 400 : i32
        %parallel_loop3A_91 = arith.constant 1 : i32
        scf.for %parallel_loop3A_99 = %parallel_loop3A to %parallel_loop3A_90 step %parallel_loop3A_91  : i32 {
          %parallel_loop3A_100 = arith.index_cast %parallel_loop3A_99 : i32 to index
          %parallel_loop3A_101 = arith.constant 16 : index
          %parallel_loop3A_102 = tpu.vector_load %arg9[%parallel_loop3A_100, %parallel_loop3A_101] {strides = array<i32>} : memref<400x32xf32, #tpu.memory_space<vmem>>, vector<1x16xf32>,
          %parallel_loop3A_103 = vector.shape_cast %parallel_loop3A_102 : vector<1x16xf32> to vector<16xf32>
          %parallel_loop3A_104 = arith.index_cast %parallel_loop3A_99 : i32 to index
          %parallel_loop3A_105 = arith.constant 0 : index
          %parallel_loop3A_106 = tpu.vector_load %arg11[%parallel_loop3A_104, %parallel_loop3A_105] {strides = array<i32>} : memref<400x16xf32, #tpu.memory_space<vmem>>, vector<1x16xf32>,
          %parallel_loop3A_107 = vector.shape_cast %parallel_loop3A_106 : vector<1x16xf32> to vector<16xf32>
          %parallel_loop3A_108 = arith.addf %parallel_loop3A_103, %parallel_loop3A_107 : vector<16xf32>
          %parallel_loop3A_109 = arith.constant 0.000000e+00 : f32
          %parallel_loop3A_110 = vector.broadcast %parallel_loop3A_109 : f32 to vector<16xf32>
          %parallel_loop3A_111 = arith.cmpf oge, %parallel_loop3A_108, %parallel_loop3A_110 : vector<16xf32>
          %parallel_loop3A_112 = arith.constant 2.000000e-01 : f32
          %parallel_loop3A_113 = vector.broadcast %parallel_loop3A_112 : f32 to vector<16xf32>
          %parallel_loop3A_114 = arith.mulf %parallel_loop3A_113, %parallel_loop3A_108 : vector<16xf32>
          %parallel_loop3A_115 = arith.select %parallel_loop3A_111, %parallel_loop3A_108, %parallel_loop3A_114 : vector<16xi1>, vector<16xf32>
          %parallel_loop3A_116 = math.exp %parallel_loop3A_115 : vector<16xf32>
          %parallel_loop3A_117 = arith.index_cast %parallel_loop3A_99 : i32 to index
          %parallel_loop3A_118 = arith.constant 0 : index
          %parallel_loop3A_119 = tpu.vector_load %arg9[%parallel_loop3A_117, %parallel_loop3A_118] {strides = array<i32>} : memref<400x32xf32, #tpu.memory_space<vmem>>, vector<1x16xf32>,
          %parallel_loop3A_120 = vector.shape_cast %parallel_loop3A_119 : vector<1x16xf32> to vector<16xf32>
          %parallel_loop3A_121 = arith.mulf %parallel_loop3A_120, %parallel_loop3A_116 : vector<16xf32>
          %parallel_loop3A_122 = arith.index_cast %parallel_loop3A_99 : i32 to index
          %parallel_loop3A_123 = arith.constant 0 : index
          %parallel_loop3A_124 = tpu.vector_load %arg13[%parallel_loop3A_122, %parallel_loop3A_123] {strides = array<i32>} : memref<400x32xf32, #tpu.memory_space<vmem>>, vector<1x16xf32>,
          %parallel_loop3A_125 = vector.shape_cast %parallel_loop3A_124 : vector<1x16xf32> to vector<16xf32>
          %parallel_loop3A_126 = vector.shape_cast %parallel_loop3A_121 : vector<16xf32> to vector<1x16xf32>
          tpu.vector_store %arg13[%parallel_loop3A_122, %parallel_loop3A_123], %parallel_loop3A_126 {strides = array<i32>} : memref<400x32xf32, #tpu.memory_space<vmem>>, vector<1x16xf32>,
          %parallel_loop3A_127 = arith.index_cast %parallel_loop3A_99 : i32 to index
          %parallel_loop3A_128 = arith.constant 16 : index
          %parallel_loop3A_129 = tpu.vector_load %arg13[%parallel_loop3A_127, %parallel_loop3A_128] {strides = array<i32>} : memref<400x32xf32, #tpu.memory_space<vmem>>, vector<1x16xf32>,
          %parallel_loop3A_130 = vector.shape_cast %parallel_loop3A_129 : vector<1x16xf32> to vector<16xf32>
          %parallel_loop3A_131 = vector.shape_cast %parallel_loop3A_116 : vector<16xf32> to vector<1x16xf32>
          tpu.vector_store %arg13[%parallel_loop3A_127, %parallel_loop3A_128], %parallel_loop3A_131 {strides = array<i32>} : memref<400x32xf32, #tpu.memory_space<vmem>>, vector<1x16xf32>,
        } {sc.loop_unroll_factor = 4 : i64, sc.parallel_access}
        %run_scoped3A = arith.constant 1 : i32
        "tpu.region"() ({
          %run_scoped3A_99 = tpu.sem_alloc : memref<!tpu.dma_semaphore, #tpu.memory_space<semaphore_mem>>
          %dma_start3A_100 = arith.constant 0 : i32
          %dma_start3A_101 = tpu.memref_slice %arg7[%run_scoped3A, %dma_start3A_100] : memref<2x400xi32, #tpu.memory_space<vmem>> -> memref<1x400xi32, #tpu.memory_space<vmem>>
          %dma_start3A_102 = tpu.memref_squeeze %dma_start3A_101 : memref<1x400xi32, #tpu.memory_space<vmem>> -> memref<400xi32, #tpu.memory_space<vmem>>
          %dma_start3A_103 = arith.constant 0 : i32
          %dma_start3A_104 = arith.constant 0 : i32
          %dma_start3A_105 = tpu.memref_slice %arg15[%dma_start3A_103, %dma_start3A_104] : memref<10000x32xf32, #tpu.memory_space<vmem_shared>> -> memref<10000x32xf32, #tpu.memory_space<vmem_shared>>
          tpu.enqueue_indirect_dma source(%arg13 : memref<400x32xf32, #tpu.memory_space<vmem>>) target(%dma_start3A_105 : memref<10000x32xf32, #tpu.memory_space<vmem_shared>>) offsets(%dma_start3A_102 : memref<400xi32, #tpu.memory_space<vmem>>) semaphore(%run_scoped3A_99 : memref<!tpu.dma_semaphore, #tpu.memory_space<semaphore_mem>>) {add = true}
          %dma_wait3A_106 = arith.constant 0 : i32
          %dma_wait3A_107 = tpu.memref_slice %arg7[%run_scoped3A, %dma_wait3A_106] : memref<2x400xi32, #tpu.memory_space<vmem>> -> memref<1x400xi32, #tpu.memory_space<vmem>>
          %dma_wait3A_108 = tpu.memref_squeeze %dma_wait3A_107 : memref<1x400xi32, #tpu.memory_space<vmem>> -> memref<400xi32, #tpu.memory_space<vmem>>
          %dma_wait3A_109 = arith.constant 0 : i32
          %dma_wait3A_110 = arith.constant 0 : i32
          %dma_wait3A_111 = tpu.memref_slice %arg15[%dma_wait3A_109, %dma_wait3A_110] : memref<10000x32xf32, #tpu.memory_space<vmem_shared>> -> memref<10000x32xf32, #tpu.memory_space<vmem_shared>>
          tpu.wait_indirect_dma semaphore(%run_scoped3A_99 : memref<!tpu.dma_semaphore, #tpu.memory_space<semaphore_mem>>) src(%arg13 : memref<400x32xf32, #tpu.memory_space<vmem>>) dst(%dma_wait3A_111 : memref<10000x32xf32, #tpu.memory_space<vmem_shared>>)
          tpu.yield
        }) : () -> ()
        %add3A_92 = arith.constant 2 : i32
        %add3A_93 = arith.addi %scan3A_57, %add3A_92 : i32
        %lt3A_94 = arith.constant 25 : i32
        %lt3A_95 = arith.cmpi slt, %add3A_93, %lt3A_94 : i32
        %convert_element_type3A_96 = arith.extui %lt3A_95 : i1 to i32
        %cond3A_97 = arith.constant 0 : i32
        %cond3A_98 = arith.cmpi ne, %convert_element_type3A_96, %cond3A_97 : i32
        scf.if %cond3A_98 {
          %add3A_99 = arith.constant 2 : i32
          %add3A_100 = arith.addi %scan3A_57, %add3A_99 : i32
          %mul3A_101 = arith.constant 400 : i32
          %mul3A_102 = arith.muli %add3A_100, %mul3A_101 : i32
          %add3A_103 = arith.addi %mul3A_2, %mul3A_102 : i32
          %multiple_of3A_104 = tpu.assume_multiple %add3A_103, 8 : i32
          "tpu.region"() ({
            %run_scoped3A_105 = tpu.sem_alloc : memref<!tpu.dma_semaphore, #tpu.memory_space<semaphore_mem>>
            %dma_start3A_106 = arith.constant 0 : i32
            %dma_start3A_107 = tpu.memref_slice %arg4[%dma_start3A_106, %multiple_of3A_104] : memref<2x320000xi32, #tpu.memory_space<hbm>> -> memref<2x400xi32, #tpu.memory_space<hbm>>
            %dma_start3A_108 = arith.constant 0 : i32
            %dma_start3A_109 = tpu.memref_slice %arg4[%dma_start3A_108, %multiple_of3A_104] : memref<2x320000xi32, #tpu.memory_space<hbm>> -> memref<2x400xi32, #tpu.memory_space<hbm>>
            tpu.enqueue_dma source(%dma_start3A_109 : memref<2x400xi32, #tpu.memory_space<hbm>>) target(%arg7 : memref<2x400xi32, #tpu.memory_space<vmem>>) target_semaphore(%run_scoped3A_105 : memref<!tpu.dma_semaphore, #tpu.memory_space<semaphore_mem>>)
            %dma_wait3A_110 = arith.constant 0 : i32
            %dma_wait3A_111 = tpu.memref_slice %arg4[%dma_wait3A_110, %multiple_of3A_104] : memref<2x320000xi32, #tpu.memory_space<hbm>> -> memref<2x400xi32, #tpu.memory_space<hbm>>
            %dma_wait3A_112 = arith.constant 0 : i32
            %dma_wait3A_113 = tpu.memref_slice %arg4[%dma_wait3A_112, %multiple_of3A_104] : memref<2x320000xi32, #tpu.memory_space<hbm>> -> memref<2x400xi32, #tpu.memory_space<hbm>>
            tpu.wait_dma2 semaphore(%run_scoped3A_105 : memref<!tpu.dma_semaphore, #tpu.memory_space<semaphore_mem>>) src(%dma_wait3A_113 : memref<2x400xi32, #tpu.memory_space<hbm>>) dst(%arg7 : memref<2x400xi32, #tpu.memory_space<vmem>>)
            tpu.yield
          }) : () -> ()
        } else {
        }
      } else {
      }
      %rem3A_63 = arith.constant 2 : i32
      %rem3A_64 = arith.remsi %scan3A_57, %rem3A_63 : i32
      %eq3A_65 = arith.constant 1 : i32
      %eq3A_66 = arith.cmpi eq, %rem3A_64, %eq3A_65 : i32
      %convert_element_type3A_67 = arith.extui %eq3A_66 : i1 to i32
      %cond3A_68 = arith.constant 0 : i32
      %cond3A_69 = arith.cmpi ne, %convert_element_type3A_67, %cond3A_68 : i32
      scf.if %cond3A_69 {
        %add3A_70 = arith.constant 1 : i32
        %add3A_71 = arith.addi %scan3A_57, %add3A_70 : i32
        %lt3A_72 = arith.constant 25 : i32
        %lt3A_73 = arith.cmpi slt, %add3A_71, %lt3A_72 : i32
        %convert_element_type3A_74 = arith.extui %lt3A_73 : i1 to i32
        %cond3A_75 = arith.constant 0 : i32
        %cond3A_76 = arith.cmpi ne, %convert_element_type3A_74, %cond3A_75 : i32
        scf.if %cond3A_76 {
          %dma_start3A_99 = arith.constant 0 : i32
          %dma_start3A_100 = arith.constant 0 : i32
          %dma_start3A_101 = tpu.memref_slice %arg7[%dma_start3A_99, %dma_start3A_100] : memref<2x400xi32, #tpu.memory_space<vmem>> -> memref<1x400xi32, #tpu.memory_space<vmem>>
          %dma_start3A_102 = tpu.memref_squeeze %dma_start3A_101 : memref<1x400xi32, #tpu.memory_space<vmem>> -> memref<400xi32, #tpu.memory_space<vmem>>
          %dma_start3A_103 = arith.constant 0 : i32
          %dma_start3A_104 = arith.constant 0 : i32
          %dma_start3A_105 = tpu.memref_slice %arg2[%dma_start3A_103, %dma_start3A_104] : memref<10000x32xf32, #tpu.memory_space<hbm>> -> memref<10000x32xf32, #tpu.memory_space<hbm>>
          tpu.enqueue_indirect_dma source(%dma_start3A_105 : memref<10000x32xf32, #tpu.memory_space<hbm>>) target(%arg9 : memref<400x32xf32, #tpu.memory_space<vmem>>) offsets(%dma_start3A_102 : memref<400xi32, #tpu.memory_space<vmem>>) semaphore(%arg16 : memref<!tpu.dma_semaphore, #tpu.memory_space<semaphore_mem>>)
          %dma_start3A_106 = arith.constant 1 : i32
          %dma_start3A_107 = arith.constant 0 : i32
          %dma_start3A_108 = tpu.memref_slice %arg7[%dma_start3A_106, %dma_start3A_107] : memref<2x400xi32, #tpu.memory_space<vmem>> -> memref<1x400xi32, #tpu.memory_space<vmem>>
          %dma_start3A_109 = tpu.memref_squeeze %dma_start3A_108 : memref<1x400xi32, #tpu.memory_space<vmem>> -> memref<400xi32, #tpu.memory_space<vmem>>
          %dma_start3A_110 = arith.constant 0 : i32
          %dma_start3A_111 = arith.constant 0 : i32
          %dma_start3A_112 = tpu.memref_slice %arg3[%dma_start3A_110, %dma_start3A_111] : memref<10000x16xf32, #tpu.memory_space<hbm>> -> memref<10000x16xf32, #tpu.memory_space<hbm>>
          tpu.enqueue_indirect_dma source(%dma_start3A_112 : memref<10000x16xf32, #tpu.memory_space<hbm>>) target(%arg11 : memref<400x16xf32, #tpu.memory_space<vmem>>) offsets(%dma_start3A_109 : memref<400xi32, #tpu.memory_space<vmem>>) semaphore(%arg16 : memref<!tpu.dma_semaphore, #tpu.memory_space<semaphore_mem>>)
        } else {
        }
        %dma_wait3A = arith.constant 0 : i32
        %dma_wait3A_77 = arith.constant 0 : i32
        %dma_wait3A_78 = tpu.memref_slice %arg8[%dma_wait3A, %dma_wait3A_77] : memref<2x400xi32, #tpu.memory_space<vmem>> -> memref<1x400xi32, #tpu.memory_space<vmem>>
        %dma_wait3A_79 = tpu.memref_squeeze %dma_wait3A_78 : memref<1x400xi32, #tpu.memory_space<vmem>> -> memref<400xi32, #tpu.memory_space<vmem>>
        %dma_wait3A_80 = arith.constant 0 : i32
        %dma_wait3A_81 = arith.constant 0 : i32
        %dma_wait3A_82 = tpu.memref_slice %arg2[%dma_wait3A_80, %dma_wait3A_81] : memref<10000x32xf32, #tpu.memory_space<hbm>> -> memref<10000x32xf32, #tpu.memory_space<hbm>>
        tpu.wait_indirect_dma semaphore(%arg17 : memref<!tpu.dma_semaphore, #tpu.memory_space<semaphore_mem>>) src(%dma_wait3A_82 : memref<10000x32xf32, #tpu.memory_space<hbm>>) dst(%arg10 : memref<400x32xf32, #tpu.memory_space<vmem>>)
        %dma_wait3A_83 = arith.constant 1 : i32
        %dma_wait3A_84 = arith.constant 0 : i32
        %dma_wait3A_85 = tpu.memref_slice %arg8[%dma_wait3A_83, %dma_wait3A_84] : memref<2x400xi32, #tpu.memory_space<vmem>> -> memref<1x400xi32, #tpu.memory_space<vmem>>
        %dma_wait3A_86 = tpu.memref_squeeze %dma_wait3A_85 : memref<1x400xi32, #tpu.memory_space<vmem>> -> memref<400xi32, #tpu.memory_space<vmem>>
        %dma_wait3A_87 = arith.constant 0 : i32
        %dma_wait3A_88 = arith.constant 0 : i32
        %dma_wait3A_89 = tpu.memref_slice %arg3[%dma_wait3A_87, %dma_wait3A_88] : memref<10000x16xf32, #tpu.memory_space<hbm>> -> memref<10000x16xf32, #tpu.memory_space<hbm>>
        tpu.wait_indirect_dma semaphore(%arg17 : memref<!tpu.dma_semaphore, #tpu.memory_space<semaphore_mem>>) src(%dma_wait3A_89 : memref<10000x16xf32, #tpu.memory_space<hbm>>) dst(%arg12 : memref<400x16xf32, #tpu.memory_space<vmem>>)
        %parallel_loop3A = arith.constant 0 : i32
        %parallel_loop3A_90 = arith.constant 400 : i32
        %parallel_loop3A_91 = arith.constant 1 : i32
        scf.for %parallel_loop3A_99 = %parallel_loop3A to %parallel_loop3A_90 step %parallel_loop3A_91  : i32 {
          %parallel_loop3A_100 = arith.index_cast %parallel_loop3A_99 : i32 to index
          %parallel_loop3A_101 = arith.constant 16 : index
          %parallel_loop3A_102 = tpu.vector_load %arg10[%parallel_loop3A_100, %parallel_loop3A_101] {strides = array<i32>} : memref<400x32xf32, #tpu.memory_space<vmem>>, vector<1x16xf32>,
          %parallel_loop3A_103 = vector.shape_cast %parallel_loop3A_102 : vector<1x16xf32> to vector<16xf32>
          %parallel_loop3A_104 = arith.index_cast %parallel_loop3A_99 : i32 to index
          %parallel_loop3A_105 = arith.constant 0 : index
          %parallel_loop3A_106 = tpu.vector_load %arg12[%parallel_loop3A_104, %parallel_loop3A_105] {strides = array<i32>} : memref<400x16xf32, #tpu.memory_space<vmem>>, vector<1x16xf32>,
          %parallel_loop3A_107 = vector.shape_cast %parallel_loop3A_106 : vector<1x16xf32> to vector<16xf32>
          %parallel_loop3A_108 = arith.addf %parallel_loop3A_103, %parallel_loop3A_107 : vector<16xf32>
          %parallel_loop3A_109 = arith.constant 0.000000e+00 : f32
          %parallel_loop3A_110 = vector.broadcast %parallel_loop3A_109 : f32 to vector<16xf32>
          %parallel_loop3A_111 = arith.cmpf oge, %parallel_loop3A_108, %parallel_loop3A_110 : vector<16xf32>
          %parallel_loop3A_112 = arith.constant 2.000000e-01 : f32
          %parallel_loop3A_113 = vector.broadcast %parallel_loop3A_112 : f32 to vector<16xf32>
          %parallel_loop3A_114 = arith.mulf %parallel_loop3A_113, %parallel_loop3A_108 : vector<16xf32>
          %parallel_loop3A_115 = arith.select %parallel_loop3A_111, %parallel_loop3A_108, %parallel_loop3A_114 : vector<16xi1>, vector<16xf32>
          %parallel_loop3A_116 = math.exp %parallel_loop3A_115 : vector<16xf32>
          %parallel_loop3A_117 = arith.index_cast %parallel_loop3A_99 : i32 to index
          %parallel_loop3A_118 = arith.constant 0 : index
          %parallel_loop3A_119 = tpu.vector_load %arg10[%parallel_loop3A_117, %parallel_loop3A_118] {strides = array<i32>} : memref<400x32xf32, #tpu.memory_space<vmem>>, vector<1x16xf32>,
          %parallel_loop3A_120 = vector.shape_cast %parallel_loop3A_119 : vector<1x16xf32> to vector<16xf32>
          %parallel_loop3A_121 = arith.mulf %parallel_loop3A_120, %parallel_loop3A_116 : vector<16xf32>
          %parallel_loop3A_122 = arith.index_cast %parallel_loop3A_99 : i32 to index
          %parallel_loop3A_123 = arith.constant 0 : index
          %parallel_loop3A_124 = tpu.vector_load %arg14[%parallel_loop3A_122, %parallel_loop3A_123] {strides = array<i32>} : memref<400x32xf32, #tpu.memory_space<vmem>>, vector<1x16xf32>,
          %parallel_loop3A_125 = vector.shape_cast %parallel_loop3A_124 : vector<1x16xf32> to vector<16xf32>
          %parallel_loop3A_126 = vector.shape_cast %parallel_loop3A_121 : vector<16xf32> to vector<1x16xf32>
          tpu.vector_store %arg14[%parallel_loop3A_122, %parallel_loop3A_123], %parallel_loop3A_126 {strides = array<i32>} : memref<400x32xf32, #tpu.memory_space<vmem>>, vector<1x16xf32>,
          %parallel_loop3A_127 = arith.index_cast %parallel_loop3A_99 : i32 to index
          %parallel_loop3A_128 = arith.constant 16 : index
          %parallel_loop3A_129 = tpu.vector_load %arg14[%parallel_loop3A_127, %parallel_loop3A_128] {strides = array<i32>} : memref<400x32xf32, #tpu.memory_space<vmem>>, vector<1x16xf32>,
          %parallel_loop3A_130 = vector.shape_cast %parallel_loop3A_129 : vector<1x16xf32> to vector<16xf32>
          %parallel_loop3A_131 = vector.shape_cast %parallel_loop3A_116 : vector<16xf32> to vector<1x16xf32>
          tpu.vector_store %arg14[%parallel_loop3A_127, %parallel_loop3A_128], %parallel_loop3A_131 {strides = array<i32>} : memref<400x32xf32, #tpu.memory_space<vmem>>, vector<1x16xf32>,
        } {sc.loop_unroll_factor = 4 : i64, sc.parallel_access}
        %run_scoped3A = arith.constant 1 : i32
        "tpu.region"() ({
          %run_scoped3A_99 = tpu.sem_alloc : memref<!tpu.dma_semaphore, #tpu.memory_space<semaphore_mem>>
          %dma_start3A_100 = arith.constant 0 : i32
          %dma_start3A_101 = tpu.memref_slice %arg8[%run_scoped3A, %dma_start3A_100] : memref<2x400xi32, #tpu.memory_space<vmem>> -> memref<1x400xi32, #tpu.memory_space<vmem>>
          %dma_start3A_102 = tpu.memref_squeeze %dma_start3A_101 : memref<1x400xi32, #tpu.memory_space<vmem>> -> memref<400xi32, #tpu.memory_space<vmem>>
          %dma_start3A_103 = arith.constant 0 : i32
          %dma_start3A_104 = arith.constant 0 : i32
          %dma_start3A_105 = tpu.memref_slice %arg15[%dma_start3A_103, %dma_start3A_104] : memref<10000x32xf32, #tpu.memory_space<vmem_shared>> -> memref<10000x32xf32, #tpu.memory_space<vmem_shared>>
          tpu.enqueue_indirect_dma source(%arg14 : memref<400x32xf32, #tpu.memory_space<vmem>>) target(%dma_start3A_105 : memref<10000x32xf32, #tpu.memory_space<vmem_shared>>) offsets(%dma_start3A_102 : memref<400xi32, #tpu.memory_space<vmem>>) semaphore(%run_scoped3A_99 : memref<!tpu.dma_semaphore, #tpu.memory_space<semaphore_mem>>) {add = true}
          %dma_wait3A_106 = arith.constant 0 : i32
          %dma_wait3A_107 = tpu.memref_slice %arg8[%run_scoped3A, %dma_wait3A_106] : memref<2x400xi32, #tpu.memory_space<vmem>> -> memref<1x400xi32, #tpu.memory_space<vmem>>
          %dma_wait3A_108 = tpu.memref_squeeze %dma_wait3A_107 : memref<1x400xi32, #tpu.memory_space<vmem>> -> memref<400xi32, #tpu.memory_space<vmem>>
          %dma_wait3A_109 = arith.constant 0 : i32
          %dma_wait3A_110 = arith.constant 0 : i32
          %dma_wait3A_111 = tpu.memref_slice %arg15[%dma_wait3A_109, %dma_wait3A_110] : memref<10000x32xf32, #tpu.memory_space<vmem_shared>> -> memref<10000x32xf32, #tpu.memory_space<vmem_shared>>
          tpu.wait_indirect_dma semaphore(%run_scoped3A_99 : memref<!tpu.dma_semaphore, #tpu.memory_space<semaphore_mem>>) src(%arg14 : memref<400x32xf32, #tpu.memory_space<vmem>>) dst(%dma_wait3A_111 : memref<10000x32xf32, #tpu.memory_space<vmem_shared>>)
          tpu.yield
        }) : () -> ()
        %add3A_92 = arith.constant 2 : i32
        %add3A_93 = arith.addi %scan3A_57, %add3A_92 : i32
        %lt3A_94 = arith.constant 25 : i32
        %lt3A_95 = arith.cmpi slt, %add3A_93, %lt3A_94 : i32
        %convert_element_type3A_96 = arith.extui %lt3A_95 : i1 to i32
        %cond3A_97 = arith.constant 0 : i32
        %cond3A_98 = arith.cmpi ne, %convert_element_type3A_96, %cond3A_97 : i32
        scf.if %cond3A_98 {
          %add3A_99 = arith.constant 2 : i32
          %add3A_100 = arith.addi %scan3A_57, %add3A_99 : i32
          %mul3A_101 = arith.constant 400 : i32
          %mul3A_102 = arith.muli %add3A_100, %mul3A_101 : i32
          %add3A_103 = arith.addi %mul3A_2, %mul3A_102 : i32
          %multiple_of3A_104 = tpu.assume_multiple %add3A_103, 8 : i32
          "tpu.region"() ({
            %run_scoped3A_105 = tpu.sem_alloc : memref<!tpu.dma_semaphore, #tpu.memory_space<semaphore_mem>>
            %dma_start3A_106 = arith.constant 0 : i32
            %dma_start3A_107 = tpu.memref_slice %arg4[%dma_start3A_106, %multiple_of3A_104] : memref<2x320000xi32, #tpu.memory_space<hbm>> -> memref<2x400xi32, #tpu.memory_space<hbm>>
            %dma_start3A_108 = arith.constant 0 : i32
            %dma_start3A_109 = tpu.memref_slice %arg4[%dma_start3A_108, %multiple_of3A_104] : memref<2x320000xi32, #tpu.memory_space<hbm>> -> memref<2x400xi32, #tpu.memory_space<hbm>>
            tpu.enqueue_dma source(%dma_start3A_109 : memref<2x400xi32, #tpu.memory_space<hbm>>) target(%arg8 : memref<2x400xi32, #tpu.memory_space<vmem>>) target_semaphore(%run_scoped3A_105 : memref<!tpu.dma_semaphore, #tpu.memory_space<semaphore_mem>>)
            %dma_wait3A_110 = arith.constant 0 : i32
            %dma_wait3A_111 = tpu.memref_slice %arg4[%dma_wait3A_110, %multiple_of3A_104] : memref<2x320000xi32, #tpu.memory_space<hbm>> -> memref<2x400xi32, #tpu.memory_space<hbm>>
            %dma_wait3A_112 = arith.constant 0 : i32
            %dma_wait3A_113 = tpu.memref_slice %arg4[%dma_wait3A_112, %multiple_of3A_104] : memref<2x320000xi32, #tpu.memory_space<hbm>> -> memref<2x400xi32, #tpu.memory_space<hbm>>
            tpu.wait_dma2 semaphore(%run_scoped3A_105 : memref<!tpu.dma_semaphore, #tpu.memory_space<semaphore_mem>>) src(%dma_wait3A_113 : memref<2x400xi32, #tpu.memory_space<hbm>>) dst(%arg8 : memref<2x400xi32, #tpu.memory_space<vmem>>)
            tpu.yield
          }) : () -> ()
        } else {
        }
      } else {
      }
    }
    %scan3A_41 = arith.constant 25 : i32
    %barrier3A_42 = arith.constant 0 : index
    tpu.barrier barrier_id(%barrier3A_42)
    %add3A_43 = arith.constant 0 : i32
    %add3A_44 = arith.addi %add3A_43, %arg1 : i32
    %lt3A_45 = arith.constant 25 : i32
    %lt3A_46 = arith.cmpi slt, %add3A_44, %lt3A_45 : i32
    %convert_element_type3A_47 = arith.extui %lt3A_46 : i1 to i32
    %cond3A_48 = arith.constant 0 : i32
    %cond3A_49 = arith.cmpi ne, %convert_element_type3A_47, %cond3A_48 : i32
    scf.if %cond3A_49 {
      %mul3A_57 = arith.constant 400 : i32
      %mul3A_58 = arith.muli %add3A_44, %mul3A_57 : i32
      %multiple_of3A_59 = tpu.assume_multiple %mul3A_58, 8 : i32
      %eq3A = arith.constant 0 : i32
      %eq3A_60 = arith.cmpi eq, %arg0, %eq3A : i32
      %convert_element_type3A_61 = arith.extui %eq3A_60 : i1 to i32
      %cond3A_62 = arith.constant 0 : i32
      %cond3A_63 = arith.cmpi ne, %convert_element_type3A_61, %cond3A_62 : i32
      scf.if %cond3A_63 {
        "tpu.region"() ({
          %run_scoped3A = tpu.sem_alloc : memref<!tpu.dma_semaphore, #tpu.memory_space<semaphore_mem>>
          %dma_start3A_69 = arith.constant 0 : i32
          %dma_start3A_70 = tpu.memref_slice %arg5[%multiple_of3A_59, %dma_start3A_69] : memref<10000x32xf32, #tpu.memory_space<hbm>> -> memref<400x32xf32, #tpu.memory_space<hbm>>
          %dma_start3A_71 = arith.constant 0 : i32
          %dma_start3A_72 = tpu.memref_slice %arg15[%multiple_of3A_59, %dma_start3A_71] : memref<10000x32xf32, #tpu.memory_space<vmem_shared>> -> memref<400x32xf32, #tpu.memory_space<vmem_shared>>
          tpu.enqueue_dma source(%dma_start3A_72 : memref<400x32xf32, #tpu.memory_space<vmem_shared>>) target(%dma_start3A_70 : memref<400x32xf32, #tpu.memory_space<hbm>>) target_semaphore(%run_scoped3A : memref<!tpu.dma_semaphore, #tpu.memory_space<semaphore_mem>>)
          %dma_wait3A = arith.constant 0 : i32
          %dma_wait3A_73 = tpu.memref_slice %arg5[%multiple_of3A_59, %dma_wait3A] : memref<10000x32xf32, #tpu.memory_space<hbm>> -> memref<400x32xf32, #tpu.memory_space<hbm>>
          %dma_wait3A_74 = arith.constant 0 : i32
          %dma_wait3A_75 = tpu.memref_slice %arg15[%multiple_of3A_59, %dma_wait3A_74] : memref<10000x32xf32, #tpu.memory_space<vmem_shared>> -> memref<400x32xf32, #tpu.memory_space<vmem_shared>>
          tpu.wait_dma2 semaphore(%run_scoped3A : memref<!tpu.dma_semaphore, #tpu.memory_space<semaphore_mem>>) src(%dma_wait3A_75 : memref<400x32xf32, #tpu.memory_space<vmem_shared>>) dst(%dma_wait3A_73 : memref<400x32xf32, #tpu.memory_space<hbm>>)
          tpu.yield
        }) : () -> ()
      } else {
      }
      %eq3A_64 = arith.constant 1 : i32
      %eq3A_65 = arith.cmpi eq, %arg0, %eq3A_64 : i32
      %convert_element_type3A_66 = arith.extui %eq3A_65 : i1 to i32
      %cond3A_67 = arith.constant 0 : i32
      %cond3A_68 = arith.cmpi ne, %convert_element_type3A_66, %cond3A_67 : i32
      scf.if %cond3A_68 {
        "tpu.region"() ({
          %run_scoped3A = tpu.sem_alloc : memref<!tpu.dma_semaphore, #tpu.memory_space<semaphore_mem>>
          %dma_start3A_69 = arith.constant 0 : i32
          %dma_start3A_70 = tpu.memref_slice %arg6[%multiple_of3A_59, %dma_start3A_69] : memref<10000x32xf32, #tpu.memory_space<hbm>> -> memref<400x32xf32, #tpu.memory_space<hbm>>
          %dma_start3A_71 = arith.constant 0 : i32
          %dma_start3A_72 = tpu.memref_slice %arg15[%multiple_of3A_59, %dma_start3A_71] : memref<10000x32xf32, #tpu.memory_space<vmem_shared>> -> memref<400x32xf32, #tpu.memory_space<vmem_shared>>
          tpu.enqueue_dma source(%dma_start3A_72 : memref<400x32xf32, #tpu.memory_space<vmem_shared>>) target(%dma_start3A_70 : memref<400x32xf32, #tpu.memory_space<hbm>>) target_semaphore(%run_scoped3A : memref<!tpu.dma_semaphore, #tpu.memory_space<semaphore_mem>>)
          %dma_wait3A = arith.constant 0 : i32
          %dma_wait3A_73 = tpu.memref_slice %arg6[%multiple_of3A_59, %dma_wait3A] : memref<10000x32xf32, #tpu.memory_space<hbm>> -> memref<400x32xf32, #tpu.memory_space<hbm>>
          %dma_wait3A_74 = arith.constant 0 : i32
          %dma_wait3A_75 = tpu.memref_slice %arg15[%multiple_of3A_59, %dma_wait3A_74] : memref<10000x32xf32, #tpu.memory_space<vmem_shared>> -> memref<400x32xf32, #tpu.memory_space<vmem_shared>>
          tpu.wait_dma2 semaphore(%run_scoped3A : memref<!tpu.dma_semaphore, #tpu.memory_space<semaphore_mem>>) src(%dma_wait3A_75 : memref<400x32xf32, #tpu.memory_space<vmem_shared>>) dst(%dma_wait3A_73 : memref<400x32xf32, #tpu.memory_space<hbm>>)
          tpu.yield
        }) : () -> ()
      } else {
      }
    } else {
    }
    %add3A_50 = arith.constant 16 : i32
    %add3A_51 = arith.addi %add3A_50, %arg1 : i32
    %lt3A_52 = arith.constant 25 : i32
    %lt3A_53 = arith.cmpi slt, %add3A_51, %lt3A_52 : i32
    %convert_element_type3A_54 = arith.extui %lt3A_53 : i1 to i32
    %cond3A_55 = arith.constant 0 : i32
    %cond3A_56 = arith.cmpi ne, %convert_element_type3A_54, %cond3A_55 : i32
    scf.if %cond3A_56 {
      %mul3A_57 = arith.constant 400 : i32
      %mul3A_58 = arith.muli %add3A_51, %mul3A_57 : i32
      %multiple_of3A_59 = tpu.assume_multiple %mul3A_58, 8 : i32
      %eq3A = arith.constant 0 : i32
      %eq3A_60 = arith.cmpi eq, %arg0, %eq3A : i32
      %convert_element_type3A_61 = arith.extui %eq3A_60 : i1 to i32
      %cond3A_62 = arith.constant 0 : i32
      %cond3A_63 = arith.cmpi ne, %convert_element_type3A_61, %cond3A_62 : i32
      scf.if %cond3A_63 {
        "tpu.region"() ({
          %run_scoped3A = tpu.sem_alloc : memref<!tpu.dma_semaphore, #tpu.memory_space<semaphore_mem>>
          %dma_start3A_69 = arith.constant 0 : i32
          %dma_start3A_70 = tpu.memref_slice %arg5[%multiple_of3A_59, %dma_start3A_69] : memref<10000x32xf32, #tpu.memory_space<hbm>> -> memref<400x32xf32, #tpu.memory_space<hbm>>
          %dma_start3A_71 = arith.constant 0 : i32
          %dma_start3A_72 = tpu.memref_slice %arg15[%multiple_of3A_59, %dma_start3A_71] : memref<10000x32xf32, #tpu.memory_space<vmem_shared>> -> memref<400x32xf32, #tpu.memory_space<vmem_shared>>
          tpu.enqueue_dma source(%dma_start3A_72 : memref<400x32xf32, #tpu.memory_space<vmem_shared>>) target(%dma_start3A_70 : memref<400x32xf32, #tpu.memory_space<hbm>>) target_semaphore(%run_scoped3A : memref<!tpu.dma_semaphore, #tpu.memory_space<semaphore_mem>>)
          %dma_wait3A = arith.constant 0 : i32
          %dma_wait3A_73 = tpu.memref_slice %arg5[%multiple_of3A_59, %dma_wait3A] : memref<10000x32xf32, #tpu.memory_space<hbm>> -> memref<400x32xf32, #tpu.memory_space<hbm>>
          %dma_wait3A_74 = arith.constant 0 : i32
          %dma_wait3A_75 = tpu.memref_slice %arg15[%multiple_of3A_59, %dma_wait3A_74] : memref<10000x32xf32, #tpu.memory_space<vmem_shared>> -> memref<400x32xf32, #tpu.memory_space<vmem_shared>>
          tpu.wait_dma2 semaphore(%run_scoped3A : memref<!tpu.dma_semaphore, #tpu.memory_space<semaphore_mem>>) src(%dma_wait3A_75 : memref<400x32xf32, #tpu.memory_space<vmem_shared>>) dst(%dma_wait3A_73 : memref<400x32xf32, #tpu.memory_space<hbm>>)
          tpu.yield
        }) : () -> ()
      } else {
      }
      %eq3A_64 = arith.constant 1 : i32
      %eq3A_65 = arith.cmpi eq, %arg0, %eq3A_64 : i32
      %convert_element_type3A_66 = arith.extui %eq3A_65 : i1 to i32
      %cond3A_67 = arith.constant 0 : i32
      %cond3A_68 = arith.cmpi ne, %convert_element_type3A_66, %cond3A_67 : i32
      scf.if %cond3A_68 {
        "tpu.region"() ({
          %run_scoped3A = tpu.sem_alloc : memref<!tpu.dma_semaphore, #tpu.memory_space<semaphore_mem>>
          %dma_start3A_69 = arith.constant 0 : i32
          %dma_start3A_70 = tpu.memref_slice %arg6[%multiple_of3A_59, %dma_start3A_69] : memref<10000x32xf32, #tpu.memory_space<hbm>> -> memref<400x32xf32, #tpu.memory_space<hbm>>
          %dma_start3A_71 = arith.constant 0 : i32
          %dma_start3A_72 = tpu.memref_slice %arg15[%multiple_of3A_59, %dma_start3A_71] : memref<10000x32xf32, #tpu.memory_space<vmem_shared>> -> memref<400x32xf32, #tpu.memory_space<vmem_shared>>
          tpu.enqueue_dma source(%dma_start3A_72 : memref<400x32xf32, #tpu.memory_space<vmem_shared>>) target(%dma_start3A_70 : memref<400x32xf32, #tpu.memory_space<hbm>>) target_semaphore(%run_scoped3A : memref<!tpu.dma_semaphore, #tpu.memory_space<semaphore_mem>>)
          %dma_wait3A = arith.constant 0 : i32
          %dma_wait3A_73 = tpu.memref_slice %arg6[%multiple_of3A_59, %dma_wait3A] : memref<10000x32xf32, #tpu.memory_space<hbm>> -> memref<400x32xf32, #tpu.memory_space<hbm>>
          %dma_wait3A_74 = arith.constant 0 : i32
          %dma_wait3A_75 = tpu.memref_slice %arg15[%multiple_of3A_59, %dma_wait3A_74] : memref<10000x32xf32, #tpu.memory_space<vmem_shared>> -> memref<400x32xf32, #tpu.memory_space<vmem_shared>>
          tpu.wait_dma2 semaphore(%run_scoped3A : memref<!tpu.dma_semaphore, #tpu.memory_space<semaphore_mem>>) src(%dma_wait3A_75 : memref<400x32xf32, #tpu.memory_space<vmem_shared>>) dst(%dma_wait3A_73 : memref<400x32xf32, #tpu.memory_space<hbm>>)
          tpu.yield
        }) : () -> ()
      } else {
      }
    } else {
    }
    return
  }
}

module attributes {stable_mosaic.version = 14 : i64} {
  func.func @_prep1_body(%arg0: i32, %arg1: memref<400x128xf32, #tpu.memory_space<vmem>>, %arg2: memref<128x128xf32, #tpu.memory_space<vmem>>, %arg3: memref<128x16xf32, #tpu.memory_space<vmem>>, %arg4: memref<128x16xf32, #tpu.memory_space<vmem>>, %arg5: memref<400x144xf32, #tpu.memory_space<vmem>>, %arg6: memref<400x16xf32, #tpu.memory_space<vmem>>) attributes {dimension_semantics = [#tpu.dimension_semantics<arbitrary>], iteration_bounds = array<i64: 25>, scalar_prefetch = 0 : i64, scratch_operands = 0 : i64, tpu.core_type = #tpu.core_type<tc>, window_params = [{transform_indices = @transform_0, window_bounds = array<i64: 400, 128>}, {pipeline_mode = #tpu.pipeline_mode<synchronous>, transform_indices = @transform_1, window_bounds = array<i64: 128, 128>}, {pipeline_mode = #tpu.pipeline_mode<synchronous>, transform_indices = @transform_2, window_bounds = array<i64: 128, 16>}, {pipeline_mode = #tpu.pipeline_mode<synchronous>, transform_indices = @transform_3, window_bounds = array<i64: 128, 16>}, {transform_indices = @transform_4, window_bounds = array<i64: 400, 144>}, {transform_indices = @transform_5, window_bounds = array<i64: 400, 16>}]} {
    %get3A = arith.constant 0 : index
    %get3A_0 = arith.constant 0 : index
    %get3A_1 = vector.load %arg1[%get3A, %get3A_0] : memref<400x128xf32, #tpu.memory_space<vmem>>, vector<400x128xf32>
    %get3A_2 = arith.constant 0 : index
    %get3A_3 = arith.constant 0 : index
    %get3A_4 = vector.load %arg2[%get3A_2, %get3A_3] : memref<128x128xf32, #tpu.memory_space<vmem>>, vector<128x128xf32>
    %dot_general3A = arith.constant dense<0.000000e+00> : vector<400x128xf32>
    %dot_general3A_5 = tpu.matmul %get3A_1, %get3A_4, %dot_general3A {dimension_numbers = #tpu.dot_dimension_numbers<[1], [0], [0], [1], [0, 0, 1, 1], [], []>, transpose_lhs_hint = false} : vector<400x128xf32>, vector<128x128xf32>, vector<400x128xf32> -> vector<400x128xf32>
    %get3A_6 = arith.constant 0 : index
    %get3A_7 = arith.constant 0 : index
    %get3A_8 = vector.load %arg3[%get3A_6, %get3A_7] : memref<128x16xf32, #tpu.memory_space<vmem>>, vector<128x16xf32>
    %dot_general3A_9 = arith.constant dense<0.000000e+00> : vector<400x16xf32>
    %dot_general3A_10 = tpu.matmul %dot_general3A_5, %get3A_8, %dot_general3A_9 {dimension_numbers = #tpu.dot_dimension_numbers<[1], [0], [0], [1], [0, 0, 1, 1], [], []>, transpose_lhs_hint = false} : vector<400x128xf32>, vector<128x16xf32>, vector<400x16xf32> -> vector<400x16xf32>
    %concatenate3A = tpu.concatenate %dot_general3A_5, %dot_general3A_10 in 1 : vector<400x128xf32>, vector<400x16xf32> -> vector<400x144xf32>
    %swap3A = arith.constant 0 : index
    %swap3A_11 = arith.constant 0 : index
    %swap3A_12 = vector.load %arg5[%swap3A, %swap3A_11] : memref<400x144xf32, #tpu.memory_space<vmem>>, vector<400x144xf32>
    tpu.vector_store %arg5[%swap3A, %swap3A_11], %concatenate3A {strides = array<i32>} : memref<400x144xf32, #tpu.memory_space<vmem>>, vector<400x144xf32>,
    %get3A_13 = arith.constant 0 : index
    %get3A_14 = arith.constant 0 : index
    %get3A_15 = vector.load %arg4[%get3A_13, %get3A_14] : memref<128x16xf32, #tpu.memory_space<vmem>>, vector<128x16xf32>
    %dot_general3A_16 = arith.constant dense<0.000000e+00> : vector<400x16xf32>
    %dot_general3A_17 = tpu.matmul %dot_general3A_5, %get3A_15, %dot_general3A_16 {dimension_numbers = #tpu.dot_dimension_numbers<[1], [0], [0], [1], [0, 0, 1, 1], [], []>, transpose_lhs_hint = false} : vector<400x128xf32>, vector<128x16xf32>, vector<400x16xf32> -> vector<400x16xf32>
    %swap3A_18 = arith.constant 0 : index
    %swap3A_19 = arith.constant 0 : index
    %swap3A_20 = vector.load %arg6[%swap3A_18, %swap3A_19] : memref<400x16xf32, #tpu.memory_space<vmem>>, vector<400x16xf32>
    tpu.vector_store %arg6[%swap3A_18, %swap3A_19], %dot_general3A_17 {strides = array<i32>} : memref<400x16xf32, #tpu.memory_space<vmem>>, vector<400x16xf32>,
    return
  }
  func.func @transform_0(%arg0: i32) -> (i32, i32) {
    %c0_i32 = arith.constant 0 : i32
    %c0_i32_0 = arith.constant 0 : i32
    return %arg0, %c0_i32 : i32, i32
  }
  func.func @transform_1(%arg0: i32) -> (i32, i32) {
    %c0_i32 = arith.constant 0 : i32
    %c0_i32_0 = arith.constant 0 : i32
    %c0_i32_1 = arith.constant 0 : i32
    return %c0_i32, %c0_i32_0 : i32, i32
  }
  func.func @transform_2(%arg0: i32) -> (i32, i32) {
    %c0_i32 = arith.constant 0 : i32
    %c0_i32_0 = arith.constant 0 : i32
    %c0_i32_1 = arith.constant 0 : i32
    return %c0_i32, %c0_i32_0 : i32, i32
  }
  func.func @transform_3(%arg0: i32) -> (i32, i32) {
    %c0_i32 = arith.constant 0 : i32
    %c0_i32_0 = arith.constant 0 : i32
    %c0_i32_1 = arith.constant 0 : i32
    return %c0_i32, %c0_i32_0 : i32, i32
  }
  func.func @transform_4(%arg0: i32) -> (i32, i32) {
    %c0_i32 = arith.constant 0 : i32
    %c0_i32_0 = arith.constant 0 : i32
    return %arg0, %c0_i32 : i32, i32
  }
  func.func @transform_5(%arg0: i32) -> (i32, i32) {
    %c0_i32 = arith.constant 0 : i32
    %c0_i32_0 = arith.constant 0 : i32
    return %arg0, %c0_i32 : i32, i32
  }
}

module attributes {stable_mosaic.version = 14 : i64} {
  func.func @_node2_body(%arg0: i32, %arg1: memref<400x144xf32, #tpu.memory_space<vmem>>, %arg2: memref<400x144xf32, #tpu.memory_space<vmem>>, %arg3: memref<16x128xf32, #tpu.memory_space<vmem>>, %arg4: memref<1x128xf32, #tpu.memory_space<vmem>>, %arg5: memref<128x16xf32, #tpu.memory_space<vmem>>, %arg6: memref<16x32xf32, #tpu.memory_space<vmem>>, %arg7: memref<16x16xf32, #tpu.memory_space<vmem>>, %arg8: memref<400x128xf32, #tpu.memory_space<vmem>>, %arg9: memref<400x32xf32, #tpu.memory_space<vmem>>, %arg10: memref<400x16xf32, #tpu.memory_space<vmem>>) attributes {dimension_semantics = [#tpu.dimension_semantics<arbitrary>], iteration_bounds = array<i64: 25>, scalar_prefetch = 0 : i64, scratch_operands = 0 : i64, tpu.core_type = #tpu.core_type<tc>, window_params = [{transform_indices = @transform_0, window_bounds = array<i64: 400, 144>}, {transform_indices = @transform_1, window_bounds = array<i64: 400, 144>}, {pipeline_mode = #tpu.pipeline_mode<synchronous>, transform_indices = @transform_2, window_bounds = array<i64: 16, 128>}, {pipeline_mode = #tpu.pipeline_mode<synchronous>, transform_indices = @transform_3, window_bounds = array<i64: 1, 128>}, {pipeline_mode = #tpu.pipeline_mode<synchronous>, transform_indices = @transform_4, window_bounds = array<i64: 128, 16>}, {pipeline_mode = #tpu.pipeline_mode<synchronous>, transform_indices = @transform_5, window_bounds = array<i64: 16, 32>}, {pipeline_mode = #tpu.pipeline_mode<synchronous>, transform_indices = @transform_6, window_bounds = array<i64: 16, 16>}, {transform_indices = @transform_7, window_bounds = array<i64: 400, 128>}, {transform_indices = @transform_8, window_bounds = array<i64: 400, 32>}, {transform_indices = @transform_9, window_bounds = array<i64: 400, 16>}]} {
    %get3A = arith.constant 0 : index
    %get3A_0 = arith.constant 0 : index
    %get3A_1 = vector.load %arg1[%get3A, %get3A_0] : memref<400x144xf32, #tpu.memory_space<vmem>>, vector<400x144xf32>
    %get3A_2 = arith.constant 0 : index
    %get3A_3 = arith.constant 0 : index
    %get3A_4 = vector.load %arg2[%get3A_2, %get3A_3] : memref<400x144xf32, #tpu.memory_space<vmem>>, vector<400x144xf32>
    %add3A = arith.addf %get3A_1, %get3A_4 : vector<400x144xf32>
    %slice3A = vector.extract_strided_slice %add3A {offsets = [0, 0], sizes = [400, 128], strides = [1, 1]} : vector<400x144xf32> to vector<400x128xf32>
    %slice3A_5 = vector.extract_strided_slice %add3A {offsets = [0, 128], sizes = [400, 16], strides = [1, 1]} : vector<400x144xf32> to vector<400x16xf32>
    %get3A_6 = arith.constant 0 : index
    %get3A_7 = arith.constant 0 : index
    %get3A_8 = vector.load %arg3[%get3A_6, %get3A_7] : memref<16x128xf32, #tpu.memory_space<vmem>>, vector<16x128xf32>
    %dot_general3A = arith.constant dense<0.000000e+00> : vector<400x128xf32>
    %dot_general3A_9 = tpu.matmul %slice3A_5, %get3A_8, %dot_general3A {dimension_numbers = #tpu.dot_dimension_numbers<[1], [0], [0], [1], [0, 0, 1, 1], [], []>, transpose_lhs_hint = false} : vector<400x16xf32>, vector<16x128xf32>, vector<400x128xf32> -> vector<400x128xf32>
    %add3A_10 = arith.constant 1.000000e-16 : f32
    %add3A_11 = vector.broadcast %add3A_10 : f32 to vector<400x128xf32>
    %add3A_12 = arith.addf %dot_general3A_9, %add3A_11 : vector<400x128xf32>
    %div3A = arith.divf %slice3A, %add3A_12 : vector<400x128xf32>
    %get3A_13 = arith.constant 0 : index
    %get3A_14 = arith.constant 0 : index
    %get3A_15 = vector.load %arg4[%get3A_13, %get3A_14] : memref<1x128xf32, #tpu.memory_space<vmem>>, vector<1x128xf32>
    %add3A_16 = vector.broadcast %get3A_15 : vector<1x128xf32> to vector<400x128xf32>
    %add3A_17 = arith.addf %div3A, %add3A_16 : vector<400x128xf32>
    %gt3A = arith.constant 0.000000e+00 : f32
    %gt3A_18 = vector.broadcast %gt3A : f32 to vector<400x128xf32>
    %gt3A_19 = arith.cmpf ogt, %add3A_17, %gt3A_18 : vector<400x128xf32>
    %exp3A = math.exp %add3A_17 : vector<400x128xf32>
    %sub3A = arith.constant 1.000000e+00 : f32
    %sub3A_20 = vector.broadcast %sub3A : f32 to vector<400x128xf32>
    %sub3A_21 = arith.subf %exp3A, %sub3A_20 : vector<400x128xf32>
    %select_n3A = arith.select %gt3A_19, %add3A_17, %sub3A_21 : vector<400x128xi1>, vector<400x128xf32>
    %swap3A = arith.constant 0 : index
    %swap3A_22 = arith.constant 0 : index
    %swap3A_23 = vector.load %arg8[%swap3A, %swap3A_22] : memref<400x128xf32, #tpu.memory_space<vmem>>, vector<400x128xf32>
    tpu.vector_store %arg8[%swap3A, %swap3A_22], %select_n3A {strides = array<i32>} : memref<400x128xf32, #tpu.memory_space<vmem>>, vector<400x128xf32>,
    %get3A_24 = arith.constant 0 : index
    %get3A_25 = arith.constant 0 : index
    %get3A_26 = vector.load %arg5[%get3A_24, %get3A_25] : memref<128x16xf32, #tpu.memory_space<vmem>>, vector<128x16xf32>
    %dot_general3A_27 = arith.constant dense<0.000000e+00> : vector<400x16xf32>
    %dot_general3A_28 = tpu.matmul %select_n3A, %get3A_26, %dot_general3A_27 {dimension_numbers = #tpu.dot_dimension_numbers<[1], [0], [0], [1], [0, 0, 1, 1], [], []>, transpose_lhs_hint = false} : vector<400x128xf32>, vector<128x16xf32>, vector<400x16xf32> -> vector<400x16xf32>
    %get3A_29 = arith.constant 0 : index
    %get3A_30 = arith.constant 0 : index
    %get3A_31 = vector.load %arg6[%get3A_29, %get3A_30] : memref<16x32xf32, #tpu.memory_space<vmem>>, vector<16x32xf32>
    %dot_general3A_32 = arith.constant dense<0.000000e+00> : vector<400x32xf32>
    %dot_general3A_33 = tpu.matmul %dot_general3A_28, %get3A_31, %dot_general3A_32 {dimension_numbers = #tpu.dot_dimension_numbers<[1], [0], [0], [1], [0, 0, 1, 1], [], []>, transpose_lhs_hint = false} : vector<400x16xf32>, vector<16x32xf32>, vector<400x32xf32> -> vector<400x32xf32>
    %swap3A_34 = arith.constant 0 : index
    %swap3A_35 = arith.constant 0 : index
    %swap3A_36 = vector.load %arg9[%swap3A_34, %swap3A_35] : memref<400x32xf32, #tpu.memory_space<vmem>>, vector<400x32xf32>
    tpu.vector_store %arg9[%swap3A_34, %swap3A_35], %dot_general3A_33 {strides = array<i32>} : memref<400x32xf32, #tpu.memory_space<vmem>>, vector<400x32xf32>,
    %get3A_37 = arith.constant 0 : index
    %get3A_38 = arith.constant 0 : index
    %get3A_39 = vector.load %arg7[%get3A_37, %get3A_38] : memref<16x16xf32, #tpu.memory_space<vmem>>, vector<16x16xf32>
    %dot_general3A_40 = arith.constant dense<0.000000e+00> : vector<400x16xf32>
    %dot_general3A_41 = tpu.matmul %dot_general3A_28, %get3A_39, %dot_general3A_40 {dimension_numbers = #tpu.dot_dimension_numbers<[1], [0], [0], [1], [0, 0, 1, 1], [], []>, transpose_lhs_hint = false} : vector<400x16xf32>, vector<16x16xf32>, vector<400x16xf32> -> vector<400x16xf32>
    %swap3A_42 = arith.constant 0 : index
    %swap3A_43 = arith.constant 0 : index
    %swap3A_44 = vector.load %arg10[%swap3A_42, %swap3A_43] : memref<400x16xf32, #tpu.memory_space<vmem>>, vector<400x16xf32>
    tpu.vector_store %arg10[%swap3A_42, %swap3A_43], %dot_general3A_41 {strides = array<i32>} : memref<400x16xf32, #tpu.memory_space<vmem>>, vector<400x16xf32>,
    return
  }
  func.func @transform_0(%arg0: i32) -> (i32, i32) {
    %c0_i32 = arith.constant 0 : i32
    %c0_i32_0 = arith.constant 0 : i32
    return %arg0, %c0_i32 : i32, i32
  }
  func.func @transform_1(%arg0: i32) -> (i32, i32) {
    %c0_i32 = arith.constant 0 : i32
    %c0_i32_0 = arith.constant 0 : i32
    return %arg0, %c0_i32 : i32, i32
  }
  func.func @transform_2(%arg0: i32) -> (i32, i32) {
    %c0_i32 = arith.constant 0 : i32
    %c0_i32_0 = arith.constant 0 : i32
    %c0_i32_1 = arith.constant 0 : i32
    return %c0_i32, %c0_i32_0 : i32, i32
  }
  func.func @transform_3(%arg0: i32) -> (i32, i32) {
    %c0_i32 = arith.constant 0 : i32
    %c0_i32_0 = arith.constant 0 : i32
    %c0_i32_1 = arith.constant 0 : i32
    return %c0_i32, %c0_i32_0 : i32, i32
  }
  func.func @transform_4(%arg0: i32) -> (i32, i32) {
    %c0_i32 = arith.constant 0 : i32
    %c0_i32_0 = arith.constant 0 : i32
    %c0_i32_1 = arith.constant 0 : i32
    return %c0_i32, %c0_i32_0 : i32, i32
  }
  func.func @transform_5(%arg0: i32) -> (i32, i32) {
    %c0_i32 = arith.constant 0 : i32
    %c0_i32_0 = arith.constant 0 : i32
    %c0_i32_1 = arith.constant 0 : i32
    return %c0_i32, %c0_i32_0 : i32, i32
  }
  func.func @transform_6(%arg0: i32) -> (i32, i32) {
    %c0_i32 = arith.constant 0 : i32
    %c0_i32_0 = arith.constant 0 : i32
    %c0_i32_1 = arith.constant 0 : i32
    return %c0_i32, %c0_i32_0 : i32, i32
  }
  func.func @transform_7(%arg0: i32) -> (i32, i32) {
    %c0_i32 = arith.constant 0 : i32
    %c0_i32_0 = arith.constant 0 : i32
    return %arg0, %c0_i32 : i32, i32
  }
  func.func @transform_8(%arg0: i32) -> (i32, i32) {
    %c0_i32 = arith.constant 0 : i32
    %c0_i32_0 = arith.constant 0 : i32
    return %arg0, %c0_i32 : i32, i32
  }
  func.func @transform_9(%arg0: i32) -> (i32, i32) {
    %c0_i32 = arith.constant 0 : i32
    %c0_i32_0 = arith.constant 0 : i32
    return %arg0, %c0_i32 : i32, i32
  }
}

module attributes {stable_mosaic.version = 14 : i64} {
  func.func @_final_body(%arg0: i32, %arg1: memref<400x32xf32, #tpu.memory_space<vmem>>, %arg2: memref<400x32xf32, #tpu.memory_space<vmem>>, %arg3: memref<1x16xf32, #tpu.memory_space<vmem>>, %arg4: memref<400x16xf32, #tpu.memory_space<vmem>>) attributes {dimension_semantics = [#tpu.dimension_semantics<arbitrary>], iteration_bounds = array<i64: 25>, scalar_prefetch = 0 : i64, scratch_operands = 0 : i64, tpu.core_type = #tpu.core_type<tc>, window_params = [{transform_indices = @transform_0, window_bounds = array<i64: 400, 32>}, {transform_indices = @transform_1, window_bounds = array<i64: 400, 32>}, {pipeline_mode = #tpu.pipeline_mode<synchronous>, transform_indices = @transform_2, window_bounds = array<i64: 1, 16>}, {transform_indices = @transform_3, window_bounds = array<i64: 400, 16>}]} {
    %get3A = arith.constant 0 : index
    %get3A_0 = arith.constant 0 : index
    %get3A_1 = vector.load %arg1[%get3A, %get3A_0] : memref<400x32xf32, #tpu.memory_space<vmem>>, vector<400x32xf32>
    %get3A_2 = arith.constant 0 : index
    %get3A_3 = arith.constant 0 : index
    %get3A_4 = vector.load %arg2[%get3A_2, %get3A_3] : memref<400x32xf32, #tpu.memory_space<vmem>>, vector<400x32xf32>
    %add3A = arith.addf %get3A_1, %get3A_4 : vector<400x32xf32>
    %slice3A = vector.extract_strided_slice %add3A {offsets = [0, 0], sizes = [400, 16], strides = [1, 1]} : vector<400x32xf32> to vector<400x16xf32>
    %slice3A_5 = vector.extract_strided_slice %add3A {offsets = [0, 16], sizes = [400, 16], strides = [1, 1]} : vector<400x32xf32> to vector<400x16xf32>
    %add3A_6 = arith.constant 1.000000e-16 : f32
    %add3A_7 = vector.broadcast %add3A_6 : f32 to vector<400x16xf32>
    %add3A_8 = arith.addf %slice3A_5, %add3A_7 : vector<400x16xf32>
    %div3A = arith.divf %slice3A, %add3A_8 : vector<400x16xf32>
    %get3A_9 = arith.constant 0 : index
    %get3A_10 = arith.constant 0 : index
    %get3A_11 = vector.load %arg3[%get3A_9, %get3A_10] : memref<1x16xf32, #tpu.memory_space<vmem>>, vector<1x16xf32>
    %add3A_12 = vector.broadcast %get3A_11 : vector<1x16xf32> to vector<400x16xf32>
    %add3A_13 = arith.addf %div3A, %add3A_12 : vector<400x16xf32>
    %reduce_max3A = arith.constant dense<0xFF800000> : vector<400xf32>
    %reduce_max3A_14 = vector.multi_reduction <maximumf>, %add3A_13, %reduce_max3A [1] : vector<400x16xf32> to vector<400xf32>
    %broadcast_in_dim3A = vector.shape_cast %reduce_max3A_14 : vector<400xf32> to vector<400x1xf32>
    %sub3A = vector.broadcast %broadcast_in_dim3A : vector<400x1xf32> to vector<400x16xf32>
    %sub3A_15 = arith.subf %add3A_13, %sub3A : vector<400x16xf32>
    %exp3A = math.exp %sub3A_15 : vector<400x16xf32>
    %reduce_sum3A = arith.constant dense<0.000000e+00> : vector<400xf32>
    %reduce_sum3A_16 = vector.multi_reduction <add>, %exp3A, %reduce_sum3A [1] : vector<400x16xf32> to vector<400xf32>
    %broadcast_in_dim3A_17 = vector.shape_cast %reduce_sum3A_16 : vector<400xf32> to vector<400x1xf32>
    %log3A = math.log %broadcast_in_dim3A_17 : vector<400x1xf32>
    %sub3A_18 = vector.broadcast %log3A : vector<400x1xf32> to vector<400x16xf32>
    %sub3A_19 = arith.subf %sub3A_15, %sub3A_18 : vector<400x16xf32>
    %swap3A = arith.constant 0 : index
    %swap3A_20 = arith.constant 0 : index
    %swap3A_21 = vector.load %arg4[%swap3A, %swap3A_20] : memref<400x16xf32, #tpu.memory_space<vmem>>, vector<400x16xf32>
    tpu.vector_store %arg4[%swap3A, %swap3A_20], %sub3A_19 {strides = array<i32>} : memref<400x16xf32, #tpu.memory_space<vmem>>, vector<400x16xf32>,
    return
  }
  func.func @transform_0(%arg0: i32) -> (i32, i32) {
    %c0_i32 = arith.constant 0 : i32
    %c0_i32_0 = arith.constant 0 : i32
    return %arg0, %c0_i32 : i32, i32
  }
  func.func @transform_1(%arg0: i32) -> (i32, i32) {
    %c0_i32 = arith.constant 0 : i32
    %c0_i32_0 = arith.constant 0 : i32
    return %arg0, %c0_i32 : i32, i32
  }
  func.func @transform_2(%arg0: i32) -> (i32, i32) {
    %c0_i32 = arith.constant 0 : i32
    %c0_i32_0 = arith.constant 0 : i32
    %c0_i32_1 = arith.constant 0 : i32
    return %c0_i32, %c0_i32_0 : i32, i32
  }
  func.func @transform_3(%arg0: i32) -> (i32, i32) {
    %c0_i32 = arith.constant 0 : i32
    %c0_i32_0 = arith.constant 0 : i32
    return %arg0, %c0_i32 : i32, i32
  }
}

</mosaic_0001>

<sc_bundles>
// kernel: kernel.10.cloned.1.call-start
scs
__scs_entry_jumppad:
0x0: {  	(pc) =	sbr.rel $0x88, $3  }
0x1: {  	(tag) =	ssettag $0x0;
	lr =	simm.s32 $0x1  }
0x2: {  	[smem:$0x3F97] =	sst lr;
	_ =	strace $0xD0000000  }
0x3: {  	_ = 	snop  }
0x4: {  	_ = 	snop  }
0x5: {  	_ = 	snop  }
0x6: {  	_ = 	snop  }
0x7: {  	_ = 	snop  }
__scs_overlays_trampoline_lowered:
0x8: {  	[smem:$0x3FA6] =	sst s0  }
0x9: {  	[smem:$0x3FA7] =	sst s1  }
0xa: {  	[smem:$0x3FA8] =	sst s2  }
0xb: {  	[smem:$0x3FA9] =	sst s3  }
0xc: {  	[smem:$0x3FAA] =	sst s4  }
0xd: {  	[smem:$0x3FAB] =	sst s5  }
0xe: {  	[smem:$0x3FAC] =	sst s6  }
0xf: {  	[smem:$0x3FAD] =	sst s7  }
0x10: {  	[smem:$0x3FAE] =	sst s8  }
0x11: {  	[smem:$0x3FAF] =	sst s9;
	s0 =	simm.s32 @!p0 $0x0  }
0x12: {  	s1 =	sld [smem:$0x3F95];
	s0 =	simm.s32 @p0 $0x1  }
0x13: {  	[smem:$0x3FB0] =	sst s0;
	s0 =	simm.s32 @!p1 $0x0  }
0x14: {  	s2 =	sld [smem:$0x3F94];
	s0 =	simm.s32 @p1 $0x1  }
0x15: {  	[smem:$0x3FB1] =	sst s0;
	s0 =	simm.s32 @!p2 $0x0  }
0x16: {  	s3 =	sld [smem:$0x3FDB];
	s0 =	simm.s32 @p2 $0x1  }
0x17: {  	s4 =	simm.s32 $0x1BF5;
	[smem:$0x3FB3] =	sst s0  }
0x18: {  	s0 =	sld [smem:$0x3F96];
	_ =	swait.ge [sflag:s4], $0x0  }
0x19: {  	s7 =	sld [smem:$0x3F97]  }
0x1a: {  	s8 =	sadd.s32 $0xFFFFE003, lr  }
0x1b: {  	s9 =	sadd.s32 $0xFFFFFEF7, lr;
	s5 =	simm.s32 $0xFFFFFFFF;
	p2 =	slt.u32 s8, $0xFFFFF086  }
0x1c: {  	p1 =	slt.u32 s9, $0xF7A;
	s5 =	simm.s32 @!p2 $0x0  }
0x1d: {  	s5 =	simm.s32 @p1 $0x1;
	p0 =	seq.s32 s7, s2  }
0x1e: {  	s7 =	smul.u32 @!p0 $0xF7A, s2;
	p2 =	seq.s32 @!p0 s5, $0x0  }
0x1f: {  	s9 =	smul.u32 $0xF7A, s1;
	s8 =	simm.s32 @!p0 $0x1BF5;
	p2 =	por !p2, p0  }
0x20: {  	[sflag:s8] =	ssyncset.s32 @!p0 $0xFFFFF086;
	s6 =	sadd.s32 @!p0 s3, s7;
	s7 =	simm.s32 @!p0 $0x108  }
0x21: {  	s3 =	sadd.s32 s3, s9;
	s6 =	sadd.s32 @!p0 $0x88, s6;
	s7 =	simm.s32 @p2 $0x1082  }
0x22: {  	[simem:s7], [sflag:s8] =	dma.local @!p0 [hbm:s6], $0xF7A  }
0x23: {  	s9 =	sor.u32 $0xD0000000, s2;
	s6 =	simm.s32 $0x108;
	_ =	swait.ge @!p0 [sflag:s8], $0x0  }
0x24: {  	s3 =	sadd.s32 $0x88, s3;
	s6 =	simm.s32 @!p1 $0x1082;
	[sflag:s4] =	ssyncset.s32 $0xFFFFF086  }
0x25: {  	[simem:s6], [sflag:s4] =	dma.local [hbm:s3], $0xF7A  }
0x26: {  	[smem:$0x3F97] =	sst s1;
	(tag) =	ssettag s2;
	_ =	strace s9  }
0x27: {  	s1 =	sld [smem:$0x3FA7]  }
0x28: {  	s2 =	sld [smem:$0x3FA8]  }
0x29: {  	s4 =	sld [smem:$0x3FAA]  }
0x2a: {  	p0 =	seq.s32 s5, $0x0;
	s5 =	sld [smem:$0x3FAB]  }
0x2b: {  	s6 =	sld [smem:$0x3FAC]  }
0x2c: {  	s7 =	sld [smem:$0x3FAD]  }
0x2d: {  	s3 =	simm.s32 $0x108;
	s8 =	sld [smem:$0x3FAE]  }
0x2e: {  	s3 =	simm.s32 @!p0 $0x1082;
	s9 =	sld [smem:$0x3FAF]  }
0x2f: {  	lr =	sadd.s32 s0, s3;
	s0 =	sld [smem:$0x3FA6]  }
0x30: {  	s3 =	sld [smem:$0x3FA9]  }
0x31: {  	[smem:$0x3FB2] =	sst s10  }
0x32: {  	s10 =	sld [smem:$0x3FB0];
	_ =	sdelay $0x3  }
0x33: {  	p0 =	seq.s32 s10, $0x1;
	s10 =	sld [smem:$0x3FB2];
	_ =	sdelay $0x3  }
0x34: {  	[smem:$0x3FB2] =	sst s10  }
0x35: {  	s10 =	sld [smem:$0x3FB1];
	_ =	sdelay $0x3  }
0x36: {  	p1 =	seq.s32 s10, $0x1;
	s10 =	sld [smem:$0x3FB2];
	_ =	sdelay $0x3  }
0x37: {  	[smem:$0x3FB2] =	sst s10  }
0x38: {  	s10 =	sld [smem:$0x3FB3]  }
0x39: {  	_ = 	snop;
	(pc) =	sbr.ind lr, $3  }
0x3a: {  	_ = 	snop  }
0x3b: {  	_ = 	snop  }
0x3c: {  	p2 =	seq.s32 s10, $0x1;
	s10 =	sld [smem:$0x3FB2]  }
0x3d: {  	_ =	shalt  }
0x3e: {  	_ =	shalt  }
0x3f: {  	_ =	shalt  }
0x40: {  	_ =	shalt  }
0x41: {  	_ =	shalt  }
0x42: {  	_ =	shalt  }
0x43: {  	_ =	shalt  }
0x44: {  	_ =	shalt  }
0x45: {  	_ =	shalt  }
0x46: {  	_ =	shalt  }
0x47: {  	_ =	shalt  }
0x48: {  	_ =	shalt  }
0x49: {  	_ =	shalt  }
0x4a: {  	_ =	shalt  }
0x4b: {  	_ =	shalt  }
0x4c: {  	_ =	shalt  }
0x4d: {  	_ =	shalt  }
0x4e: {  	_ =	shalt  }
0x4f: {  	_ =	shalt  }
0x50: {  	_ =	shalt  }
0x51: {  	_ =	shalt  }
0x52: {  	_ =	shalt  }
0x53: {  	_ =	shalt  }
0x54: {  	_ =	shalt  }
0x55: {  	_ =	shalt  }
0x56: {  	_ =	shalt  }
0x57: {  	_ =	shalt  }
0x58: {  	_ =	shalt  }
0x59: {  	_ =	shalt  }
0x5a: {  	_ =	shalt  }
0x5b: {  	_ =	shalt  }
0x5c: {  	_ =	shalt  }
0x5d: {  	_ =	shalt  }
0x5e: {  	_ =	shalt  }
0x5f: {  	_ =	shalt  }
0x60: {  	_ =	shalt  }
0x61: {  	_ =	shalt  }
0x62: {  	_ =	shalt  }
0x63: {  	_ =	shalt  }
0x64: {  	_ =	shalt  }
0x65: {  	_ =	shalt  }
0x66: {  	_ =	shalt  }
0x67: {  	_ =	shalt  }
0x68: {  	_ =	shalt  }
0x69: {  	_ =	shalt  }
0x6a: {  	_ =	shalt  }
0x6b: {  	_ =	shalt  }
0x6c: {  	_ =	shalt  }
0x6d: {  	_ =	shalt  }
0x6e: {  	_ =	shalt  }
0x6f: {  	_ =	shalt  }
0x70: {  	_ =	shalt  }
0x71: {  	_ =	shalt  }
0x72: {  	_ =	shalt  }
0x73: {  	_ =	shalt  }
0x74: {  	_ =	shalt  }
0x75: {  	_ =	shalt  }
0x76: {  	_ =	shalt  }
0x77: {  	_ =	shalt  }
0x78: {  	_ =	shalt  }
0x79: {  	_ =	shalt  }
0x7a: {  	_ =	shalt  }
0x7b: {  	_ =	shalt  }
0x7c: {  	_ =	shalt  }
0x7d: {  	_ =	shalt  }
0x7e: {  	_ =	shalt  }
0x7f: {  	_ =	shalt  }
0x80: {  	_ =	shalt  }
0x81: {  	_ =	shalt  }
0x82: {  	_ =	shalt  }
0x83: {  	_ =	shalt  }
0x84: {  	_ =	shalt  }
0x85: {  	_ =	shalt  }
0x86: {  	_ =	shalt  }
0x87: {  	_ =	shalt  }
.Lfunc_end0:
.L_simem_size_0:
called_computation.1_lowered:
.L_overlay_start_0:
0x88: {  	s2 =	sld [smem:$0x3FD9]  }
0x89: {  	s3 =	sld [smem:$0x3FFE];
	_ =	sdelay $0x1  }
0x8a: {  	s1 =	srdreg.scid  }
0x8b: {  	s0 =	sand.u32 $0x1, s1  }
0x8c: {  	s14 =	sshll.u32 s0, $0xA;
	s2 =	sadd.s32 s3, s2  }
0x8d: {  	s2 =	sadd.s32 s2, s14  }
0x8e: {  	[smem:$0x3FBE] =	sst s2  }
0x8f: {  	_ = 	snop  }
0x90: {  	s2 =	sld [smem:$0x3FD0];
	_ =	sdelay $0x2  }
0x91: {  	s15 =	simm.s32 $0xA;
	s4 =	simm.s32 $0x10  }
0x92: {  	[smem:s4], [sflag:s15] =	dma.local [hbm:s2], $0x1  }
0x93: {  	_ =	swait.eq [sflag:s15], $0x1  }
0x94: {  	[sflag:s15] =	ssyncset.done $0x0  }
0x95: {  	[sflag:s15] =	ssyncadd.s32 $0xFFFFFFFF  }
0x96: {  	s16 =	sld [smem:$0x10];
	(tm) =	ssettm $0x1  }
0x97: {  	s17 =	sld [smem:$0x3FFB];
	_ =	sdelay $0x3  }
0x98: {  	_ =	strace s17  }
0x99: {  	s3 =	sld [smem:$0x3FFC];
	_ =	sdelay $0x3  }
0x9a: {  	_ =	strace s3  }
0x9b: {  	s3 =	sld [smem:$0x3FFD];
	_ =	sdelay $0x3  }
0x9c: {  	_ =	strace s3  }
0x9d: {  	_ =	strace $0x8FFFFFFF  }
0x9e: {  	s18 =	sld [smem:$0x3FDB];
	_ =	sdelay $0x1  }
0x9f: {  	s19 =	simm.s32 $_scs_section_size  }
0xa0: {  	s5 =	simm.s32 $_size__tile_overlayer_lowered;
	s6 =	simm.s32 $_tile_overlayer_lowered  }
0xa1: {  	s22 =	simm.s32 $0x1BFF;
	s21 =	sshll.u32 s6, $0x1;
	s3 =	sadd.s32 s19, s18  }
0xa2: {  	s7 =	simm.s32 $0x0;
	s20 =	sshll.u32 s5, $0x1;
	s5 =	sadd.s32 s21, s3  }
0xa3: {  	[timem:s7], [sflag:s22] =	dma.local [hbm:s5], s20  }
0xa4: {  	_ =	swait.ge [sflag:s22], s20  }
0xa5: {  	s4 =	ssub.s32 $0x0, s20;
	[sflag:s22] =	ssyncset.done $0x0  }
0xa6: {  	[sflag:s22] =	ssyncadd.s32 s4;
	_ =	sdelay $0x1  }
0xa7: {  	s23 =	simm.s32 $0x1B8B  }
0xa8: {  	_ =	swait.ge [sflag:s23], $0x1  }
0xa9: {  	[sflag:s23] =	ssyncset.done $0x0  }
0xaa: {  	s25 =	simm.s32 $0x1B8E;
	s24 =	sld [smem:$0x3FFE];
	[sflag:s23] =	ssyncadd.s32 $0xFFFFFFFF  }
0xab: {  	s26 =	simm.s32 $execute0_lowered;
	[smem:$0x3FD2] =	sst s25  }
0xac: {  	s5 =	sshll.u32 s26, $0x1;
	_ =	strace $0x80000049;
	[dreg:$0x1] =	wrdreg $0xFFFFFFFF  }
0xad: {  	s28 =	simm.s32 $_size_execute0_lowered;
	s3 =	sadd.s32 s3, s5;
	[dreg:$0x0] =	wrdreg $0x0  }
0xae: {  	s5 =	sshll.u32 s28, $0x1;
	[dreg:$0x2] =	wrdreg s3  }
0xaf: {  	[dreg:$0x3] =	wrdreg s5  }
0xb0: {  	[dreg:$0x4] =	wrdreg $0xC0  }
0xb1: {  	_ =	task [dreg:s7], $0x5FFFF  }
0xb2: {  	[dreg:$0x1] =	wrdreg $0xFFFFFFFF  }
0xb3: {  	[dreg:$0x0] =	wrdreg $0x60  }
0xb4: {  	[dreg:$0x2] =	wrdreg s24  }
0xb5: {  	[dreg:$0x3] =	wrdreg s16  }
0xb6: {  	[dreg:$0x4] =	wrdreg $0x100400  }
0xb7: {  	[dreg:$0x5] =	wrdreg $0x9  }
0xb8: {  	_ =	task.clear_ibuf [dreg:s7], $0x6FFFF;
	_ =	strace $0x90000049  }
0xb9: {  	s29 =	simm.s32 $0x9;
	_ =	strace $0x8000004B  }
0xba: {  	_ =	swait.ge [sflag:s29], $0x1  }
0xbb: {  	[sflag:s29] =	ssyncadd.s32 $0xFFFFFFFF  }
0xbc: {  	_ =	strace $0x9000004B  }
0xbd: {  	_ =	sfence  }
0xbe: {  	s30 =	sld [smem:$0x0];
	_ =	sdelay $0x2  }
0xbf: {  	s31 =	sshll.u32 s1, $0xD;
	s1 =	sshrl.u32 s1, $0x2  }
0xc0: {  	s3 =	sand.u32 $0x4000, s31;
	s1 =	sadd.s32 s1, s30  }
0xc1: {  	s0 =	sor.u32 s3, s0;
	s1 =	sshll.u32 s1, $0x11  }
0xc2: {  	s0 =	sor.u32 s1, s0  }
0xc3: {  	s0 =	sadd.s32 $0x8F2B, s0  }
0xc4: {  	[sflag:s0] =	ssyncadd.remote.s32 $0x1  }
0xc5: {  	_ =	sfence.sel $0xFFFF  }
0xc6: {  	[dreg:$0x0] =	wrdreg $0xFFFFFFFF;
	(pc) =	sbr.abs _section_cstart, $3  }
0xc7: {  	[dreg:$0x1] =	wrdreg $0xFFFFFFFF  }
0xc8: {  	_ =	task.clear_ibuf [dreg:s7], $0x2FFFF;
	_ =	strace $0x9FFFFFFF  }
0xc9: {  	(tm) =	ssettm $0x7FFFFFFF  }
tec
execute0_lowered:
.L_overlay_start_1:
0x0: {  	(tag) =	ssettag $0x1  }
0x1: {  	s0 =	rddreg [dreg:$0x0]  }
0x2: {  	s1 =	rddreg [dreg:$0x1]  }
0x3: {  	s2 =	rddreg [dreg:$0x2]  }
0x4: {  	s3 =	srdreg.scid;
	s4 =	simm.s32 $0x0;
	s17 =	stileid.u32  }
0x5: {  	s19 =	simm.s32 $0x9C40;
	s20 =	simm.s32 $0x3;
	s21 =	simm.s32 $0x190  }
0x6: {  	s28 =	simm.s32 $0x1;
	s29 =	simm.s32 $0x4;
	s30 =	simm.s32 $0x2  }
0x7: {  	s31 =	simm.s32 $0x4B0;
	s3 =	sand.u32 $0x1, s3;
	[smem:$0x7FF] =	sst s4  }
0x8: {  	s6 =	sadd.s32 $0x2A00, s0;
	s9 =	smul.u32 $0xC800, s17;
	s13 =	sor.u32 $0x10, s17  }
0x9: {  	s15 =	sadd.s32 $0x2A000, s0;
	s18 =	sadd.s32 $0x20200, s0;
	s14 =	smul.u32 $0x3200, s17  }
0xa: {  	p1 =	sgt.u32 s17, $0x8;
	p2 =	slt.u32 s17, $0x9;
	s5 =	sshll.u32 s3, $0x4  }
0xb: {  	_ =	strace $0x8000004A;
	s8 =	ssub.s32 $0x2, s3;
	s11 =	smul.u32 $0xC800, s13  }
0xc: {  	s16 =	smul.u32 $0x3200, s13;
	p0 =	seq.s32 s3, $0x1;
	[dreg:$0x4] =	wrdreg s15  }
0xd: {  	[dreg:$0x5] =	wrdreg s18;
	s7 =	sor.u32 s17, s5;
	s5 =	sadd.s32 $0x16400, s0  }
0xe: {  	s10 =	sshrl.u32 s8, $0x1;
	s23 =	sshrl.u32 s9, $0x2;
	s26 =	sshrl.u32 s14, $0x3  }
0xf: {  	s0 =	simm.s32 $0xCE40;
	s7 =	smul.u32 $0x2710, s7;
	s22 =	ssub.s32 s8, s10  }
0x10: {  	s24 =	sshrl.u32 s11, $0x2;
	s9 =	sadd.s32 s23, s2;
	s23 =	simm.s32 $0x640  }
0x11: {  	s10 =	sadd.s32 s24, s2;
	s24 =	simm.s32 $0x6A40;
	s25 =	sshrl.u32 s7, $0x3  }
0x12: {  	s13 =	sadd.s32 $0x320, s7;
	s7 =	sadd.s32 s15, s26;
	s15 =	sadd.s32 s14, s2  }
.Ltmp0:
0x13: {  	s14 =	sshrl.u32 s16, $0x3;
	[dreg:$0x6] =	wrdreg s7;
	(pc) =	sbr.rel .LBB2_1-.Ltmp0, $4  }
0x14: {  	s16 =	sadd.s32 s16, s2;
	s11 =	sadd.s32 s6, s25;
	[dreg:$0x7] =	wrdreg s14  }
0x15: {  	s25 =	sadd.s32 s18, s26;
	s18 =	smax.u32 s22, $0x1;
	s22 =	simm.s32 $0x4E200  }
0x16: {  	s26 =	sshrl.u32 s16, $0x3;
	s14 =	simm.s32 $0x0;
	[dreg:$0x8] =	wrdreg s25  }
0x17: {  	v0 =	vimm.f32 $0.0e+00;
	s12 =	sadd.s32 $0x32, s11;
	[dreg:$0x9] =	wrdreg s26;
	s26 =	simm.s32 $0x320  }
.LBB2_18:
0x18: {  	s8 =	rddreg [dreg:$0x7]  }
0x19: {  	s25 =	rddreg [dreg:$0x9];
	s7 =	sadd.s32 s7, s8  }
0x1a: {  	[hbm:s7], [sflag:s3] =	dma.local [spmem:s25], $0x640  }
0x1b: {  	_ =	swait.ge [sflag:s20], $0x640  }
0x1c: {  	[sflag:s20] =	ssyncset.done $0x0  }
0x1d: {  	[sflag:s20] =	ssyncadd.s32 $0xFFFFF9C0  }
.LBB2_19:
0x1e: {  	s14 =	sadd.s32 $0x1, s14  }
0x1f: {  	p3 =	sne.s32 s14, s18  }
.Ltmp1:
0x20: {  	_ = 	snop;
	(pc) =	sbr.rel @!p3 .LBB2_20-.Ltmp1, $1  }
0x21: {  	_ =	sdelay $0x3  }
.LBB2_1:
0x22: {  	s3 =	simm.s32 $0x80;
	s7 =	simm.s32 $0x0  }
.LBB2_2:
0x23: {  	p3 =	sne.s32 s3, $0xC780;
	[tilespmem:s7+$0x9C40] =	vst v0;
	s8 =	smov.u32 s3;
	s3 =	sadd.s32 $0x80, s3  }
.Ltmp2:
0x24: {  	[tilespmem:s7+$0x9C50] =	vst v0;
	(pc) =	sbr.rel @p3 .LBB2_2-.Ltmp2, $2  }
0x25: {  	_ =	sdelay $0x2  }
0x26: {  	s7 =	sshra.s32 s8, $0x2  }
0x27: {  	[tilespmem:s7+$0x9C40] =	vst v0  }
0x28: {  	[tilespmem:s7+$0x9C50] =	vst v0  }
0x29: {  	[spmem:s9] =	stream.linear.scatter [tilespmem:s19], [sflag:$0x3], $0x3200, $0x38;
	[tilespmem:$0x14E60] =	vst v63  }
0x2a: {  	_ =	swait.ge [sflag:s20], $0x3200  }
0x2b: {  	[sflag:s20] =	ssyncset.done $0x0  }
0x2c: {  	s3 =	simm.s32 @!p1 $0x9C40;
	[sflag:s20] =	ssyncadd.s32 $0xFFFFCE00  }
0x2d: {  	[spmem:s10] =	stream.linear.scatter @!p1 [tilespmem:s3], [sflag:$0x3], $0x3200, $0x38;
	[tilespmem:$0x14E60] =	vst v63  }
0x2e: {  	s3 =	simm.s32 @!p1 $0x3  }
0x2f: {  	_ =	swait.ge @!p1 [sflag:s3], $0x3200  }
0x30: {  	[sflag:s3] =	ssyncset.done @!p1 $0x0  }
0x31: {  	s16 =	simm.s32 $0x0;
	[sflag:s3] =	ssyncadd.s32 @!p1 $0xFFFFCE00  }
0x32: {  	[tilespmem:s16], [sflag:$0x3] =	stream.strided.gather [hbm4b:s11+s21], $0x320, s22, s21, $0x38;
	[tilespmem:$0x14E60] =	vst v63  }
0x33: {  	_ =	swait.ge [sflag:s20], $0x320  }
0x34: {  	[sflag:s20] =	ssyncset.done $0x0  }
0x35: {  	[sflag:s20] =	ssyncadd.s32 $0xFFFFFCE0  }
0x36: {  	[tilespmem:s23], [sflag:$0x1] =	stream.indirect.gather [hbm4b:s5+s21], $0x20, s16, s21, $0xb8;
	[tilespmem:$0x14E60] =	vst v63  }
0x37: {  	_ = 	snop  }
0x38: {  	[tilespmem:s24], [sflag:$0x1] =	stream.indirect.gather [hbm4b:s1+s21], $0x10, s21, s21, $0xb8;
	[tilespmem:$0x14E60] =	vst v63  }
0x39: {  	_ = 	snop  }
0x3a: {  	[tilespmem:s26], [sflag:$0x3] =	stream.strided.gather [hbm4b:s12+s21], $0x320, s22, s21, $0x38;
	[tilespmem:$0x14E60] =	vst v63  }
.Ltmp3:
0x3b: {  	_ =	swait.ge [sflag:s20], $0x320;
	(pc) =	sbr.rel .LBB2_4-.Ltmp3, $3  }
0x3c: {  	[sflag:s20] =	ssyncset.done $0x0  }
0x3d: {  	[sflag:s20] =	ssyncadd.s32 $0xFFFFFCE0  }
0x3e: {  	[bflag:$0x0] =	sbarrier.arrive $0xFFFF;
	_ =	sdelay $0x1  }
.LBB2_13:
0x3f: {  	_ =	swait.ge [sflag:s3], $0x320  }
0x40: {  	[sflag:s3] =	ssyncset.done $0x0  }
0x41: {  	[sflag:s3] =	ssyncadd.s32 $0xFFFFFCE0  }
.LBB2_14:
0x42: {  	s16 =	sadd.s32 $0x1, s16  }
0x43: {  	p3 =	sne.s32 s16, $0x19  }
.Ltmp4:
0x44: {  	_ = 	snop;
	(pc) =	sbr.rel @!p3 .LBB2_15-.Ltmp4, $1  }
0x45: {  	_ =	sdelay $0x3  }
.LBB2_4:
0x46: {  	s3 =	sand.u32 $0x1, s16  }
0x47: {  	p3 =	seq.s32 s3, $0x1  }
.Ltmp5:
0x48: {  	_ = 	snop;
	(pc) =	sbr.rel @p3 .LBB2_9-.Ltmp5, $1  }
0x49: {  	_ =	sdelay $0x3  }
0x4a: {  	p3 =	seq.s32 s16, $0x18  }
0x4b: {  	s3 =	simm.s32 @!p3 $0x190;
	s7 =	simm.s32 @!p3 $0x320;
	s8 =	simm.s32 @!p3 $0x3840  }
0x4c: {  	[tilespmem:s8], [sflag:$0x2] =	stream.indirect.gather @!p3 [hbm4b:s5+s3], $0x20, s7, s3, $0xb8;
	[tilespmem:$0x14E60] =	vst v63  }
0x4d: {  	s7 =	simm.s32 @!p3 $0x4B0;
	s8 =	simm.s32 @!p3 $0x8340  }
0x4e: {  	[tilespmem:s8], [sflag:$0x2] =	stream.indirect.gather @!p3 [hbm4b:s1+s3], $0x10, s7, s3, $0xb8;
	[tilespmem:$0x14E60] =	vst v63  }
0x4f: {  	_ =	swait.ge [sflag:s28], $0x3200  }
0x50: {  	[sflag:s28] =	ssyncset.done $0x0  }
0x51: {  	[sflag:s28] =	ssyncadd.s32 $0xFFFFCE00  }
0x52: {  	_ =	swait.ge [sflag:s28], $0x1900  }
0x53: {  	[sflag:s28] =	ssyncset.done $0x0  }
0x54: {  	s8 =	simm.s32 $0x680;
	[sflag:s28] =	ssyncadd.s32 $0xFFFFE700  }
0x55: {  	s17 =	simm.s32 $0x6A60;
	v1 =	vld [tilespmem:s8+$0x30]  }
0x56: {  	v2 =	vld [tilespmem:s17+$0x10]  }
0x57: {  	v4 =	vld [tilespmem:s8+$0xFFFFFFF0]  }
0x58: {  	v5 =	vld [tilespmem:s17+$0xFFFFFFF0]  }
0x59: {  	v6 =	vld [tilespmem:s8+$0x10]  }
0x5a: {  	v7 =	vld [tilespmem:s17+$0x0]  }
0x5b: {  	v1 =	vadd.f32 v2, v1  }
0x5c: {  	v3 =	vld [tilespmem:s17+$0xFFFFFFE0]  }
0x5d: {  	s3 =	simm.s32 $0x700;
	v2 =	vld [tilespmem:s8+$0xFFFFFFD0];
	v8 =	vmul.f32 $2.000000030e-01, v1  }
0x5e: {  	s25 =	simm.s32 $0x6AA0;
	v4 =	vadd.f32 v5, v4;
	v5 =	vld [tilespmem:s3+$0x30];
	vm0 =	vge.f32 v1, $0.0e+00  }
0x5f: {  	v6 =	vadd.f32 v7, v6;
	v7 =	vld [tilespmem:s25+$0x10];
	v1 =	vsel vm0, v1, v8  }
0x60: {  	v9 =	vld [tilespmem:s8+$0xFFFFFFC0];
	v1 =	vmul.f32 $1.442695020e+00, v1  }
0x61: {  	v10 =	vld [tilespmem:s8+$0xFFFFFFE0]  }
0x62: {  	v12 =	vld [tilespmem:s8+$0x0];
	v8 =	vmul.f32 $2.000000030e-01, v4;
	(erf) = vpow2.f32 v1  }
0x63: {  	v13 =	vld [tilespmem:s25+$0xFFFFFFF0];
	vm0 =	vge.f32 v4, $0.0e+00;
	v2 =	vadd.f32 v3, v2  }
0x64: {  	v3 =	vld [tilespmem:s3+$0xFFFFFFF0];
	v5 =	vadd.f32 v7, v5;
	v4 =	vsel vm0, v4, v8;
	v1 =	vmul.f32 $2.000000030e-01, v6  }
0x65: {  	v7 =	vld [tilespmem:s8+$0x20];
	vm0 =	vge.f32 v6, $0.0e+00;
	v8 =	vmul.f32 $2.000000030e-01, v2;
	v4 =	vmul.f32 $1.442695020e+00, v4  }
0x66: {  	vm1 =	vge.f32 v2, $0.0e+00;
	v14 =	vmul.f32 $2.000000030e-01, v5;
	v1 =	vsel vm0, v6, v1;
	v6 =	vld [tilespmem:s3+$0x10]  }
0x67: {  	v2 =	vsel vm1, v2, v8;
	(erf) = vpow2.f32 v4;
	v4 =	vld [tilespmem:s25+$0x0];
	v1 =	vmul.f32 $1.442695020e+00, v1  }
0x68: {  	v11 =	vld [tilespmem:s25+$0xFFFFFFE0];
	vm0 =	vge.f32 v5, $0.0e+00;
	v2 =	vmul.f32 $1.442695020e+00, v2  }
0x69: {  	s7 =	simm.s32 $0x6AE0;
	v8 =	vld [tilespmem:s3+$0xFFFFFFD0];
	v5 =	vsel vm0, v5, v14;
	(erf) = vpow2.f32 v1  }
0x6a: {  	v17 =	vld [tilespmem:s7+$0x10];
	v5 =	vmul.f32 $1.442695020e+00, v5;
	(erf) = vpow2.f32 v2  }
0x6b: {  	s17 =	simm.s32 $0x780;
	v18 =	vld [tilespmem:s7+$0xFFFFFFF0];
	v13 =	vadd.f32 v13, v3;
	v16 =	vpop (erf)  }
0x6c: {  	v14 =	vld [tilespmem:s17+$0x30];
	v6 =	vadd.f32 v4, v6;
	(erf) = vpow2.f32 v5;
	v5 =	vmul.f32 v16, v7  }
0x6d: {  	v3 =	vld [tilespmem:s3+$0xFFFFFFE0];
	v15 =	vmul.f32 $2.000000030e-01, v13  }
0x6e: {  	v1 =	vld [tilespmem:s3+$0xFFFFFFC0];
	vm0 =	vge.f32 v13, $0.0e+00;
	v8 =	vadd.f32 v11, v8;
	v11 =	vmul.f32 $2.000000030e-01, v6  }
0x6f: {  	s25 =	simm.s32 $0x9C80;
	v2 =	vld [tilespmem:s3+$0x0];
	v7 =	vsel vm0, v13, v15;
	vm0 =	vge.f32 v6, $0.0e+00  }
0x70: {  	v4 =	vld [tilespmem:s7+$0xFFFFFFE0];
	v15 =	vmul.f32 $2.000000030e-01, v8;
	v7 =	vmul.f32 $1.442695020e+00, v7;
	v6 =	vsel vm0, v6, v11;
	[tilespmem:s25+$0x20] =	vst v5;
	v5 =	vpop (erf)  }
0x71: {  	v14 =	vadd.f32 v17, v14;
	vm1 =	vge.f32 v8, $0.0e+00;
	v13 =	vld [tilespmem:s17+$0xFFFFFFF0];
	v10 =	vmul.f32 v5, v10  }
0x72: {  	v11 =	vsel vm1, v8, v15;
	v8 =	vld [tilespmem:s17+$0x10];
	(erf) = vpow2.f32 v7;
	v62 =	vpop (erf);
	[tilespmem:s25+$0xFFFFFFF0] =	vst v5;
	v5 =	vmul.f32 $1.442695020e+00, v6  }
0x73: {  	v15 =	vld [tilespmem:s3+$0x20];
	v7 =	vmul.f32 $1.442695020e+00, v11;
	v6 =	vpop (erf);
	[tilespmem:s25+$0xFFFFFFE0] =	vst v10;
	v10 =	vmul.f32 $2.000000030e-01, v14  }
0x74: {  	[tilespmem:s25+$0x30] =	vst v16;
	v63 =	vmul.f32 v6, v9;
	v9 =	vld [tilespmem:s7+$0x0];
	(erf) = vpow2.f32 v5  }
0x75: {  	v11 =	vld [tilespmem:s17+$0xFFFFFFD0];
	[tilespmem:s25+$0x10] =	vst v62;
	(erf) = vpow2.f32 v7  }
0x76: {  	vm0 =	vge.f32 v14, $0.0e+00;
	[tilespmem:s25+$0xFFFFFFD0] =	vst v6;
	v6 =	vmul.f32 v62, v12;
	v5 =	vld [tilespmem:s17+$0xFFFFFFC0];
	v12 =	vadd.f32 v18, v13  }
0x77: {  	v7 =	vld [tilespmem:s17+$0xFFFFFFE0];
	[tilespmem:s25+$0xFFFFFFC0] =	vst v63;
	v13 =	vsel vm0, v14, v10;
	v10 =	vpop (erf)  }
0x78: {  	s8 =	simm.s32 $0x8;
	s3 =	simm.s32 $0x800;
	[tilespmem:s25+$0x0] =	vst v6;
	vm0 =	vge.f32 v12, $0.0e+00;
	v6 =	vld [tilespmem:s17+$0x0];
	v14 =	vmul.f32 $1.442695020e+00, v13;
	v13 =	vmul.f32 v10, v15  }
.LBB2_6:
0x79: {  	v15 =	vld [tilespmem:s3+$0x30];
	v16 =	vmul.f32 $2.000000030e-01, v12;
	v8 =	vadd.f32 v9, v8;
	s7 =	sadd.s32 $0x40, s7;
	s25 =	sadd.s32 $0x80, s25  }
0x7a: {  	s8 =	sadd.s32 $0x4, s8;
	v9 =	vld [tilespmem:s7+$0x10];
	v11 =	vadd.f32 v4, v11;
	(erf) = vpow2.f32 v14;
	[tilespmem:s25+$0x20] =	vst v13  }
0x7b: {  	p3 =	slt.u32 s8, $0x18C;
	v4 =	vld [tilespmem:s7+$0xFFFFFFE0];
	v12 =	vsel vm0, v12, v16;
	vm0 =	vge.f32 v8, $0.0e+00;
	v13 =	vmul.f32 $2.000000030e-01, v8;
	[tilespmem:s25+$0x30] =	vst v10;
	v10 =	vpop (erf)  }
0x7c: {  	v14 =	vld [tilespmem:s3+$0xFFFFFFF0];
	vm1 =	vge.f32 v11, $0.0e+00;
	v16 =	vmul.f32 $2.000000030e-01, v11;
	v19 =	vmul.f32 $1.442695020e+00, v12;
	[tilespmem:s25+$0xFFFFFFF0] =	vst v10  }
0x7d: {  	v10 =	vmul.f32 v10, v3;
	v3 =	vmov v7;
	v17 =	vld [tilespmem:s7+$0xFFFFFFF0];
	v13 =	vsel vm0, v8, v13;
	v18 =	vpop (erf)  }
0x7e: {  	v8 =	vld [tilespmem:s3+$0x10];
	v7 =	vsel vm1, v11, v16;
	v11 =	vmul.f32 $1.442695020e+00, v13;
	(erf) = vpow2.f32 v19;
	[tilespmem:s25+$0x10] =	vst v18;
	v12 =	vpop (erf)  }
0x7f: {  	v13 =	vadd.f32 v9, v15;
	v7 =	vmul.f32 $1.442695020e+00, v7;
	v15 =	vld [tilespmem:s17+$0x20];
	v16 =	vmul.f32 v12, v1;
	[tilespmem:s25+$0xFFFFFFE0] =	vst v10;
	v1 =	vmovc v5;
	s17 =	smov.u32 s3  }
.Ltmp6:
0x80: {  	v18 =	vmul.f32 v18, v2;
	v2 =	vmov v6;
	v9 =	vld [tilespmem:s7+$0x0];
	(erf) = vpow2.f32 v11;
	[tilespmem:s25+$0xFFFFFFD0] =	vst v12;
	(pc) =	sbr.rel @p3 .LBB2_6-.Ltmp6, $4  }
0x81: {  	v11 =	vld [tilespmem:s3+$0xFFFFFFD0];
	v6 =	vmul.f32 $2.000000030e-01, v13;
	(erf) = vpow2.f32 v7;
	[tilespmem:s25+$0xFFFFFFC0] =	vst v16  }
0x82: {  	vm0 =	vge.f32 v13, $0.0e+00;
	v5 =	vld [tilespmem:s3+$0xFFFFFFC0];
	v12 =	vadd.f32 v17, v14;
	[tilespmem:s25+$0x0] =	vst v18  }
0x83: {  	v7 =	vld [tilespmem:s3+$0xFFFFFFE0];
	v13 =	vsel vm0, v13, v6;
	v10 =	vpop (erf)  }
0x84: {  	s3 =	sadd.s32 $0x80, s3;
	vm0 =	vge.f32 v12, $0.0e+00;
	v6 =	vld [tilespmem:s17+$0x0];
	v14 =	vmul.f32 $1.442695020e+00, v13;
	v13 =	vmul.f32 v10, v15  }
0x85: {  	v8 =	vadd.f32 v9, v8  }
0x86: {  	v56 =	vmul.f32 $2.000000030e-01, v12;
	v4 =	vadd.f32 v4, v11;
	(erf) = vpow2.f32 v14  }
0x87: {  	v57 =	vmul.f32 $2.000000030e-01, v8  }
0x88: {  	v9 =	vsel vm0, v12, v56;
	vm15 =	vge.f32 v8, $0.0e+00;
	v58 =	vmul.f32 $2.000000030e-01, v4  }
0x89: {  	v59 =	vpop (erf);
	vm1 =	vge.f32 v4, $0.0e+00;
	v9 =	vmul.f32 $1.442695020e+00, v9;
	v8 =	vsel vm15, v8, v57  }
0x8a: {  	s3 =	sadd.s32 $0x80, s25;
	v3 =	vmul.f32 v59, v3;
	v4 =	vsel vm1, v4, v58;
	v8 =	vmul.f32 $1.442695020e+00, v8  }
0x8b: {  	v60 =	vld [tilespmem:s17+$0x20];
	[tilespmem:s3+$0x20] =	vst v13;
	(erf) = vpow2.f32 v9;
	v4 =	vmul.f32 $1.442695020e+00, v4  }
0x8c: {  	[tilespmem:s3+$0x30] =	vst v10;
	v61 =	vpop (erf);
	(erf) = vpow2.f32 v8  }
0x8d: {  	[tilespmem:s3+$0xFFFFFFF0] =	vst v59;
	v62 =	vpop (erf);
	(erf) = vpow2.f32 v4  }
0x8e: {  	[tilespmem:s3+$0x10] =	vst v61;
	v1 =	vmul.f32 v62, v1  }
0x8f: {  	[tilespmem:s3+$0xFFFFFFE0] =	vst v3;
	v3 =	vpop (erf)  }
0x90: {  	v2 =	vmul.f32 v61, v2;
	[tilespmem:s3+$0xFFFFFFC0] =	vst v1;
	v1 =	vmul.f32 v3, v60  }
0x91: {  	[tilespmem:s3+$0xFFFFFFD0] =	vst v62  }
0x92: {  	[tilespmem:s3+$0x0] =	vst v2;
	s3 =	sadd.s32 $0x80, s3  }
0x93: {  	[tilespmem:s3+$0x30] =	vst v3  }
0x94: {  	[tilespmem:s3+$0x20] =	vst v1;
	v1 =	vpop (erf)  }
0x95: {  	[tilespmem:s3+$0xFFFFFFF0] =	vst v1;
	v1 =	vmul.f32 v1, v7;
	v2 =	vpop (erf)  }
0x96: {  	[tilespmem:s3+$0x10] =	vst v2;
	v3 =	vpop (erf)  }
0x97: {  	v63 =	vmul.f32 v3, v5;
	[tilespmem:s3+$0xFFFFFFE0] =	vst v1  }
0x98: {  	[tilespmem:s3+$0xFFFFFFD0] =	vst v3;
	v1 =	vmul.f32 v2, v6  }
0x99: {  	p3 =	sgt.u32 s16, $0x16;
	[tilespmem:s3+$0xFFFFFFC0] =	vst v63  }
.Ltmp7:
0x9a: {  	[tilespmem:s3+$0x0] =	vst v1;
	(pc) =	sbr.rel @p3 .LBB2_14-.Ltmp7, $4  }
0x9b: {  	[spmem:s2] =	stream.indirect.scatter.add.f32 [tilespmem:s19], [sflag:$0x4], $0x20, s21, s21, $0xb8;
	[tilespmem:$0x14E60] =	vst v63  }
0x9c: {  	_ =	swait.ge [sflag:s29], $0x3200  }
0x9d: {  	[sflag:s29] =	ssyncset.done $0x0  }
0x9e: {  	[sflag:s29] =	ssyncadd.s32 $0xFFFFCE00  }
0x9f: {  	s3 =	smul.u32 $0x190, s16;
	_ =	sdelay $0x1  }
.Ltmp8:
0xa0: {  	s3 =	sadd.s32 s3, s13;
	(pc) =	sbr.rel .LBB2_13-.Ltmp8, $4  }
0xa1: {  	s3 =	sshrl.u32 s3, $0x3  }
0xa2: {  	s3 =	sadd.s32 s6, s3  }
0xa3: {  	[tilespmem:s4], [sflag:$0x4] =	stream.strided.gather [hbm4b:s3+s21], $0x320, s22, s21, $0x38;
	[tilespmem:$0x14E60] =	vst v63  }
0xa4: {  	s3 =	simm.s32 $0x4  }
.LBB2_9:
0xa5: {  	[tilespmem:s23], [sflag:$0x1] =	stream.indirect.gather [hbm4b:s5+s21], $0x20, s4, s21, $0xb8;
	[tilespmem:$0x14E60] =	vst v63  }
0xa6: {  	_ = 	snop  }
0xa7: {  	[tilespmem:s24], [sflag:$0x1] =	stream.indirect.gather [hbm4b:s1+s21], $0x10, s21, s21, $0xb8;
	[tilespmem:$0x14E60] =	vst v63  }
0xa8: {  	_ =	swait.ge [sflag:s30], $0x3200  }
0xa9: {  	[sflag:s30] =	ssyncset.done $0x0  }
0xaa: {  	[sflag:s30] =	ssyncadd.s32 $0xFFFFCE00  }
0xab: {  	_ =	swait.ge [sflag:s30], $0x1900  }
0xac: {  	[sflag:s30] =	ssyncset.done $0x0  }
0xad: {  	s7 =	simm.s32 $0x3880;
	[sflag:s30] =	ssyncadd.s32 $0xFFFFE700  }
0xae: {  	s3 =	simm.s32 $0x8360;
	v1 =	vld [tilespmem:s7+$0x30]  }
0xaf: {  	v2 =	vld [tilespmem:s3+$0x10]  }
0xb0: {  	v4 =	vld [tilespmem:s7+$0xFFFFFFF0]  }
0xb1: {  	v5 =	vld [tilespmem:s3+$0xFFFFFFF0]  }
0xb2: {  	v6 =	vld [tilespmem:s7+$0x10]  }
0xb3: {  	v7 =	vld [tilespmem:s3+$0x0]  }
0xb4: {  	v1 =	vadd.f32 v2, v1  }
0xb5: {  	v3 =	vld [tilespmem:s3+$0xFFFFFFE0]  }
0xb6: {  	s3 =	simm.s32 $0x3900;
	v2 =	vld [tilespmem:s7+$0xFFFFFFD0];
	v8 =	vmul.f32 $2.000000030e-01, v1  }
0xb7: {  	s8 =	simm.s32 $0x83A0;
	v4 =	vadd.f32 v5, v4;
	v5 =	vld [tilespmem:s3+$0x30];
	vm0 =	vge.f32 v1, $0.0e+00  }
0xb8: {  	v6 =	vadd.f32 v7, v6;
	v7 =	vld [tilespmem:s8+$0x10];
	v1 =	vsel vm0, v1, v8  }
0xb9: {  	v9 =	vld [tilespmem:s7+$0xFFFFFFC0];
	v1 =	vmul.f32 $1.442695020e+00, v1  }
0xba: {  	v10 =	vld [tilespmem:s7+$0xFFFFFFE0]  }
0xbb: {  	v12 =	vld [tilespmem:s7+$0x0];
	v8 =	vmul.f32 $2.000000030e-01, v4;
	(erf) = vpow2.f32 v1  }
0xbc: {  	v13 =	vld [tilespmem:s8+$0xFFFFFFF0];
	vm0 =	vge.f32 v4, $0.0e+00;
	v2 =	vadd.f32 v3, v2  }
0xbd: {  	v3 =	vld [tilespmem:s3+$0xFFFFFFF0];
	v5 =	vadd.f32 v7, v5;
	v4 =	vsel vm0, v4, v8;
	v1 =	vmul.f32 $2.000000030e-01, v6  }
0xbe: {  	v7 =	vld [tilespmem:s7+$0x20];
	vm0 =	vge.f32 v6, $0.0e+00;
	v8 =	vmul.f32 $2.000000030e-01, v2;
	v4 =	vmul.f32 $1.442695020e+00, v4  }
0xbf: {  	vm1 =	vge.f32 v2, $0.0e+00;
	v14 =	vmul.f32 $2.000000030e-01, v5;
	v1 =	vsel vm0, v6, v1;
	v6 =	vld [tilespmem:s3+$0x10]  }
0xc0: {  	v2 =	vsel vm1, v2, v8;
	(erf) = vpow2.f32 v4;
	v4 =	vld [tilespmem:s8+$0x0];
	v1 =	vmul.f32 $1.442695020e+00, v1  }
0xc1: {  	v11 =	vld [tilespmem:s8+$0xFFFFFFE0];
	vm0 =	vge.f32 v5, $0.0e+00;
	v2 =	vmul.f32 $1.442695020e+00, v2  }
0xc2: {  	s7 =	simm.s32 $0x83E0;
	v8 =	vld [tilespmem:s3+$0xFFFFFFD0];
	v5 =	vsel vm0, v5, v14;
	(erf) = vpow2.f32 v1  }
0xc3: {  	v17 =	vld [tilespmem:s7+$0x10];
	v5 =	vmul.f32 $1.442695020e+00, v5;
	(erf) = vpow2.f32 v2  }
0xc4: {  	s17 =	simm.s32 $0x3980;
	v18 =	vld [tilespmem:s7+$0xFFFFFFF0];
	v13 =	vadd.f32 v13, v3;
	v16 =	vpop (erf)  }
0xc5: {  	v14 =	vld [tilespmem:s17+$0x30];
	v6 =	vadd.f32 v4, v6;
	(erf) = vpow2.f32 v5;
	v5 =	vmul.f32 v16, v7  }
0xc6: {  	v3 =	vld [tilespmem:s3+$0xFFFFFFE0];
	v15 =	vmul.f32 $2.000000030e-01, v13  }
0xc7: {  	v1 =	vld [tilespmem:s3+$0xFFFFFFC0];
	vm0 =	vge.f32 v13, $0.0e+00;
	v8 =	vadd.f32 v11, v8;
	v11 =	vmul.f32 $2.000000030e-01, v6  }
0xc8: {  	s25 =	simm.s32 $0xCE80;
	v2 =	vld [tilespmem:s3+$0x0];
	v7 =	vsel vm0, v13, v15;
	vm0 =	vge.f32 v6, $0.0e+00  }
0xc9: {  	v4 =	vld [tilespmem:s7+$0xFFFFFFE0];
	v15 =	vmul.f32 $2.000000030e-01, v8;
	v7 =	vmul.f32 $1.442695020e+00, v7;
	v6 =	vsel vm0, v6, v11;
	[tilespmem:s25+$0x20] =	vst v5;
	v5 =	vpop (erf)  }
0xca: {  	v14 =	vadd.f32 v17, v14;
	vm1 =	vge.f32 v8, $0.0e+00;
	v13 =	vld [tilespmem:s17+$0xFFFFFFF0];
	v10 =	vmul.f32 v5, v10  }
0xcb: {  	v11 =	vsel vm1, v8, v15;
	v8 =	vld [tilespmem:s17+$0x10];
	(erf) = vpow2.f32 v7;
	v62 =	vpop (erf);
	[tilespmem:s25+$0xFFFFFFF0] =	vst v5;
	v5 =	vmul.f32 $1.442695020e+00, v6  }
0xcc: {  	v15 =	vld [tilespmem:s3+$0x20];
	v7 =	vmul.f32 $1.442695020e+00, v11;
	v6 =	vpop (erf);
	[tilespmem:s25+$0xFFFFFFE0] =	vst v10;
	v10 =	vmul.f32 $2.000000030e-01, v14  }
0xcd: {  	[tilespmem:s25+$0x30] =	vst v16;
	v63 =	vmul.f32 v6, v9;
	v9 =	vld [tilespmem:s7+$0x0];
	(erf) = vpow2.f32 v5  }
0xce: {  	v11 =	vld [tilespmem:s17+$0xFFFFFFD0];
	[tilespmem:s25+$0x10] =	vst v62;
	(erf) = vpow2.f32 v7  }
0xcf: {  	vm0 =	vge.f32 v14, $0.0e+00;
	[tilespmem:s25+$0xFFFFFFD0] =	vst v6;
	v6 =	vmul.f32 v62, v12;
	v5 =	vld [tilespmem:s17+$0xFFFFFFC0];
	v12 =	vadd.f32 v18, v13  }
0xd0: {  	v7 =	vld [tilespmem:s17+$0xFFFFFFE0];
	[tilespmem:s25+$0xFFFFFFC0] =	vst v63;
	v13 =	vsel vm0, v14, v10;
	v10 =	vpop (erf)  }
0xd1: {  	s8 =	simm.s32 $0x8;
	s3 =	simm.s32 $0x3A00;
	[tilespmem:s25+$0x0] =	vst v6;
	vm0 =	vge.f32 v12, $0.0e+00;
	v6 =	vld [tilespmem:s17+$0x0];
	v14 =	vmul.f32 $1.442695020e+00, v13;
	v13 =	vmul.f32 v10, v15  }
.LBB2_10:
0xd2: {  	v15 =	vld [tilespmem:s3+$0x30];
	v16 =	vmul.f32 $2.000000030e-01, v12;
	v8 =	vadd.f32 v9, v8;
	s7 =	sadd.s32 $0x40, s7;
	s25 =	sadd.s32 $0x80, s25  }
0xd3: {  	s8 =	sadd.s32 $0x4, s8;
	v9 =	vld [tilespmem:s7+$0x10];
	v11 =	vadd.f32 v4, v11;
	(erf) = vpow2.f32 v14;
	[tilespmem:s25+$0x20] =	vst v13  }
0xd4: {  	p3 =	slt.u32 s8, $0x18C;
	v4 =	vld [tilespmem:s7+$0xFFFFFFE0];
	v12 =	vsel vm0, v12, v16;
	vm0 =	vge.f32 v8, $0.0e+00;
	v13 =	vmul.f32 $2.000000030e-01, v8;
	[tilespmem:s25+$0x30] =	vst v10;
	v10 =	vpop (erf)  }
0xd5: {  	v14 =	vld [tilespmem:s3+$0xFFFFFFF0];
	vm1 =	vge.f32 v11, $0.0e+00;
	v16 =	vmul.f32 $2.000000030e-01, v11;
	v19 =	vmul.f32 $1.442695020e+00, v12;
	[tilespmem:s25+$0xFFFFFFF0] =	vst v10  }
0xd6: {  	v10 =	vmul.f32 v10, v3;
	v3 =	vmov v7;
	v17 =	vld [tilespmem:s7+$0xFFFFFFF0];
	v13 =	vsel vm0, v8, v13;
	v18 =	vpop (erf)  }
0xd7: {  	v8 =	vld [tilespmem:s3+$0x10];
	v7 =	vsel vm1, v11, v16;
	v11 =	vmul.f32 $1.442695020e+00, v13;
	(erf) = vpow2.f32 v19;
	[tilespmem:s25+$0x10] =	vst v18;
	v12 =	vpop (erf)  }
0xd8: {  	v13 =	vadd.f32 v9, v15;
	v7 =	vmul.f32 $1.442695020e+00, v7;
	v15 =	vld [tilespmem:s17+$0x20];
	v16 =	vmul.f32 v12, v1;
	[tilespmem:s25+$0xFFFFFFE0] =	vst v10;
	v1 =	vmovc v5;
	s17 =	smov.u32 s3  }
.Ltmp9:
0xd9: {  	v18 =	vmul.f32 v18, v2;
	v2 =	vmov v6;
	v9 =	vld [tilespmem:s7+$0x0];
	(erf) = vpow2.f32 v11;
	[tilespmem:s25+$0xFFFFFFD0] =	vst v12;
	(pc) =	sbr.rel @p3 .LBB2_10-.Ltmp9, $4  }
0xda: {  	v11 =	vld [tilespmem:s3+$0xFFFFFFD0];
	v6 =	vmul.f32 $2.000000030e-01, v13;
	(erf) = vpow2.f32 v7;
	[tilespmem:s25+$0xFFFFFFC0] =	vst v16  }
0xdb: {  	vm0 =	vge.f32 v13, $0.0e+00;
	v5 =	vld [tilespmem:s3+$0xFFFFFFC0];
	v12 =	vadd.f32 v17, v14;
	[tilespmem:s25+$0x0] =	vst v18  }
0xdc: {  	v7 =	vld [tilespmem:s3+$0xFFFFFFE0];
	v13 =	vsel vm0, v13, v6;
	v10 =	vpop (erf)  }
0xdd: {  	s3 =	sadd.s32 $0x80, s3;
	vm0 =	vge.f32 v12, $0.0e+00;
	v6 =	vld [tilespmem:s17+$0x0];
	v14 =	vmul.f32 $1.442695020e+00, v13;
	v13 =	vmul.f32 v10, v15  }
0xde: {  	v8 =	vadd.f32 v9, v8  }
0xdf: {  	v56 =	vmul.f32 $2.000000030e-01, v12;
	v4 =	vadd.f32 v4, v11;
	(erf) = vpow2.f32 v14  }
0xe0: {  	v57 =	vmul.f32 $2.000000030e-01, v8  }
0xe1: {  	v9 =	vsel vm0, v12, v56;
	vm15 =	vge.f32 v8, $0.0e+00;
	v58 =	vmul.f32 $2.000000030e-01, v4  }
0xe2: {  	v59 =	vpop (erf);
	vm1 =	vge.f32 v4, $0.0e+00;
	v9 =	vmul.f32 $1.442695020e+00, v9;
	v8 =	vsel vm15, v8, v57  }
0xe3: {  	s3 =	sadd.s32 $0x80, s25;
	v3 =	vmul.f32 v59, v3;
	v4 =	vsel vm1, v4, v58;
	v8 =	vmul.f32 $1.442695020e+00, v8  }
0xe4: {  	v60 =	vld [tilespmem:s17+$0x20];
	[tilespmem:s3+$0x20] =	vst v13;
	(erf) = vpow2.f32 v9;
	v4 =	vmul.f32 $1.442695020e+00, v4  }
0xe5: {  	[tilespmem:s3+$0x30] =	vst v10;
	v61 =	vpop (erf);
	(erf) = vpow2.f32 v8  }
0xe6: {  	[tilespmem:s3+$0xFFFFFFF0] =	vst v59;
	v62 =	vpop (erf);
	(erf) = vpow2.f32 v4  }
0xe7: {  	[tilespmem:s3+$0x10] =	vst v61;
	v1 =	vmul.f32 v62, v1  }
0xe8: {  	[tilespmem:s3+$0xFFFFFFE0] =	vst v3;
	v3 =	vpop (erf)  }
0xe9: {  	v2 =	vmul.f32 v61, v2;
	[tilespmem:s3+$0xFFFFFFC0] =	vst v1;
	v1 =	vmul.f32 v3, v60  }
0xea: {  	[tilespmem:s3+$0xFFFFFFD0] =	vst v62  }
0xeb: {  	[tilespmem:s3+$0x0] =	vst v2;
	s3 =	sadd.s32 $0x80, s3  }
0xec: {  	[tilespmem:s3+$0x30] =	vst v3  }
0xed: {  	[tilespmem:s3+$0x20] =	vst v1;
	v1 =	vpop (erf)  }
0xee: {  	[tilespmem:s3+$0xFFFFFFF0] =	vst v1;
	v1 =	vmul.f32 v1, v7;
	v2 =	vpop (erf)  }
0xef: {  	[tilespmem:s3+$0x10] =	vst v2;
	v3 =	vpop (erf)  }
0xf0: {  	v63 =	vmul.f32 v3, v5;
	[tilespmem:s3+$0xFFFFFFE0] =	vst v1  }
0xf1: {  	[tilespmem:s3+$0xFFFFFFD0] =	vst v3;
	v1 =	vmul.f32 v2, v6  }
0xf2: {  	p3 =	sgt.u32 s16, $0x16;
	[tilespmem:s3+$0xFFFFFFC0] =	vst v63  }
.Ltmp10:
0xf3: {  	[tilespmem:s3+$0x0] =	vst v1;
	(pc) =	sbr.rel @p3 .LBB2_14-.Ltmp10, $4  }
0xf4: {  	[spmem:s2] =	stream.indirect.scatter.add.f32 [tilespmem:s0], [sflag:$0x4], $0x20, s31, s21, $0xb8;
	[tilespmem:$0x14E60] =	vst v63  }
0xf5: {  	_ =	swait.ge [sflag:s29], $0x3200  }
0xf6: {  	[sflag:s29] =	ssyncset.done $0x0  }
0xf7: {  	[sflag:s29] =	ssyncadd.s32 $0xFFFFCE00  }
0xf8: {  	s3 =	smul.u32 $0x190, s16;
	_ =	sdelay $0x1  }
.Ltmp11:
0xf9: {  	s3 =	sadd.s32 s3, s13;
	(pc) =	sbr.rel .LBB2_13-.Ltmp11, $4  }
0xfa: {  	s3 =	sshrl.u32 s3, $0x3  }
0xfb: {  	s3 =	sadd.s32 s6, s3  }
0xfc: {  	[tilespmem:s26], [sflag:$0x3] =	stream.strided.gather [hbm4b:s3+s21], $0x320, s22, s21, $0x38;
	[tilespmem:$0x14E60] =	vst v63  }
0xfd: {  	s3 =	simm.s32 $0x3  }
.LBB2_15:
.Ltmp12:
0xfe: {  	(pc) =	sbr.rel @!p0 .LBB2_16-.Ltmp12, $4  }
0xff: {  	_ = 	snop  }
0x100: {  	s3 =	stileid.u32  }
0x101: {  	[bflag:$0x0] =	sbarrier.arrive $0xFFFF;
	s8 =	sshll.u32 s3, $0x6  }
0x102: {  	s7 =	sshrl.u32 s15, $0x3;
	s3 =	sor.u32 $0x1C03, s8  }
0x103: {  	s3 =	sor.u32 $0x1C03, s8;
	s25 =	rddreg [dreg:$0x8]  }
0x104: {  	[hbm:s25], [sflag:s3] =	dma.local [spmem:s7], $0x640  }
.Ltmp13:
0x105: {  	_ = 	snop;
	(pc) =	sbr.rel @p1 .LBB2_19-.Ltmp13, $4  }
.Ltmp14:
0x106: {  	_ = 	snop;
	(pc) =	sbr.rel @!p1 .LBB2_18-.Ltmp14, $4  }
0x107: {  	_ =	swait.ge [sflag:s20], $0x640  }
0x108: {  	[sflag:s20] =	ssyncset.done $0x0  }
0x109: {  	s7 =	rddreg [dreg:$0x5];
	[sflag:s20] =	ssyncadd.s32 $0xFFFFF9C0  }
0x10a: {  	_ = 	snop  }
.LBB2_16:
0x10b: {  	s8 =	rddreg [dreg:$0x6]  }
0x10c: {  	[hbm:s8], [sflag:s3] =	dma.local [spmem:s7], $0x640  }
.Ltmp15:
0x10d: {  	_ = 	snop;
	(pc) =	sbr.rel @p2 .LBB2_18-.Ltmp15, $4  }
.Ltmp16:
0x10e: {  	_ = 	snop;
	(pc) =	sbr.rel @!p2 .LBB2_19-.Ltmp16, $4  }
0x10f: {  	_ =	swait.ge [sflag:s20], $0x640  }
0x110: {  	[sflag:s20] =	ssyncset.done $0x0  }
0x111: {  	s7 =	rddreg [dreg:$0x4];
	[sflag:s20] =	ssyncadd.s32 $0xFFFFF9C0  }
0x112: {  	_ = 	snop  }
.LBB2_20:
0x113: {  	_ =	sfence.sel $0x180000  }
0x114: {  	[bflag:$0x0] =	sbarrier.arrive $0xFFFF  }
0x115: {  	_ =	strace $0x9000004A  }
0x116: {  	s0 =	stileid.u32;
	[bflag:$0x2] =	sbarrier.arrive $0xFFFF  }
0x117: {  	p0 =	sne.s32 s0, $0x0;
	s0 =	rddreg [dreg:$0x3]  }
0x118: {  	s0 =	sadd.s32 @!p0 $0x100000, s0  }
0x119: {  	[sflag:s0] =	ssyncadd.tile.s32 @!p0 $0x1;
	_ =	shalt  }
.Lfunc_end2:
_tile_overlayer_lowered:
.L_overlay_start_2:
0x11a: {  	(tag) =	ssettag $0x2  }
0x11b: {  	s0 =	rddreg [dreg:$0x0];
	s2 =	stileid.u32  }
0x11c: {  	s1 =	rddreg [dreg:$0x1];
	p0 =	sne.s32 s2, $0x0  }
0x11d: {  	s3 =	rddreg [dreg:$0x2];
	[bflag:$0x3] =	sbarrier.arrive $0xFFFF;
	s2 =	simm.s32 @!p0 $0x1C03  }
0x11e: {  	[timem:s3], [sflag:s2] =	dma.local @!p0 [hbm:s0], s1  }
0x11f: {  	s0 =	simm.s32 @!p0 $0x3  }
0x120: {  	_ =	swait.ge @!p0 [sflag:s0], s1  }
0x121: {  	s1 =	ssub.s32 @!p0 $0x0, s1;
	[sflag:s0] =	ssyncset.done @!p0 $0x0  }
0x122: {  	[sflag:s0] =	ssyncadd.s32 @!p0 s1  }
0x123: {  	[bflag:$0x3] =	sbarrier.arrive $0xFFFF  }
0x124: {  	_ =	shalt  }

// kernel: kernel.7.cloned.1.call-start
scs
__scs_entry_jumppad:
0x0: {  	(pc) =	sbr.rel $0x88, $3  }
0x1: {  	(tag) =	ssettag $0x0;
	lr =	simm.s32 $0x1  }
0x2: {  	[smem:$0x3F97] =	sst lr;
	_ =	strace $0xD0000000  }
0x3: {  	_ = 	snop  }
0x4: {  	_ = 	snop  }
0x5: {  	_ = 	snop  }
0x6: {  	_ = 	snop  }
0x7: {  	_ = 	snop  }
__scs_overlays_trampoline_lowered:
0x8: {  	[smem:$0x3FA6] =	sst s0  }
0x9: {  	[smem:$0x3FA7] =	sst s1  }
0xa: {  	[smem:$0x3FA8] =	sst s2  }
0xb: {  	[smem:$0x3FA9] =	sst s3  }
0xc: {  	[smem:$0x3FAA] =	sst s4  }
0xd: {  	[smem:$0x3FAB] =	sst s5  }
0xe: {  	[smem:$0x3FAC] =	sst s6  }
0xf: {  	[smem:$0x3FAD] =	sst s7  }
0x10: {  	[smem:$0x3FAE] =	sst s8  }
0x11: {  	[smem:$0x3FAF] =	sst s9;
	s0 =	simm.s32 @!p0 $0x0  }
0x12: {  	s1 =	sld [smem:$0x3F95];
	s0 =	simm.s32 @p0 $0x1  }
0x13: {  	[smem:$0x3FB0] =	sst s0;
	s0 =	simm.s32 @!p1 $0x0  }
0x14: {  	s2 =	sld [smem:$0x3F94];
	s0 =	simm.s32 @p1 $0x1  }
0x15: {  	[smem:$0x3FB1] =	sst s0;
	s0 =	simm.s32 @!p2 $0x0  }
0x16: {  	s3 =	sld [smem:$0x3FDB];
	s0 =	simm.s32 @p2 $0x1  }
0x17: {  	s4 =	simm.s32 $0x1BF5;
	[smem:$0x3FB3] =	sst s0  }
0x18: {  	s0 =	sld [smem:$0x3F96];
	_ =	swait.ge [sflag:s4], $0x0  }
0x19: {  	s7 =	sld [smem:$0x3F97]  }
0x1a: {  	s8 =	sadd.s32 $0xFFFFE003, lr  }
0x1b: {  	s9 =	sadd.s32 $0xFFFFFEF7, lr;
	s5 =	simm.s32 $0xFFFFFFFF;
	p2 =	slt.u32 s8, $0xFFFFF086  }
0x1c: {  	p1 =	slt.u32 s9, $0xF7A;
	s5 =	simm.s32 @!p2 $0x0  }
0x1d: {  	s5 =	simm.s32 @p1 $0x1;
	p0 =	seq.s32 s7, s2  }
0x1e: {  	s7 =	smul.u32 @!p0 $0xF7A, s2;
	p2 =	seq.s32 @!p0 s5, $0x0  }
0x1f: {  	s9 =	smul.u32 $0xF7A, s1;
	s8 =	simm.s32 @!p0 $0x1BF5;
	p2 =	por !p2, p0  }
0x20: {  	[sflag:s8] =	ssyncset.s32 @!p0 $0xFFFFF086;
	s6 =	sadd.s32 @!p0 s3, s7;
	s7 =	simm.s32 @!p0 $0x108  }
0x21: {  	s3 =	sadd.s32 s3, s9;
	s6 =	sadd.s32 @!p0 $0x88, s6;
	s7 =	simm.s32 @p2 $0x1082  }
0x22: {  	[simem:s7], [sflag:s8] =	dma.local @!p0 [hbm:s6], $0xF7A  }
0x23: {  	s9 =	sor.u32 $0xD0000000, s2;
	s6 =	simm.s32 $0x108;
	_ =	swait.ge @!p0 [sflag:s8], $0x0  }
0x24: {  	s3 =	sadd.s32 $0x88, s3;
	s6 =	simm.s32 @!p1 $0x1082;
	[sflag:s4] =	ssyncset.s32 $0xFFFFF086  }
0x25: {  	[simem:s6], [sflag:s4] =	dma.local [hbm:s3], $0xF7A  }
0x26: {  	[smem:$0x3F97] =	sst s1;
	(tag) =	ssettag s2;
	_ =	strace s9  }
0x27: {  	s1 =	sld [smem:$0x3FA7]  }
0x28: {  	s2 =	sld [smem:$0x3FA8]  }
0x29: {  	s4 =	sld [smem:$0x3FAA]  }
0x2a: {  	p0 =	seq.s32 s5, $0x0;
	s5 =	sld [smem:$0x3FAB]  }
0x2b: {  	s6 =	sld [smem:$0x3FAC]  }
0x2c: {  	s7 =	sld [smem:$0x3FAD]  }
0x2d: {  	s3 =	simm.s32 $0x108;
	s8 =	sld [smem:$0x3FAE]  }
0x2e: {  	s3 =	simm.s32 @!p0 $0x1082;
	s9 =	sld [smem:$0x3FAF]  }
0x2f: {  	lr =	sadd.s32 s0, s3;
	s0 =	sld [smem:$0x3FA6]  }
0x30: {  	s3 =	sld [smem:$0x3FA9]  }
0x31: {  	[smem:$0x3FB2] =	sst s10  }
0x32: {  	s10 =	sld [smem:$0x3FB0];
	_ =	sdelay $0x3  }
0x33: {  	p0 =	seq.s32 s10, $0x1;
	s10 =	sld [smem:$0x3FB2];
	_ =	sdelay $0x3  }
0x34: {  	[smem:$0x3FB2] =	sst s10  }
0x35: {  	s10 =	sld [smem:$0x3FB1];
	_ =	sdelay $0x3  }
0x36: {  	p1 =	seq.s32 s10, $0x1;
	s10 =	sld [smem:$0x3FB2];
	_ =	sdelay $0x3  }
0x37: {  	[smem:$0x3FB2] =	sst s10  }
0x38: {  	s10 =	sld [smem:$0x3FB3]  }
0x39: {  	_ = 	snop;
	(pc) =	sbr.ind lr, $3  }
0x3a: {  	_ = 	snop  }
0x3b: {  	_ = 	snop  }
0x3c: {  	p2 =	seq.s32 s10, $0x1;
	s10 =	sld [smem:$0x3FB2]  }
0x3d: {  	_ =	shalt  }
0x3e: {  	_ =	shalt  }
0x3f: {  	_ =	shalt  }
0x40: {  	_ =	shalt  }
0x41: {  	_ =	shalt  }
0x42: {  	_ =	shalt  }
0x43: {  	_ =	shalt  }
0x44: {  	_ =	shalt  }
0x45: {  	_ =	shalt  }
0x46: {  	_ =	shalt  }
0x47: {  	_ =	shalt  }
0x48: {  	_ =	shalt  }
0x49: {  	_ =	shalt  }
0x4a: {  	_ =	shalt  }
0x4b: {  	_ =	shalt  }
0x4c: {  	_ =	shalt  }
0x4d: {  	_ =	shalt  }
0x4e: {  	_ =	shalt  }
0x4f: {  	_ =	shalt  }
0x50: {  	_ =	shalt  }
0x51: {  	_ =	shalt  }
0x52: {  	_ =	shalt  }
0x53: {  	_ =	shalt  }
0x54: {  	_ =	shalt  }
0x55: {  	_ =	shalt  }
0x56: {  	_ =	shalt  }
0x57: {  	_ =	shalt  }
0x58: {  	_ =	shalt  }
0x59: {  	_ =	shalt  }
0x5a: {  	_ =	shalt  }
0x5b: {  	_ =	shalt  }
0x5c: {  	_ =	shalt  }
0x5d: {  	_ =	shalt  }
0x5e: {  	_ =	shalt  }
0x5f: {  	_ =	shalt  }
0x60: {  	_ =	shalt  }
0x61: {  	_ =	shalt  }
0x62: {  	_ =	shalt  }
0x63: {  	_ =	shalt  }
0x64: {  	_ =	shalt  }
0x65: {  	_ =	shalt  }
0x66: {  	_ =	shalt  }
0x67: {  	_ =	shalt  }
0x68: {  	_ =	shalt  }
0x69: {  	_ =	shalt  }
0x6a: {  	_ =	shalt  }
0x6b: {  	_ =	shalt  }
0x6c: {  	_ =	shalt  }
0x6d: {  	_ =	shalt  }
0x6e: {  	_ =	shalt  }
0x6f: {  	_ =	shalt  }
0x70: {  	_ =	shalt  }
0x71: {  	_ =	shalt  }
0x72: {  	_ =	shalt  }
0x73: {  	_ =	shalt  }
0x74: {  	_ =	shalt  }
0x75: {  	_ =	shalt  }
0x76: {  	_ =	shalt  }
0x77: {  	_ =	shalt  }
0x78: {  	_ =	shalt  }
0x79: {  	_ =	shalt  }
0x7a: {  	_ =	shalt  }
0x7b: {  	_ =	shalt  }
0x7c: {  	_ =	shalt  }
0x7d: {  	_ =	shalt  }
0x7e: {  	_ =	shalt  }
0x7f: {  	_ =	shalt  }
0x80: {  	_ =	shalt  }
0x81: {  	_ =	shalt  }
0x82: {  	_ =	shalt  }
0x83: {  	_ =	shalt  }
0x84: {  	_ =	shalt  }
0x85: {  	_ =	shalt  }
0x86: {  	_ =	shalt  }
0x87: {  	_ =	shalt  }
.Lfunc_end0:
.L_simem_size_0:
called_computation_lowered:
.L_overlay_start_0:
0x88: {  	s2 =	sld [smem:$0x3FD9]  }
0x89: {  	s3 =	sld [smem:$0x3FFE];
	_ =	sdelay $0x1  }
0x8a: {  	s1 =	srdreg.scid  }
0x8b: {  	s0 =	sand.u32 $0x1, s1  }
0x8c: {  	s14 =	sshll.u32 s0, $0xA;
	s2 =	sadd.s32 s3, s2  }
0x8d: {  	s2 =	sadd.s32 s2, s14  }
0x8e: {  	[smem:$0x3FBE] =	sst s2  }
0x8f: {  	_ = 	snop  }
0x90: {  	s2 =	sld [smem:$0x3FD0];
	_ =	sdelay $0x2  }
0x91: {  	s15 =	simm.s32 $0xA;
	s4 =	simm.s32 $0x10  }
0x92: {  	[smem:s4], [sflag:s15] =	dma.local [hbm:s2], $0x1  }
0x93: {  	_ =	swait.eq [sflag:s15], $0x1  }
0x94: {  	[sflag:s15] =	ssyncset.done $0x0  }
0x95: {  	[sflag:s15] =	ssyncadd.s32 $0xFFFFFFFF  }
0x96: {  	s16 =	sld [smem:$0x10];
	(tm) =	ssettm $0x1  }
0x97: {  	s17 =	sld [smem:$0x3FFB];
	_ =	sdelay $0x3  }
0x98: {  	_ =	strace s17  }
0x99: {  	s3 =	sld [smem:$0x3FFC];
	_ =	sdelay $0x3  }
0x9a: {  	_ =	strace s3  }
0x9b: {  	s3 =	sld [smem:$0x3FFD];
	_ =	sdelay $0x3  }
0x9c: {  	_ =	strace s3  }
0x9d: {  	_ =	strace $0x8FFFFFFF  }
0x9e: {  	s18 =	sld [smem:$0x3FDB];
	_ =	sdelay $0x1  }
0x9f: {  	s19 =	simm.s32 $_scs_section_size  }
0xa0: {  	s5 =	simm.s32 $_size__tile_overlayer_lowered;
	s6 =	simm.s32 $_tile_overlayer_lowered  }
0xa1: {  	s22 =	simm.s32 $0x1BFF;
	s21 =	sshll.u32 s6, $0x1;
	s3 =	sadd.s32 s19, s18  }
0xa2: {  	s7 =	simm.s32 $0x0;
	s20 =	sshll.u32 s5, $0x1;
	s5 =	sadd.s32 s21, s3  }
0xa3: {  	[timem:s7], [sflag:s22] =	dma.local [hbm:s5], s20  }
0xa4: {  	_ =	swait.ge [sflag:s22], s20  }
0xa5: {  	s4 =	ssub.s32 $0x0, s20;
	[sflag:s22] =	ssyncset.done $0x0  }
0xa6: {  	[sflag:s22] =	ssyncadd.s32 s4;
	_ =	sdelay $0x1  }
0xa7: {  	s23 =	simm.s32 $0x1B8B  }
0xa8: {  	_ =	swait.ge [sflag:s23], $0x1  }
0xa9: {  	[sflag:s23] =	ssyncset.done $0x0  }
0xaa: {  	s25 =	simm.s32 $0x1B8E;
	s24 =	sld [smem:$0x3FFE];
	[sflag:s23] =	ssyncadd.s32 $0xFFFFFFFF  }
0xab: {  	s26 =	simm.s32 $execute0_lowered;
	[smem:$0x3FD2] =	sst s25  }
0xac: {  	s5 =	sshll.u32 s26, $0x1;
	_ =	strace $0x80000046;
	[dreg:$0x1] =	wrdreg $0xFFFFFFFF  }
0xad: {  	s28 =	simm.s32 $_size_execute0_lowered;
	s3 =	sadd.s32 s3, s5;
	[dreg:$0x0] =	wrdreg $0x0  }
0xae: {  	s5 =	sshll.u32 s28, $0x1;
	[dreg:$0x2] =	wrdreg s3  }
0xaf: {  	[dreg:$0x3] =	wrdreg s5  }
0xb0: {  	[dreg:$0x4] =	wrdreg $0xC0  }
0xb1: {  	_ =	task [dreg:s7], $0x5FFFF  }
0xb2: {  	[dreg:$0x1] =	wrdreg $0xFFFFFFFF  }
0xb3: {  	[dreg:$0x0] =	wrdreg $0x60  }
0xb4: {  	[dreg:$0x2] =	wrdreg s24  }
0xb5: {  	[dreg:$0x3] =	wrdreg s16  }
0xb6: {  	[dreg:$0x4] =	wrdreg $0x65400  }
0xb7: {  	[dreg:$0x5] =	wrdreg $0x9  }
0xb8: {  	_ =	task.clear_ibuf [dreg:s7], $0x6FFFF;
	_ =	strace $0x90000046  }
0xb9: {  	s29 =	simm.s32 $0x9;
	_ =	strace $0x80000048  }
0xba: {  	_ =	swait.ge [sflag:s29], $0x1  }
0xbb: {  	[sflag:s29] =	ssyncadd.s32 $0xFFFFFFFF  }
0xbc: {  	_ =	strace $0x90000048  }
0xbd: {  	_ =	sfence  }
0xbe: {  	s30 =	sld [smem:$0x0];
	_ =	sdelay $0x2  }
0xbf: {  	s31 =	sshll.u32 s1, $0xD;
	s1 =	sshrl.u32 s1, $0x2  }
0xc0: {  	s3 =	sand.u32 $0x4000, s31;
	s1 =	sadd.s32 s1, s30  }
0xc1: {  	s0 =	sor.u32 s3, s0;
	s1 =	sshll.u32 s1, $0x11  }
0xc2: {  	s0 =	sor.u32 s1, s0  }
0xc3: {  	s0 =	sadd.s32 $0x8F2B, s0  }
0xc4: {  	[sflag:s0] =	ssyncadd.remote.s32 $0x1  }
0xc5: {  	_ =	sfence.sel $0xFFFF  }
0xc6: {  	[dreg:$0x0] =	wrdreg $0xFFFFFFFF;
	(pc) =	sbr.abs _section_cstart, $3  }
0xc7: {  	[dreg:$0x1] =	wrdreg $0xFFFFFFFF  }
0xc8: {  	_ =	task.clear_ibuf [dreg:s7], $0x2FFFF;
	_ =	strace $0x9FFFFFFF  }
0xc9: {  	(tm) =	ssettm $0x7FFFFFFF  }
tec
execute0_lowered:
.L_overlay_start_1:
0x0: {  	(tag) =	ssettag $0x1  }
0x1: {  	s0 =	rddreg [dreg:$0x0]  }
0x2: {  	s1 =	rddreg [dreg:$0x1]  }
0x3: {  	s2 =	rddreg [dreg:$0x2];
	s3 =	simm.s32 $0x0  }
0x4: {  	s4 =	srdreg.scid;
	s20 =	stileid.u32;
	s28 =	simm.s32 $0x3  }
0x5: {  	s29 =	simm.s32 $0x50;
	s31 =	simm.s32 $0x4E200;
	[smem:$0x7FF] =	sst s3  }
0x6: {  	s5 =	sadd.s32 $0x16400, s0;
	s6 =	sadd.s32 $0x2A00, s0;
	s4 =	sand.u32 $0x1, s4  }
0x7: {  	s21 =	sadd.s32 $0x6E400, s0;
	s26 =	sadd.s32 $0x42400, s0;
	s8 =	smul.u32 $0xB400, s20  }
0x8: {  	s9 =	sor.u32 $0x10, s20;
	s12 =	sor.u32 $0x30, s20;
	s13 =	sor.u32 $0x40, s20  }
0x9: {  	s15 =	sor.u32 $0x50, s20;
	p1 =	sgt.u32 s20, $0xC;
	s10 =	smul.u32 $0xB400, s9  }
0xa: {  	p2 =	slt.u32 s20, $0xD;
	_ =	strace $0x80000047;
	s22 =	smul.u32 $0xB400, s12  }
0xb: {  	s7 =	ssub.s32 $0x2, s4;
	s19 =	sshll.u32 s4, $0x4;
	s14 =	smul.u32 $0xB400, s13  }
0xc: {  	s16 =	smul.u32 $0xB400, s15;
	p0 =	seq.s32 s4, $0x1;
	[dreg:$0x4] =	wrdreg s21  }
0xd: {  	[dreg:$0x5] =	wrdreg s26;
	s18 =	sshrl.u32 s7, $0x1;
	s8 =	sshrl.u32 s8, $0x2  }
0xe: {  	s0 =	ssub.s32 s7, s18;
	s7 =	sor.u32 s20, s19;
	s8 =	sadd.s32 s8, s2  }
0xf: {  	s10 =	sshrl.u32 s10, $0x2;
	s19 =	sor.u32 $0x60, s20;
	s24 =	sshrl.u32 s14, $0x2  }
0x10: {  	s25 =	sshrl.u32 s16, $0x2;
	s16 =	sor.u32 $0x70, s20;
	s7 =	smul.u32 $0x2710, s7  }
0x11: {  	[dreg:$0x6] =	wrdreg s8;
	s8 =	sor.u32 $0x20, s20;
	s23 =	smul.u32 $0xB400, s19  }
0x12: {  	s10 =	sadd.s32 s10, s2;
	s17 =	smul.u32 $0xB400, s16;
	s18 =	sadd.s32 s25, s2  }
0x13: {  	s30 =	smax.u32 s0, $0x1;
	s11 =	smul.u32 $0xB400, s8;
	[dreg:$0x7] =	wrdreg s10  }
0x14: {  	s10 =	sshrl.u32 s22, $0x2;
	[dreg:$0xb] =	wrdreg s18;
	s25 =	smul.u32 $0x2D00, s8  }
0x15: {  	s10 =	sadd.s32 s10, s2;
	s4 =	sshrl.u32 s17, $0x2;
	s22 =	sshrl.u32 s7, $0x3  }
0x16: {  	s18 =	sadd.s32 $0xA0, s7;
	s11 =	sshrl.u32 s11, $0x2;
	[dreg:$0x9] =	wrdreg s10  }
0x17: {  	s10 =	sshrl.u32 s23, $0x2;
	s23 =	smul.u32 $0x2D00, s20;
	s4 =	sadd.s32 s4, s2  }
0x18: {  	s17 =	sadd.s32 s6, s22;
	s7 =	sadd.s32 s25, s2;
	[dreg:$0xd] =	wrdreg s4  }
0x19: {  	s22 =	smul.u32 $0x2D00, s12;
	s11 =	sadd.s32 s11, s2;
	[dreg:$0x10] =	wrdreg s7  }
0x1a: {  	s10 =	sadd.s32 s10, s2;
	s0 =	sadd.s32 $0xA, s17;
	[dreg:$0x8] =	wrdreg s11  }
0x1b: {  	s11 =	sadd.s32 s24, s2;
	[dreg:$0xc] =	wrdreg s10;
	s24 =	smul.u32 $0x2D00, s9  }
0x1c: {  	s8 =	sshrl.u32 s23, $0x3;
	s14 =	sadd.s32 s23, s2;
	s23 =	smul.u32 $0x2D00, s13  }
0x1d: {  	s12 =	sshrl.u32 s22, $0x3;
	s22 =	sadd.s32 s22, s2;
	[dreg:$0xa] =	wrdreg s11  }
0x1e: {  	[dreg:$0xe] =	wrdreg s14;
	s11 =	sshrl.u32 s25, $0x3;
	s25 =	smul.u32 $0x2D00, s19  }
0x1f: {  	s19 =	sadd.s32 s21, s8;
	s8 =	sadd.s32 s26, s8;
	s10 =	sshrl.u32 s24, $0x3  }
0x20: {  	s4 =	sadd.s32 s24, s2;
	s24 =	smul.u32 $0x2D00, s15;
	[dreg:$0x12] =	wrdreg s19  }
0x21: {  	s13 =	sshrl.u32 s23, $0x3;
	s23 =	sadd.s32 s23, s2;
	[dreg:$0x13] =	wrdreg s8  }
0x22: {  	s15 =	smul.u32 $0x2D00, s16;
	s19 =	sadd.s32 s21, s11;
	[dreg:$0xf] =	wrdreg s4  }
0x23: {  	s9 =	sadd.s32 s26, s11;
	s11 =	sadd.s32 s26, s12;
	[dreg:$0x16] =	wrdreg s19  }
0x24: {  	s8 =	simm.s32 $0x1;
	s7 =	sshrl.u32 s25, $0x3;
	[dreg:$0x17] =	wrdreg s9  }
0x25: {  	s25 =	sadd.s32 s25, s2;
	[dreg:$0x19] =	wrdreg s11;
	s16 =	sshrl.u32 s15, $0x3  }
0x26: {  	s4 =	sadd.s32 s15, s2;
	s15 =	sadd.s32 s21, s10;
	[dreg:$0x11] =	wrdreg s16  }
0x27: {  	s9 =	simm.s32 $0x4;
	[dreg:$0x14] =	wrdreg s15;
	s16 =	sadd.s32 s26, s10  }
0x28: {  	s11 =	simm.s32 $0xF0;
	s10 =	sadd.s32 s21, s12;
	[dreg:$0x15] =	wrdreg s16  }
0x29: {  	s14 =	sshrl.u32 s24, $0x3;
	s12 =	sadd.s32 s21, s13;
	[dreg:$0x18] =	wrdreg s10  }
0x2a: {  	s24 =	sadd.s32 s24, s2;
	s15 =	sadd.s32 s26, s13;
	[dreg:$0x1a] =	wrdreg s12  }
0x2b: {  	s19 =	sadd.s32 s26, s14;
	s13 =	simm.s32 $0x0;
	[dreg:$0x1b] =	wrdreg s15  }
.Ltmp0:
0x2c: {  	s16 =	sadd.s32 s21, s14;
	[dreg:$0x1d] =	wrdreg s19;
	(pc) =	sbr.rel .LBB2_1-.Ltmp0, $4  }
0x2d: {  	s21 =	sadd.s32 s21, s7;
	s7 =	sadd.s32 s26, s7;
	[dreg:$0x1c] =	wrdreg s16  }
0x2e: {  	s26 =	sshrl.u32 s4, $0x3;
	s4 =	simm.s32 $0x140;
	[dreg:$0x1e] =	wrdreg s21  }
0x2f: {  	s10 =	simm.s32 $0x2;
	s12 =	simm.s32 $0x3840;
	[dreg:$0x1f] =	wrdreg s7  }
0x30: {  	v0 =	vimm.f32 $0.0e+00;
	[smem:$0x7FD] =	sst s26;
	s26 =	simm.s32 $0xB40;
	s7 =	simm.s32 $0xA0  }
.LBB2_18:
0x31: {  	s21 =	sld [smem:$0x7FD]  }
0x32: {  	s16 =	rddreg [dreg:$0x11]  }
0x33: {  	s15 =	sadd.s32 s15, s16  }
0x34: {  	[hbm:s15], [sflag:s14] =	dma.local [spmem:s21], $0x5A0  }
0x35: {  	_ =	swait.ge [sflag:s28], $0x5A0  }
0x36: {  	[sflag:s28] =	ssyncset.done $0x0  }
0x37: {  	[sflag:s28] =	ssyncadd.s32 $0xFFFFFA60  }
.LBB2_19:
0x38: {  	s13 =	sadd.s32 $0x1, s13  }
0x39: {  	p3 =	sne.s32 s13, s30  }
.Ltmp1:
0x3a: {  	_ = 	snop;
	(pc) =	sbr.rel @!p3 .LBB2_20-.Ltmp1, $1  }
0x3b: {  	_ =	sdelay $0x3  }
.LBB2_1:
0x3c: {  	s14 =	simm.s32 $0x0;
	s15 =	simm.s32 $0x240  }
.LBB2_2:
0x3d: {  	p3 =	sne.s32 s15, $0xB1C0;
	[tilespmem:s14+$0xBC0] =	vst v0  }
0x3e: {  	[tilespmem:s14+$0xB40] =	vst v0  }
0x3f: {  	[tilespmem:s14+$0xB50] =	vst v0  }
0x40: {  	[tilespmem:s14+$0xB60] =	vst v0  }
.Ltmp2:
0x41: {  	[tilespmem:s14+$0xB70] =	vst v0;
	(pc) =	sbr.rel @p3 .LBB2_2-.Ltmp2, $4  }
0x42: {  	[tilespmem:s14+$0xB80] =	vst v0  }
0x43: {  	[tilespmem:s14+$0xB90] =	vst v0  }
0x44: {  	[tilespmem:s14+$0xBA0] =	vst v0  }
0x45: {  	[tilespmem:s14+$0xBB0] =	vst v0;
	s14 =	sshra.s32 s15, $0x2;
	s15 =	sadd.s32 $0x240, s15  }
0x46: {  	[tilespmem:s14+$0xBC0] =	vst v0  }
0x47: {  	[tilespmem:s14+$0xB40] =	vst v0  }
0x48: {  	[tilespmem:s14+$0xB50] =	vst v0  }
0x49: {  	[tilespmem:s14+$0xB60] =	vst v0  }
0x4a: {  	[tilespmem:s14+$0xB70] =	vst v0  }
0x4b: {  	[tilespmem:s14+$0xB80] =	vst v0  }
0x4c: {  	[tilespmem:s14+$0xB90] =	vst v0  }
0x4d: {  	[tilespmem:s14+$0xBA0] =	vst v0  }
0x4e: {  	[tilespmem:s14+$0xBB0] =	vst v0;
	s20 =	rddreg [dreg:$0x6]  }
0x4f: {  	[spmem:s20] =	stream.linear.scatter [tilespmem:s26], [sflag:$0x3], $0x2D00, $0x38;
	[tilespmem:$0x1C4D0] =	vst v63  }
0x50: {  	_ =	swait.ge [sflag:s28], $0x2D00  }
0x51: {  	[sflag:s28] =	ssyncset.done $0x0  }
0x52: {  	s21 =	rddreg [dreg:$0x7];
	[sflag:s28] =	ssyncadd.s32 $0xFFFFD300  }
0x53: {  	[spmem:s21] =	stream.linear.scatter [tilespmem:s26], [sflag:$0x3], $0x2D00, $0x38;
	[tilespmem:$0x1C4D0] =	vst v63  }
0x54: {  	_ =	swait.ge [sflag:s28], $0x2D00  }
0x55: {  	[sflag:s28] =	ssyncset.done $0x0  }
0x56: {  	s15 =	rddreg [dreg:$0x8];
	[sflag:s28] =	ssyncadd.s32 $0xFFFFD300  }
0x57: {  	[spmem:s15] =	stream.linear.scatter [tilespmem:s26], [sflag:$0x3], $0x2D00, $0x38;
	[tilespmem:$0x1C4D0] =	vst v63  }
0x58: {  	_ =	swait.ge [sflag:s28], $0x2D00  }
0x59: {  	[sflag:s28] =	ssyncset.done $0x0  }
0x5a: {  	s16 =	rddreg [dreg:$0x9];
	[sflag:s28] =	ssyncadd.s32 $0xFFFFD300  }
0x5b: {  	[spmem:s16] =	stream.linear.scatter [tilespmem:s26], [sflag:$0x3], $0x2D00, $0x38;
	[tilespmem:$0x1C4D0] =	vst v63  }
0x5c: {  	_ =	swait.ge [sflag:s28], $0x2D00  }
0x5d: {  	[sflag:s28] =	ssyncset.done $0x0  }
0x5e: {  	s19 =	rddreg [dreg:$0xa];
	[sflag:s28] =	ssyncadd.s32 $0xFFFFD300  }
0x5f: {  	[spmem:s19] =	stream.linear.scatter [tilespmem:s26], [sflag:$0x3], $0x2D00, $0x38;
	[tilespmem:$0x1C4D0] =	vst v63  }
0x60: {  	_ =	swait.ge [sflag:s28], $0x2D00  }
0x61: {  	[sflag:s28] =	ssyncset.done $0x0  }
0x62: {  	s20 =	rddreg [dreg:$0xb];
	[sflag:s28] =	ssyncadd.s32 $0xFFFFD300  }
0x63: {  	[spmem:s20] =	stream.linear.scatter [tilespmem:s26], [sflag:$0x3], $0x2D00, $0x38;
	[tilespmem:$0x1C4D0] =	vst v63  }
0x64: {  	_ =	swait.ge [sflag:s28], $0x2D00  }
0x65: {  	[sflag:s28] =	ssyncset.done $0x0  }
0x66: {  	s21 =	rddreg [dreg:$0xc];
	[sflag:s28] =	ssyncadd.s32 $0xFFFFD300  }
0x67: {  	[spmem:s21] =	stream.linear.scatter [tilespmem:s26], [sflag:$0x3], $0x2D00, $0x38;
	[tilespmem:$0x1C4D0] =	vst v63  }
0x68: {  	_ =	swait.ge [sflag:s28], $0x2D00  }
0x69: {  	[sflag:s28] =	ssyncset.done $0x0  }
0x6a: {  	s14 =	simm.s32 @!p1 $0xB40;
	s15 =	rddreg [dreg:$0xd];
	[sflag:s28] =	ssyncadd.s32 $0xFFFFD300  }
0x6b: {  	[spmem:s15] =	stream.linear.scatter @!p1 [tilespmem:s14], [sflag:$0x3], $0x2D00, $0x38;
	[tilespmem:$0x1C4D0] =	vst v63  }
0x6c: {  	s14 =	simm.s32 @!p1 $0x3  }
0x6d: {  	_ =	swait.ge @!p1 [sflag:s14], $0x2D00  }
0x6e: {  	[sflag:s14] =	ssyncset.done @!p1 $0x0  }
0x6f: {  	[sflag:s14] =	ssyncadd.s32 @!p1 $0xFFFFD300;
	s14 =	simm.s32 $0x0  }
0x70: {  	[tilespmem:s14], [sflag:$0x3] =	stream.strided.gather [hbm4b:s17+s29], $0xA0, s31, s29, $0x38;
	[tilespmem:$0x1C4D0] =	vst v63  }
0x71: {  	_ =	swait.ge [sflag:s28], $0xA0  }
0x72: {  	[sflag:s28] =	ssyncset.done $0x0  }
0x73: {  	[sflag:s28] =	ssyncadd.s32 $0xFFFFFF60  }
0x74: {  	[tilespmem:s26], [sflag:$0x1] =	stream.indirect.gather [hbm4b:s5+s29], $0x90, s14, s29, $0xb8;
	[tilespmem:$0x1C4D0] =	vst v63  }
0x75: {  	_ = 	snop  }
0x76: {  	[tilespmem:s4], [sflag:$0x1] =	stream.indirect.gather [hbm4b:s1+s29], $0x10, s29, s29, $0xb8;
	[tilespmem:$0x1C4D0] =	vst v63  }
0x77: {  	_ = 	snop  }
0x78: {  	[tilespmem:s7], [sflag:$0x3] =	stream.strided.gather [hbm4b:s0+s29], $0xA0, s31, s29, $0x38;
	[tilespmem:$0x1C4D0] =	vst v63  }
.Ltmp3:
0x79: {  	_ =	swait.ge [sflag:s28], $0xA0;
	(pc) =	sbr.rel .LBB2_4-.Ltmp3, $3  }
0x7a: {  	[sflag:s28] =	ssyncset.done $0x0  }
0x7b: {  	[sflag:s28] =	ssyncadd.s32 $0xFFFFFF60  }
0x7c: {  	[bflag:$0x0] =	sbarrier.arrive $0xFFFF;
	_ =	sdelay $0x1  }
.LBB2_13:
0x7d: {  	_ =	swait.ge [sflag:s15], $0xA0  }
0x7e: {  	[sflag:s15] =	ssyncset.done $0x0  }
0x7f: {  	[sflag:s15] =	ssyncadd.s32 $0xFFFFFF60  }
.LBB2_14:
0x80: {  	s14 =	sadd.s32 $0x1, s14  }
0x81: {  	p3 =	sne.s32 s14, $0x7D  }
.Ltmp4:
0x82: {  	_ = 	snop;
	(pc) =	sbr.rel @!p3 .LBB2_15-.Ltmp4, $1  }
0x83: {  	_ =	sdelay $0x3  }
.LBB2_4:
0x84: {  	s15 =	sand.u32 $0x1, s14  }
0x85: {  	p3 =	seq.s32 s15, $0x1  }
.Ltmp5:
0x86: {  	_ = 	snop;
	(pc) =	sbr.rel @p3 .LBB2_9-.Ltmp5, $1  }
0x87: {  	_ =	sdelay $0x3  }
0x88: {  	p3 =	seq.s32 s14, $0x7C  }
0x89: {  	s15 =	simm.s32 @!p3 $0x50;
	s16 =	simm.s32 @!p3 $0xA0;
	s19 =	simm.s32 @!p3 $0x3840  }
0x8a: {  	[tilespmem:s19], [sflag:$0x2] =	stream.indirect.gather @!p3 [hbm4b:s5+s15], $0x90, s16, s15, $0xb8;
	[tilespmem:$0x1C4D0] =	vst v63  }
0x8b: {  	s16 =	simm.s32 @!p3 $0xF0;
	s19 =	simm.s32 @!p3 $0x640  }
0x8c: {  	[tilespmem:s19], [sflag:$0x2] =	stream.indirect.gather @!p3 [hbm4b:s1+s15], $0x10, s16, s15, $0xb8;
	[tilespmem:$0x1C4D0] =	vst v63  }
0x8d: {  	_ =	swait.ge [sflag:s8], $0x2D00  }
0x8e: {  	[sflag:s8] =	ssyncset.done $0x0  }
0x8f: {  	[sflag:s8] =	ssyncadd.s32 $0xFFFFD300  }
0x90: {  	_ =	swait.ge [sflag:s8], $0x500  }
0x91: {  	[sflag:s8] =	ssyncset.done $0x0  }
0x92: {  	s16 =	simm.s32 $0xBD0;
	[sflag:s8] =	ssyncadd.s32 $0xFFFFFB00  }
0x93: {  	s21 =	simm.s32 $0x150;
	v1 =	vld [tilespmem:s16+$0x80]  }
0x94: {  	v2 =	vld [tilespmem:s21+$0x0]  }
0x95: {  	v3 =	vld [tilespmem:s21+$0xFFFFFFF0]  }
0x96: {  	v4 =	vld [tilespmem:s16+$0xFFFFFFF0]  }
0x97: {  	v18 =	vld [tilespmem:s16+$0xFFFFFF70]  }
0x98: {  	v20 =	vld [tilespmem:s16+$0xFFFFFF80]  }
0x99: {  	v21 =	vld [tilespmem:s16+$0xFFFFFF90]  }
0x9a: {  	v26 =	vld [tilespmem:s16+$0xFFFFFFA0];
	v1 =	vadd.f32 v2, v1  }
0x9b: {  	v27 =	vld [tilespmem:s16+$0xFFFFFFB0];
	v2 =	vadd.f32 v3, v4  }
0x9c: {  	v28 =	vld [tilespmem:s16+$0xFFFFFFC0];
	v3 =	vmul.f32 $2.000000030e-01, v1  }
0x9d: {  	v29 =	vld [tilespmem:s16+$0xFFFFFFD0];
	vm0 =	vge.f32 v1, $0.0e+00;
	v4 =	vmul.f32 $2.000000030e-01, v2  }
0x9e: {  	v33 =	vld [tilespmem:s16+$0xFFFFFFE0];
	vm13 =	vge.f32 v2, $0.0e+00;
	v1 =	vsel vm0, v1, v3  }
0x9f: {  	s19 =	simm.s32 $0x170;
	v34 =	vld [tilespmem:s16+$0x0];
	v2 =	vsel vm13, v2, v4;
	v1 =	vmul.f32 $1.442695020e+00, v1  }
0xa0: {  	s15 =	simm.s32 $0xCF0;
	v10 =	vld [tilespmem:s19+$0xFFFFFFF0];
	v2 =	vmul.f32 $1.442695020e+00, v2  }
0xa1: {  	v12 =	vld [tilespmem:s15+$0xFFFFFFF0];
	(erf) = vpow2.f32 v1  }
0xa2: {  	v35 =	vld [tilespmem:s16+$0x10];
	(erf) = vpow2.f32 v2  }
0xa3: {  	v6 =	vld [tilespmem:s16+$0x20]  }
0xa4: {  	v11 =	vld [tilespmem:s16+$0x50]  }
0xa5: {  	v7 =	vld [tilespmem:s16+$0x60]  }
0xa6: {  	v5 =	vld [tilespmem:s16+$0x70];
	v14 =	vadd.f32 v10, v12  }
0xa7: {  	v8 =	vld [tilespmem:s15+$0x80]  }
0xa8: {  	v9 =	vld [tilespmem:s19+$0x0];
	v23 =	vmul.f32 $2.000000030e-01, v14  }
0xa9: {  	v10 =	vld [tilespmem:s15+$0xFFFFFFC0];
	vm15 =	vge.f32 v14, $0.0e+00  }
0xaa: {  	v12 =	vld [tilespmem:s15+$0xFFFFFFD0];
	v43 =	vsel vm15, v14, v23;
	v19 =	vpop (erf)  }
0xab: {  	v3 =	vld [tilespmem:s15+$0xFFFFFF70];
	v43 =	vmul.f32 $1.442695020e+00, v43;
	v13 =	vbroadcast v19, $0x7;
	v17 =	vpop (erf)  }
0xac: {  	v4 =	vld [tilespmem:s15+$0xFFFFFF80];
	v25 =	vbroadcast v17, $0x0;
	v30 =	vbroadcast v17, $0x1  }
0xad: {  	v14 =	vld [tilespmem:s15+$0x0];
	v31 =	vbroadcast v17, $0x2;
	v15 =	vmul.f32 v5, v13;
	v13 =	vadd.f32 v9, v8  }
0xae: {  	v1 =	vld [tilespmem:s16+$0x30];
	v32 =	vbroadcast v17, $0x3;
	v38 =	vbroadcast v17, $0x4  }
0xaf: {  	v2 =	vld [tilespmem:s16+$0x40];
	v39 =	vbroadcast v17, $0x5;
	v22 =	vmul.f32 $2.000000030e-01, v13  }
0xb0: {  	v40 =	vbroadcast v17, $0x6;
	v41 =	vbroadcast v17, $0x7;
	[tilespmem:s16+$0xFFFFFFF0] =	vst v17;
	v17 =	vld [tilespmem:s15+$0x20];
	vm14 =	vge.f32 v13, $0.0e+00  }
0xb1: {  	v36 =	vbroadcast v19, $0x0;
	v37 =	vbroadcast v19, $0x1;
	v5 =	vld [tilespmem:s15+$0xFFFFFF90];
	v22 =	vsel vm14, v13, v22  }
0xb2: {  	v16 =	vbroadcast v19, $0x2;
	v8 =	vld [tilespmem:s15+$0xFFFFFFA0];
	v42 =	vmul.f32 $1.442695020e+00, v22  }
0xb3: {  	v24 =	vbroadcast v19, $0x4;
	v23 =	vbroadcast v19, $0x5;
	v9 =	vld [tilespmem:s15+$0xFFFFFFB0]  }
0xb4: {  	v61 =	vmul.f32 v25, v18;
	v18 =	vld [tilespmem:s15+$0x40];
	(erf) = vpow2.f32 v42  }
0xb5: {  	[tilespmem:s16+$0x80] =	vst v19;
	v25 =	vbroadcast v19, $0x6;
	v30 =	vmul.f32 v30, v20;
	v20 =	vld [tilespmem:s15+$0x50]  }
0xb6: {  	[tilespmem:s16+$0x70] =	vst v15;
	v22 =	vbroadcast v19, $0x3;
	v19 =	vld [tilespmem:s15+$0x30];
	(erf) = vpow2.f32 v43  }
0xb7: {  	v62 =	vmul.f32 v31, v21;
	v63 =	vmul.f32 v26, v32;
	v21 =	vld [tilespmem:s15+$0x60];
	[tilespmem:s16+$0xFFFFFF70] =	vst v61  }
0xb8: {  	v32 =	vmul.f32 v27, v38;
	v31 =	vmul.f32 v28, v39;
	v26 =	vld [tilespmem:s15+$0x70];
	[tilespmem:s16+$0xFFFFFF80] =	vst v30  }
0xb9: {  	v28 =	vmul.f32 v33, v41;
	v27 =	vmul.f32 v37, v35;
	v15 =	vld [tilespmem:s15+$0x10];
	[tilespmem:s16+$0xFFFFFF90] =	vst v62  }
0xba: {  	s20 =	simm.s32 $0x2;
	s21 =	simm.s32 $0xE10;
	v30 =	vmul.f32 v29, v40;
	[tilespmem:s16+$0xFFFFFFA0] =	vst v63;
	v29 =	vmul.f32 v36, v34;
	v13 =	vld [tilespmem:s15+$0xFFFFFFE0]  }
.LBB2_6:
0xbb: {  	v33 =	vld [tilespmem:s21+$0x80];
	s19 =	sadd.s32 $0x20, s19;
	[tilespmem:s16+$0xFFFFFFB0] =	vst v32;
	v32 =	vmul.f32 v16, v6;
	v22 =	vmul.f32 v1, v22;
	v6 =	vmovc v17;
	v1 =	vmov v19  }
0xbc: {  	s20 =	sadd.s32 $0x2, s20;
	v19 =	vmul.f32 v2, v24;
	v23 =	vmul.f32 v11, v23;
	v17 =	vld [tilespmem:s19+$0x0];
	[tilespmem:s16+$0xFFFFFFC0] =	vst v31;
	v2 =	vmov v18  }
0xbd: {  	v24 =	vmul.f32 v7, v25;
	p3 =	slt.u32 s20, $0x4E;
	v18 =	vld [tilespmem:s19+$0xFFFFFFF0];
	v31 =	vpop (erf);
	[tilespmem:s16+$0xFFFFFFD0] =	vst v30;
	v11 =	vmov v20  }
0xbe: {  	v20 =	vld [tilespmem:s21+$0xFFFFFFF0];
	v34 =	vbroadcast v31, $0x0;
	v25 =	vbroadcast v31, $0x7;
	[tilespmem:s16+$0xFFFFFFE0] =	vst v28;
	v7 =	vmov v21  }
0xbf: {  	v35 =	vbroadcast v31, $0x1;
	v16 =	vbroadcast v31, $0x2;
	v21 =	vld [tilespmem:s21+$0xFFFFFF70];
	v28 =	vpop (erf);
	[tilespmem:s16+$0x0] =	vst v29  }
0xc0: {  	v29 =	vld [tilespmem:s21+$0xFFFFFF80];
	v30 =	vbroadcast v28, $0x0;
	v25 =	vmul.f32 v26, v25;
	[tilespmem:s16+$0x10] =	vst v27  }
0xc1: {  	v27 =	vbroadcast v28, $0x1;
	v26 =	vld [tilespmem:s21+$0xFFFFFF90];
	v17 =	vadd.f32 v17, v33;
	v33 =	vbroadcast v28, $0x2;
	[tilespmem:s16+$0x20] =	vst v32  }
0xc2: {  	v36 =	vbroadcast v28, $0x3;
	v37 =	vbroadcast v28, $0x4;
	v32 =	vld [tilespmem:s21+$0xFFFFFFA0];
	[tilespmem:s15+$0x70] =	vst v25  }
0xc3: {  	v39 =	vbroadcast v28, $0x5;
	v18 =	vadd.f32 v18, v20;
	v38 =	vld [tilespmem:s21+$0xFFFFFFB0];
	v20 =	vmul.f32 $2.000000030e-01, v17;
	[tilespmem:s16+$0x30] =	vst v22  }
0xc4: {  	v41 =	vbroadcast v28, $0x6;
	v42 =	vbroadcast v28, $0x7;
	vm0 =	vge.f32 v17, $0.0e+00;
	v40 =	vld [tilespmem:s21+$0xFFFFFFC0];
	[tilespmem:s16+$0x40] =	vst v19  }
0xc5: {  	vm1 =	vge.f32 v18, $0.0e+00;
	v19 =	vmul.f32 $2.000000030e-01, v18;
	v43 =	vld [tilespmem:s21+$0xFFFFFFD0];
	v17 =	vsel vm0, v17, v20;
	[tilespmem:s16+$0x50] =	vst v23  }
0xc6: {  	v22 =	vbroadcast v31, $0x3;
	v44 =	vld [tilespmem:s21+$0xFFFFFFE0];
	v17 =	vmul.f32 $1.442695020e+00, v17;
	[tilespmem:s16+$0x60] =	vst v24;
	s16 =	smov.u32 s15;
	s15 =	smov.u32 s21  }
0xc7: {  	v23 =	vbroadcast v31, $0x5;
	v24 =	vbroadcast v31, $0x4;
	v18 =	vsel vm1, v18, v19;
	v45 =	vld [tilespmem:s21+$0x0];
	[tilespmem:s16+$0xFFFFFFF0] =	vst v28  }
0xc8: {  	v18 =	vmul.f32 $1.442695020e+00, v18;
	v46 =	vld [tilespmem:s21+$0x10];
	(erf) = vpow2.f32 v17;
	[tilespmem:s16+$0x80] =	vst v31  }
0xc9: {  	v25 =	vbroadcast v31, $0x6;
	v20 =	vmul.f32 v30, v3;
	v3 =	vmov v21;
	v17 =	vld [tilespmem:s21+$0x20]  }
.Ltmp6:
0xca: {  	v21 =	vmul.f32 v27, v4;
	v4 =	vmov v29;
	v19 =	vld [tilespmem:s21+$0x30];
	(erf) = vpow2.f32 v18;
	(pc) =	sbr.rel @p3 .LBB2_6-.Ltmp6, $4  }
0xcb: {  	v27 =	vmul.f32 v33, v5;
	v29 =	vmul.f32 v8, v36;
	v5 =	vmovc v26;
	v8 =	vmov v32;
	v18 =	vld [tilespmem:s21+$0x40];
	[tilespmem:s16+$0xFFFFFF70] =	vst v20  }
0xcc: {  	v32 =	vmul.f32 v9, v37;
	v31 =	vmul.f32 v10, v39;
	v9 =	vmovc v38;
	v10 =	vmov v40;
	v20 =	vld [tilespmem:s21+$0x50];
	[tilespmem:s16+$0xFFFFFF80] =	vst v21  }
0xcd: {  	v30 =	vmul.f32 v12, v41;
	v28 =	vmul.f32 v13, v42;
	v12 =	vmovc v43;
	v13 =	vmov v44;
	v21 =	vld [tilespmem:s21+$0x60];
	[tilespmem:s16+$0xFFFFFF90] =	vst v27  }
0xce: {  	s21 =	sadd.s32 $0x120, s21;
	v27 =	vmul.f32 v35, v15;
	v15 =	vmovc v46;
	v26 =	vld [tilespmem:s15+$0x70];
	[tilespmem:s16+$0xFFFFFFA0] =	vst v29;
	v29 =	vmul.f32 v34, v14;
	v14 =	vmov v45  }
0xcf: {  	[tilespmem:s16+$0xFFFFFFB0] =	vst v32  }
0xd0: {  	[tilespmem:s16+$0xFFFFFFC0] =	vst v31  }
0xd1: {  	[tilespmem:s16+$0xFFFFFFD0] =	vst v30  }
0xd2: {  	[tilespmem:s16+$0xFFFFFFE0] =	vst v28  }
0xd3: {  	v6 =	vmul.f32 v16, v6;
	[tilespmem:s16+$0x0] =	vst v29  }
0xd4: {  	v1 =	vmul.f32 v1, v22;
	[tilespmem:s16+$0x10] =	vst v27  }
0xd5: {  	v2 =	vmul.f32 v2, v24;
	[tilespmem:s16+$0x20] =	vst v6  }
0xd6: {  	v55 =	vmul.f32 v11, v23;
	[tilespmem:s16+$0x30] =	vst v1  }
0xd7: {  	v52 =	vpop (erf);
	[tilespmem:s16+$0x40] =	vst v2  }
0xd8: {  	v1 =	vmul.f32 v7, v25;
	[tilespmem:s16+$0x50] =	vst v55;
	v53 =	vbroadcast v52, $0x7;
	v56 =	vpop (erf)  }
0xd9: {  	[tilespmem:s15+$0x80] =	vst v52;
	v2 =	vbroadcast v56, $0x0  }
0xda: {  	[tilespmem:s16+$0x60] =	vst v1;
	v54 =	vmul.f32 v26, v53;
	v57 =	vbroadcast v56, $0x1  }
0xdb: {  	v1 =	vbroadcast v56, $0x2;
	[tilespmem:s15+$0xFFFFFFF0] =	vst v56;
	v2 =	vmul.f32 v2, v3  }
0xdc: {  	v58 =	vbroadcast v56, $0x4;
	[tilespmem:s15+$0x70] =	vst v54;
	v4 =	vmul.f32 v57, v4  }
0xdd: {  	v61 =	vbroadcast v52, $0x1;
	v1 =	vmul.f32 v1, v5;
	[tilespmem:s15+$0xFFFFFF70] =	vst v2  }
0xde: {  	v3 =	vbroadcast v56, $0x3;
	v60 =	vmul.f32 v9, v58;
	[tilespmem:s15+$0xFFFFFF80] =	vst v4  }
0xdf: {  	v59 =	vbroadcast v56, $0x6;
	v5 =	vmul.f32 v61, v15;
	[tilespmem:s15+$0xFFFFFF90] =	vst v1  }
0xe0: {  	v2 =	vbroadcast v56, $0x5;
	v3 =	vmul.f32 v8, v3;
	[tilespmem:s15+$0xFFFFFFB0] =	vst v60  }
0xe1: {  	v1 =	vbroadcast v56, $0x7;
	v4 =	vmul.f32 v12, v59;
	[tilespmem:s15+$0x10] =	vst v5  }
0xe2: {  	v2 =	vmul.f32 v10, v2;
	[tilespmem:s15+$0xFFFFFFA0] =	vst v3;
	v3 =	vbroadcast v52, $0x0  }
0xe3: {  	v62 =	vbroadcast v52, $0x3;
	v1 =	vmul.f32 v13, v1;
	[tilespmem:s15+$0xFFFFFFD0] =	vst v4  }
0xe4: {  	[tilespmem:s15+$0xFFFFFFC0] =	vst v2;
	v2 =	vbroadcast v52, $0x2;
	v3 =	vmul.f32 v3, v14  }
0xe5: {  	v4 =	vmul.f32 v19, v62;
	[tilespmem:s15+$0xFFFFFFE0] =	vst v1;
	v1 =	vbroadcast v52, $0x4  }
0xe6: {  	v2 =	vmul.f32 v2, v17;
	[tilespmem:s15+$0x0] =	vst v3;
	v3 =	vbroadcast v52, $0x5  }
0xe7: {  	v63 =	vbroadcast v52, $0x6;
	[tilespmem:s15+$0x30] =	vst v4;
	v1 =	vmul.f32 v18, v1  }
0xe8: {  	[tilespmem:s15+$0x20] =	vst v2;
	v2 =	vmul.f32 v20, v3  }
0xe9: {  	v3 =	vmul.f32 v21, v63;
	[tilespmem:s15+$0x40] =	vst v1  }
0xea: {  	p3 =	sgt.u32 s14, $0x7A;
	[tilespmem:s15+$0x50] =	vst v2  }
.Ltmp7:
0xeb: {  	[tilespmem:s15+$0x60] =	vst v3;
	(pc) =	sbr.rel @p3 .LBB2_14-.Ltmp7, $4  }
0xec: {  	[spmem:s2] =	stream.indirect.scatter.add.f32 [tilespmem:s26], [sflag:$0x4], $0x90, s29, s29, $0xb8;
	[tilespmem:$0x1C4D0] =	vst v63  }
0xed: {  	_ =	swait.ge [sflag:s9], $0x2D00  }
0xee: {  	[sflag:s9] =	ssyncset.done $0x0  }
0xef: {  	[sflag:s9] =	ssyncadd.s32 $0xFFFFD300  }
0xf0: {  	s15 =	smul.u32 $0x50, s14;
	_ =	sdelay $0x1  }
.Ltmp8:
0xf1: {  	s15 =	sadd.s32 s15, s18;
	(pc) =	sbr.rel .LBB2_13-.Ltmp8, $4  }
0xf2: {  	s15 =	sshrl.u32 s15, $0x3  }
0xf3: {  	s15 =	sadd.s32 s6, s15  }
0xf4: {  	[tilespmem:s3], [sflag:$0x4] =	stream.strided.gather [hbm4b:s15+s29], $0xA0, s31, s29, $0x38;
	[tilespmem:$0x1C4D0] =	vst v63  }
0xf5: {  	s15 =	simm.s32 $0x4  }
.LBB2_9:
0xf6: {  	[tilespmem:s26], [sflag:$0x1] =	stream.indirect.gather [hbm4b:s5+s29], $0x90, s3, s29, $0xb8;
	[tilespmem:$0x1C4D0] =	vst v63  }
0xf7: {  	_ = 	snop  }
0xf8: {  	[tilespmem:s4], [sflag:$0x1] =	stream.indirect.gather [hbm4b:s1+s29], $0x10, s29, s29, $0xb8;
	[tilespmem:$0x1C4D0] =	vst v63  }
0xf9: {  	_ =	swait.ge [sflag:s10], $0x2D00  }
0xfa: {  	[sflag:s10] =	ssyncset.done $0x0  }
0xfb: {  	[sflag:s10] =	ssyncadd.s32 $0xFFFFD300  }
0xfc: {  	_ =	swait.ge [sflag:s10], $0x500  }
0xfd: {  	[sflag:s10] =	ssyncset.done $0x0  }
0xfe: {  	s16 =	simm.s32 $0x38D0;
	[sflag:s10] =	ssyncadd.s32 $0xFFFFFB00  }
0xff: {  	s15 =	simm.s32 $0x650;
	v1 =	vld [tilespmem:s16+$0x80]  }
0x100: {  	v2 =	vld [tilespmem:s15+$0x0]  }
0x101: {  	v3 =	vld [tilespmem:s15+$0xFFFFFFF0]  }
0x102: {  	v4 =	vld [tilespmem:s16+$0xFFFFFFF0]  }
0x103: {  	v18 =	vld [tilespmem:s16+$0xFFFFFF70]  }
0x104: {  	v20 =	vld [tilespmem:s16+$0xFFFFFF80]  }
0x105: {  	v21 =	vld [tilespmem:s16+$0xFFFFFF90]  }
0x106: {  	v26 =	vld [tilespmem:s16+$0xFFFFFFA0];
	v1 =	vadd.f32 v2, v1  }
0x107: {  	v27 =	vld [tilespmem:s16+$0xFFFFFFB0];
	v2 =	vadd.f32 v3, v4  }
0x108: {  	v28 =	vld [tilespmem:s16+$0xFFFFFFC0];
	v3 =	vmul.f32 $2.000000030e-01, v1  }
0x109: {  	v29 =	vld [tilespmem:s16+$0xFFFFFFD0];
	vm0 =	vge.f32 v1, $0.0e+00;
	v4 =	vmul.f32 $2.000000030e-01, v2  }
0x10a: {  	v33 =	vld [tilespmem:s16+$0xFFFFFFE0];
	vm13 =	vge.f32 v2, $0.0e+00;
	v1 =	vsel vm0, v1, v3  }
0x10b: {  	s19 =	simm.s32 $0x670;
	v34 =	vld [tilespmem:s16+$0x0];
	v2 =	vsel vm13, v2, v4;
	v1 =	vmul.f32 $1.442695020e+00, v1  }
0x10c: {  	s15 =	simm.s32 $0x39F0;
	v10 =	vld [tilespmem:s19+$0xFFFFFFF0];
	v2 =	vmul.f32 $1.442695020e+00, v2  }
0x10d: {  	v12 =	vld [tilespmem:s15+$0xFFFFFFF0];
	(erf) = vpow2.f32 v1  }
0x10e: {  	v35 =	vld [tilespmem:s16+$0x10];
	(erf) = vpow2.f32 v2  }
0x10f: {  	v6 =	vld [tilespmem:s16+$0x20]  }
0x110: {  	v11 =	vld [tilespmem:s16+$0x50]  }
0x111: {  	v7 =	vld [tilespmem:s16+$0x60]  }
0x112: {  	v5 =	vld [tilespmem:s16+$0x70];
	v14 =	vadd.f32 v10, v12  }
0x113: {  	v9 =	vld [tilespmem:s19+$0x0]  }
0x114: {  	v8 =	vld [tilespmem:s15+$0x80];
	v23 =	vmul.f32 $2.000000030e-01, v14  }
0x115: {  	v10 =	vld [tilespmem:s15+$0xFFFFFFC0];
	vm15 =	vge.f32 v14, $0.0e+00  }
0x116: {  	v12 =	vld [tilespmem:s15+$0xFFFFFFD0];
	v43 =	vsel vm15, v14, v23;
	v19 =	vpop (erf)  }
0x117: {  	v3 =	vld [tilespmem:s15+$0xFFFFFF70];
	v43 =	vmul.f32 $1.442695020e+00, v43;
	v13 =	vbroadcast v19, $0x7;
	v17 =	vpop (erf)  }
0x118: {  	v4 =	vld [tilespmem:s15+$0xFFFFFF80];
	v25 =	vbroadcast v17, $0x0;
	v30 =	vbroadcast v17, $0x1  }
0x119: {  	v14 =	vld [tilespmem:s15+$0x0];
	v31 =	vbroadcast v17, $0x2;
	v15 =	vmul.f32 v5, v13;
	v13 =	vadd.f32 v9, v8  }
0x11a: {  	v1 =	vld [tilespmem:s16+$0x30];
	v32 =	vbroadcast v17, $0x3;
	v38 =	vbroadcast v17, $0x4  }
0x11b: {  	v2 =	vld [tilespmem:s16+$0x40];
	v39 =	vbroadcast v17, $0x5;
	v22 =	vmul.f32 $2.000000030e-01, v13  }
0x11c: {  	v40 =	vbroadcast v17, $0x6;
	v41 =	vbroadcast v17, $0x7;
	[tilespmem:s16+$0xFFFFFFF0] =	vst v17;
	v17 =	vld [tilespmem:s15+$0x20];
	vm14 =	vge.f32 v13, $0.0e+00  }
0x11d: {  	v36 =	vbroadcast v19, $0x0;
	v37 =	vbroadcast v19, $0x1;
	v5 =	vld [tilespmem:s15+$0xFFFFFF90];
	v22 =	vsel vm14, v13, v22  }
0x11e: {  	v16 =	vbroadcast v19, $0x2;
	v8 =	vld [tilespmem:s15+$0xFFFFFFA0];
	v42 =	vmul.f32 $1.442695020e+00, v22  }
0x11f: {  	v24 =	vbroadcast v19, $0x4;
	v23 =	vbroadcast v19, $0x5;
	v9 =	vld [tilespmem:s15+$0xFFFFFFB0]  }
0x120: {  	v61 =	vmul.f32 v25, v18;
	v18 =	vld [tilespmem:s15+$0x40];
	(erf) = vpow2.f32 v42  }
0x121: {  	[tilespmem:s16+$0x80] =	vst v19;
	v25 =	vbroadcast v19, $0x6;
	v30 =	vmul.f32 v30, v20;
	v20 =	vld [tilespmem:s15+$0x50]  }
0x122: {  	[tilespmem:s16+$0x70] =	vst v15;
	v22 =	vbroadcast v19, $0x3;
	v19 =	vld [tilespmem:s15+$0x30];
	(erf) = vpow2.f32 v43  }
0x123: {  	v62 =	vmul.f32 v31, v21;
	v63 =	vmul.f32 v26, v32;
	v21 =	vld [tilespmem:s15+$0x60];
	[tilespmem:s16+$0xFFFFFF70] =	vst v61  }
0x124: {  	v32 =	vmul.f32 v27, v38;
	v31 =	vmul.f32 v28, v39;
	v26 =	vld [tilespmem:s15+$0x70];
	[tilespmem:s16+$0xFFFFFF80] =	vst v30  }
0x125: {  	v28 =	vmul.f32 v33, v41;
	v27 =	vmul.f32 v37, v35;
	v15 =	vld [tilespmem:s15+$0x10];
	[tilespmem:s16+$0xFFFFFF90] =	vst v62  }
0x126: {  	s20 =	simm.s32 $0x2;
	s21 =	simm.s32 $0x3B10;
	v30 =	vmul.f32 v29, v40;
	[tilespmem:s16+$0xFFFFFFA0] =	vst v63;
	v29 =	vmul.f32 v36, v34;
	v13 =	vld [tilespmem:s15+$0xFFFFFFE0]  }
.LBB2_10:
0x127: {  	v33 =	vld [tilespmem:s21+$0x80];
	s19 =	sadd.s32 $0x20, s19;
	[tilespmem:s16+$0xFFFFFFB0] =	vst v32;
	v32 =	vmul.f32 v16, v6;
	v22 =	vmul.f32 v1, v22;
	v6 =	vmovc v17;
	v1 =	vmov v19  }
0x128: {  	s20 =	sadd.s32 $0x2, s20;
	v19 =	vmul.f32 v2, v24;
	v23 =	vmul.f32 v11, v23;
	v17 =	vld [tilespmem:s19+$0x0];
	[tilespmem:s16+$0xFFFFFFC0] =	vst v31;
	v2 =	vmov v18  }
0x129: {  	v24 =	vmul.f32 v7, v25;
	p3 =	slt.u32 s20, $0x4E;
	v18 =	vld [tilespmem:s19+$0xFFFFFFF0];
	v31 =	vpop (erf);
	[tilespmem:s16+$0xFFFFFFD0] =	vst v30;
	v11 =	vmov v20  }
0x12a: {  	v20 =	vld [tilespmem:s21+$0xFFFFFFF0];
	v34 =	vbroadcast v31, $0x0;
	v25 =	vbroadcast v31, $0x7;
	[tilespmem:s16+$0xFFFFFFE0] =	vst v28;
	v7 =	vmov v21  }
0x12b: {  	v35 =	vbroadcast v31, $0x1;
	v16 =	vbroadcast v31, $0x2;
	v21 =	vld [tilespmem:s21+$0xFFFFFF70];
	v28 =	vpop (erf);
	[tilespmem:s16+$0x0] =	vst v29  }
0x12c: {  	v29 =	vld [tilespmem:s21+$0xFFFFFF80];
	v30 =	vbroadcast v28, $0x0;
	v25 =	vmul.f32 v26, v25;
	[tilespmem:s16+$0x10] =	vst v27  }
0x12d: {  	v27 =	vbroadcast v28, $0x1;
	v26 =	vld [tilespmem:s21+$0xFFFFFF90];
	v17 =	vadd.f32 v17, v33;
	v33 =	vbroadcast v28, $0x2;
	[tilespmem:s16+$0x20] =	vst v32  }
0x12e: {  	v36 =	vbroadcast v28, $0x3;
	v37 =	vbroadcast v28, $0x4;
	v32 =	vld [tilespmem:s21+$0xFFFFFFA0];
	[tilespmem:s15+$0x70] =	vst v25  }
0x12f: {  	v39 =	vbroadcast v28, $0x5;
	v18 =	vadd.f32 v18, v20;
	v38 =	vld [tilespmem:s21+$0xFFFFFFB0];
	v20 =	vmul.f32 $2.000000030e-01, v17;
	[tilespmem:s16+$0x30] =	vst v22  }
0x130: {  	v41 =	vbroadcast v28, $0x6;
	v42 =	vbroadcast v28, $0x7;
	vm0 =	vge.f32 v17, $0.0e+00;
	v40 =	vld [tilespmem:s21+$0xFFFFFFC0];
	[tilespmem:s16+$0x40] =	vst v19  }
0x131: {  	vm1 =	vge.f32 v18, $0.0e+00;
	v19 =	vmul.f32 $2.000000030e-01, v18;
	v43 =	vld [tilespmem:s21+$0xFFFFFFD0];
	v17 =	vsel vm0, v17, v20;
	[tilespmem:s16+$0x50] =	vst v23  }
0x132: {  	v22 =	vbroadcast v31, $0x3;
	v44 =	vld [tilespmem:s21+$0xFFFFFFE0];
	v17 =	vmul.f32 $1.442695020e+00, v17;
	[tilespmem:s16+$0x60] =	vst v24;
	s16 =	smov.u32 s15;
	s15 =	smov.u32 s21  }
0x133: {  	v23 =	vbroadcast v31, $0x5;
	v24 =	vbroadcast v31, $0x4;
	v18 =	vsel vm1, v18, v19;
	v45 =	vld [tilespmem:s21+$0x0];
	[tilespmem:s16+$0xFFFFFFF0] =	vst v28  }
0x134: {  	v18 =	vmul.f32 $1.442695020e+00, v18;
	v46 =	vld [tilespmem:s21+$0x10];
	(erf) = vpow2.f32 v17;
	[tilespmem:s16+$0x80] =	vst v31  }
0x135: {  	v25 =	vbroadcast v31, $0x6;
	v20 =	vmul.f32 v30, v3;
	v3 =	vmov v21;
	v17 =	vld [tilespmem:s21+$0x20]  }
.Ltmp9:
0x136: {  	v21 =	vmul.f32 v27, v4;
	v4 =	vmov v29;
	v19 =	vld [tilespmem:s21+$0x30];
	(erf) = vpow2.f32 v18;
	(pc) =	sbr.rel @p3 .LBB2_10-.Ltmp9, $4  }
0x137: {  	v27 =	vmul.f32 v33, v5;
	v29 =	vmul.f32 v8, v36;
	v5 =	vmovc v26;
	v8 =	vmov v32;
	v18 =	vld [tilespmem:s21+$0x40];
	[tilespmem:s16+$0xFFFFFF70] =	vst v20  }
0x138: {  	v32 =	vmul.f32 v9, v37;
	v31 =	vmul.f32 v10, v39;
	v9 =	vmovc v38;
	v10 =	vmov v40;
	v20 =	vld [tilespmem:s21+$0x50];
	[tilespmem:s16+$0xFFFFFF80] =	vst v21  }
0x139: {  	v30 =	vmul.f32 v12, v41;
	v28 =	vmul.f32 v13, v42;
	v12 =	vmovc v43;
	v13 =	vmov v44;
	v21 =	vld [tilespmem:s21+$0x60];
	[tilespmem:s16+$0xFFFFFF90] =	vst v27  }
0x13a: {  	s21 =	sadd.s32 $0x120, s21;
	v27 =	vmul.f32 v35, v15;
	v15 =	vmovc v46;
	v26 =	vld [tilespmem:s15+$0x70];
	[tilespmem:s16+$0xFFFFFFA0] =	vst v29;
	v29 =	vmul.f32 v34, v14;
	v14 =	vmov v45  }
0x13b: {  	[tilespmem:s16+$0xFFFFFFB0] =	vst v32  }
0x13c: {  	[tilespmem:s16+$0xFFFFFFC0] =	vst v31  }
0x13d: {  	[tilespmem:s16+$0xFFFFFFD0] =	vst v30  }
0x13e: {  	[tilespmem:s16+$0xFFFFFFE0] =	vst v28  }
0x13f: {  	v6 =	vmul.f32 v16, v6;
	[tilespmem:s16+$0x0] =	vst v29  }
0x140: {  	v1 =	vmul.f32 v1, v22;
	[tilespmem:s16+$0x10] =	vst v27  }
0x141: {  	v2 =	vmul.f32 v2, v24;
	[tilespmem:s16+$0x20] =	vst v6  }
0x142: {  	v55 =	vmul.f32 v11, v23;
	[tilespmem:s16+$0x30] =	vst v1  }
0x143: {  	v52 =	vpop (erf);
	[tilespmem:s16+$0x40] =	vst v2  }
0x144: {  	v1 =	vmul.f32 v7, v25;
	[tilespmem:s16+$0x50] =	vst v55;
	v53 =	vbroadcast v52, $0x7;
	v56 =	vpop (erf)  }
0x145: {  	[tilespmem:s15+$0x80] =	vst v52;
	v2 =	vbroadcast v56, $0x0  }
0x146: {  	[tilespmem:s16+$0x60] =	vst v1;
	v54 =	vmul.f32 v26, v53;
	v57 =	vbroadcast v56, $0x1  }
0x147: {  	v1 =	vbroadcast v56, $0x2;
	[tilespmem:s15+$0xFFFFFFF0] =	vst v56;
	v2 =	vmul.f32 v2, v3  }
0x148: {  	v58 =	vbroadcast v56, $0x4;
	[tilespmem:s15+$0x70] =	vst v54;
	v4 =	vmul.f32 v57, v4  }
0x149: {  	v61 =	vbroadcast v52, $0x1;
	v1 =	vmul.f32 v1, v5;
	[tilespmem:s15+$0xFFFFFF70] =	vst v2  }
0x14a: {  	v3 =	vbroadcast v56, $0x3;
	v60 =	vmul.f32 v9, v58;
	[tilespmem:s15+$0xFFFFFF80] =	vst v4  }
0x14b: {  	v59 =	vbroadcast v56, $0x6;
	v5 =	vmul.f32 v61, v15;
	[tilespmem:s15+$0xFFFFFF90] =	vst v1  }
0x14c: {  	v2 =	vbroadcast v56, $0x5;
	v3 =	vmul.f32 v8, v3;
	[tilespmem:s15+$0xFFFFFFB0] =	vst v60  }
0x14d: {  	v1 =	vbroadcast v56, $0x7;
	v4 =	vmul.f32 v12, v59;
	[tilespmem:s15+$0x10] =	vst v5  }
0x14e: {  	v2 =	vmul.f32 v10, v2;
	[tilespmem:s15+$0xFFFFFFA0] =	vst v3;
	v3 =	vbroadcast v52, $0x0  }
0x14f: {  	v62 =	vbroadcast v52, $0x3;
	v1 =	vmul.f32 v13, v1;
	[tilespmem:s15+$0xFFFFFFD0] =	vst v4  }
0x150: {  	[tilespmem:s15+$0xFFFFFFC0] =	vst v2;
	v2 =	vbroadcast v52, $0x2;
	v3 =	vmul.f32 v3, v14  }
0x151: {  	v4 =	vmul.f32 v19, v62;
	[tilespmem:s15+$0xFFFFFFE0] =	vst v1;
	v1 =	vbroadcast v52, $0x4  }
0x152: {  	v2 =	vmul.f32 v2, v17;
	[tilespmem:s15+$0x0] =	vst v3;
	v3 =	vbroadcast v52, $0x5  }
0x153: {  	v63 =	vbroadcast v52, $0x6;
	[tilespmem:s15+$0x30] =	vst v4;
	v1 =	vmul.f32 v18, v1  }
0x154: {  	[tilespmem:s15+$0x20] =	vst v2;
	v2 =	vmul.f32 v20, v3  }
0x155: {  	v3 =	vmul.f32 v21, v63;
	[tilespmem:s15+$0x40] =	vst v1  }
0x156: {  	p3 =	sgt.u32 s14, $0x7A;
	[tilespmem:s15+$0x50] =	vst v2  }
.Ltmp10:
0x157: {  	[tilespmem:s15+$0x60] =	vst v3;
	(pc) =	sbr.rel @p3 .LBB2_14-.Ltmp10, $4  }
0x158: {  	[spmem:s2] =	stream.indirect.scatter.add.f32 [tilespmem:s12], [sflag:$0x4], $0x90, s11, s29, $0xb8;
	[tilespmem:$0x1C4D0] =	vst v63  }
0x159: {  	_ =	swait.ge [sflag:s9], $0x2D00  }
0x15a: {  	[sflag:s9] =	ssyncset.done $0x0  }
0x15b: {  	[sflag:s9] =	ssyncadd.s32 $0xFFFFD300  }
0x15c: {  	s15 =	smul.u32 $0x50, s14;
	_ =	sdelay $0x1  }
.Ltmp11:
0x15d: {  	s15 =	sadd.s32 s15, s18;
	(pc) =	sbr.rel .LBB2_13-.Ltmp11, $4  }
0x15e: {  	s15 =	sshrl.u32 s15, $0x3  }
0x15f: {  	s15 =	sadd.s32 s6, s15  }
0x160: {  	[tilespmem:s7], [sflag:$0x3] =	stream.strided.gather [hbm4b:s15+s29], $0xA0, s31, s29, $0x38;
	[tilespmem:$0x1C4D0] =	vst v63  }
0x161: {  	s15 =	simm.s32 $0x3  }
.LBB2_15:
.Ltmp12:
0x162: {  	(pc) =	sbr.rel @!p0 .LBB2_16-.Ltmp12, $4  }
0x163: {  	_ = 	snop  }
0x164: {  	s14 =	stileid.u32;
	[bflag:$0x0] =	sbarrier.arrive $0xFFFF  }
0x165: {  	s16 =	sshll.u32 s14, $0x6;
	s21 =	rddreg [dreg:$0xe]  }
0x166: {  	s15 =	sshrl.u32 s21, $0x3;
	s14 =	sor.u32 $0x1C03, s16  }
0x167: {  	s14 =	sor.u32 $0x1C03, s16;
	s21 =	rddreg [dreg:$0x13]  }
0x168: {  	[hbm:s21], [sflag:s14] =	dma.local [spmem:s15], $0x5A0  }
0x169: {  	_ =	swait.ge [sflag:s28], $0x5A0  }
0x16a: {  	[sflag:s28] =	ssyncset.done $0x0;
	s16 =	rddreg [dreg:$0xf]  }
0x16b: {  	s19 =	rddreg [dreg:$0x15];
	[sflag:s28] =	ssyncadd.s32 $0xFFFFFA60;
	s15 =	sshrl.u32 s16, $0x3  }
0x16c: {  	[hbm:s19], [sflag:s14] =	dma.local [spmem:s15], $0x5A0  }
0x16d: {  	_ =	swait.ge [sflag:s28], $0x5A0  }
0x16e: {  	[sflag:s28] =	ssyncset.done $0x0;
	s20 =	rddreg [dreg:$0x10]  }
0x16f: {  	s21 =	rddreg [dreg:$0x17];
	[sflag:s28] =	ssyncadd.s32 $0xFFFFFA60;
	s15 =	sshrl.u32 s20, $0x3  }
0x170: {  	[hbm:s21], [sflag:s14] =	dma.local [spmem:s15], $0x5A0  }
0x171: {  	_ =	swait.ge [sflag:s28], $0x5A0  }
0x172: {  	[sflag:s28] =	ssyncset.done $0x0  }
0x173: {  	s16 =	sshrl.u32 s22, $0x3;
	s19 =	rddreg [dreg:$0x19];
	[sflag:s28] =	ssyncadd.s32 $0xFFFFFA60  }
0x174: {  	[hbm:s19], [sflag:s14] =	dma.local [spmem:s16], $0x5A0  }
0x175: {  	_ =	swait.ge [sflag:s28], $0x5A0  }
0x176: {  	[sflag:s28] =	ssyncset.done $0x0  }
0x177: {  	s20 =	sshrl.u32 s23, $0x3;
	s21 =	rddreg [dreg:$0x1b];
	[sflag:s28] =	ssyncadd.s32 $0xFFFFFA60  }
0x178: {  	[hbm:s21], [sflag:s14] =	dma.local [spmem:s20], $0x5A0  }
0x179: {  	_ =	swait.ge [sflag:s28], $0x5A0  }
0x17a: {  	[sflag:s28] =	ssyncset.done $0x0  }
0x17b: {  	s16 =	sshrl.u32 s24, $0x3;
	s19 =	rddreg [dreg:$0x1d];
	[sflag:s28] =	ssyncadd.s32 $0xFFFFFA60  }
0x17c: {  	[hbm:s19], [sflag:s14] =	dma.local [spmem:s16], $0x5A0  }
0x17d: {  	_ =	swait.ge [sflag:s28], $0x5A0  }
0x17e: {  	[sflag:s28] =	ssyncset.done $0x0  }
0x17f: {  	s20 =	sshrl.u32 s25, $0x3;
	s21 =	rddreg [dreg:$0x1f];
	[sflag:s28] =	ssyncadd.s32 $0xFFFFFA60  }
0x180: {  	[hbm:s21], [sflag:s14] =	dma.local [spmem:s20], $0x5A0  }
.Ltmp13:
0x181: {  	_ = 	snop;
	(pc) =	sbr.rel @p1 .LBB2_19-.Ltmp13, $4  }
.Ltmp14:
0x182: {  	_ = 	snop;
	(pc) =	sbr.rel @!p1 .LBB2_18-.Ltmp14, $4  }
0x183: {  	_ =	swait.ge [sflag:s28], $0x5A0  }
0x184: {  	[sflag:s28] =	ssyncset.done $0x0  }
0x185: {  	s15 =	rddreg [dreg:$0x5];
	[sflag:s28] =	ssyncadd.s32 $0xFFFFFA60  }
0x186: {  	_ = 	snop  }
.LBB2_16:
0x187: {  	s16 =	rddreg [dreg:$0x12]  }
0x188: {  	[hbm:s16], [sflag:s14] =	dma.local [spmem:s15], $0x5A0  }
0x189: {  	_ =	swait.ge [sflag:s28], $0x5A0  }
0x18a: {  	[sflag:s28] =	ssyncset.done $0x0;
	s16 =	rddreg [dreg:$0xf]  }
0x18b: {  	s19 =	rddreg [dreg:$0x14];
	[sflag:s28] =	ssyncadd.s32 $0xFFFFFA60;
	s15 =	sshrl.u32 s16, $0x3  }
0x18c: {  	[hbm:s19], [sflag:s14] =	dma.local [spmem:s15], $0x5A0  }
0x18d: {  	_ =	swait.ge [sflag:s28], $0x5A0  }
0x18e: {  	[sflag:s28] =	ssyncset.done $0x0;
	s20 =	rddreg [dreg:$0x10]  }
0x18f: {  	s21 =	rddreg [dreg:$0x16];
	[sflag:s28] =	ssyncadd.s32 $0xFFFFFA60;
	s15 =	sshrl.u32 s20, $0x3  }
0x190: {  	[hbm:s21], [sflag:s14] =	dma.local [spmem:s15], $0x5A0  }
0x191: {  	_ =	swait.ge [sflag:s28], $0x5A0  }
0x192: {  	[sflag:s28] =	ssyncset.done $0x0  }
0x193: {  	s16 =	sshrl.u32 s22, $0x3;
	s19 =	rddreg [dreg:$0x18];
	[sflag:s28] =	ssyncadd.s32 $0xFFFFFA60  }
0x194: {  	[hbm:s19], [sflag:s14] =	dma.local [spmem:s16], $0x5A0  }
0x195: {  	_ =	swait.ge [sflag:s28], $0x5A0  }
0x196: {  	[sflag:s28] =	ssyncset.done $0x0  }
0x197: {  	s20 =	sshrl.u32 s23, $0x3;
	s21 =	rddreg [dreg:$0x1a];
	[sflag:s28] =	ssyncadd.s32 $0xFFFFFA60  }
0x198: {  	[hbm:s21], [sflag:s14] =	dma.local [spmem:s20], $0x5A0  }
0x199: {  	_ =	swait.ge [sflag:s28], $0x5A0  }
0x19a: {  	[sflag:s28] =	ssyncset.done $0x0  }
0x19b: {  	s16 =	sshrl.u32 s24, $0x3;
	s19 =	rddreg [dreg:$0x1c];
	[sflag:s28] =	ssyncadd.s32 $0xFFFFFA60  }
0x19c: {  	[hbm:s19], [sflag:s14] =	dma.local [spmem:s16], $0x5A0  }
0x19d: {  	_ =	swait.ge [sflag:s28], $0x5A0  }
0x19e: {  	[sflag:s28] =	ssyncset.done $0x0  }
0x19f: {  	s20 =	sshrl.u32 s25, $0x3;
	s21 =	rddreg [dreg:$0x1e];
	[sflag:s28] =	ssyncadd.s32 $0xFFFFFA60  }
0x1a0: {  	[hbm:s21], [sflag:s14] =	dma.local [spmem:s20], $0x5A0  }
.Ltmp15:
0x1a1: {  	_ = 	snop;
	(pc) =	sbr.rel @p2 .LBB2_18-.Ltmp15, $4  }
.Ltmp16:
0x1a2: {  	_ = 	snop;
	(pc) =	sbr.rel @!p2 .LBB2_19-.Ltmp16, $4  }
0x1a3: {  	_ =	swait.ge [sflag:s28], $0x5A0  }
0x1a4: {  	[sflag:s28] =	ssyncset.done $0x0  }
0x1a5: {  	s15 =	rddreg [dreg:$0x4];
	[sflag:s28] =	ssyncadd.s32 $0xFFFFFA60  }
0x1a6: {  	_ = 	snop  }
.LBB2_20:
0x1a7: {  	_ =	sfence.sel $0x180000  }
0x1a8: {  	[bflag:$0x0] =	sbarrier.arrive $0xFFFF  }
0x1a9: {  	_ =	strace $0x90000047  }
0x1aa: {  	s0 =	stileid.u32;
	[bflag:$0x2] =	sbarrier.arrive $0xFFFF  }
0x1ab: {  	p0 =	sne.s32 s0, $0x0;
	s0 =	rddreg [dreg:$0x3]  }
0x1ac: {  	s0 =	sadd.s32 @!p0 $0x100000, s0  }
0x1ad: {  	[sflag:s0] =	ssyncadd.tile.s32 @!p0 $0x1;
	_ =	shalt  }
.Lfunc_end2:
_tile_overlayer_lowered:
.L_overlay_start_2:
0x1ae: {  	(tag) =	ssettag $0x2  }
0x1af: {  	s0 =	rddreg [dreg:$0x0];
	s2 =	stileid.u32  }
0x1b0: {  	s1 =	rddreg [dreg:$0x1];
	p0 =	sne.s32 s2, $0x0  }
0x1b1: {  	s3 =	rddreg [dreg:$0x2];
	[bflag:$0x3] =	sbarrier.arrive $0xFFFF;
	s2 =	simm.s32 @!p0 $0x1C03  }
0x1b2: {  	[timem:s3], [sflag:s2] =	dma.local @!p0 [hbm:s0], s1  }
0x1b3: {  	s0 =	simm.s32 @!p0 $0x3  }
0x1b4: {  	_ =	swait.ge @!p0 [sflag:s0], s1  }
0x1b5: {  	s1 =	ssub.s32 @!p0 $0x0, s1;
	[sflag:s0] =	ssyncset.done @!p0 $0x0  }
0x1b6: {  	[sflag:s0] =	ssyncadd.s32 @!p0 s1  }
0x1b7: {  	[bflag:$0x3] =	sbarrier.arrive $0xFFFF  }
0x1b8: {  	_ =	shalt  }

</sc_bundles>
